<compile_context>
chip_gen: v7x
topology: tpu7x:2x2x1
jax: 0.10.2.dev20260603
libtpu: 0.0.44.dev20260713+nightly
codegen_flags: <defaults>
</compile_context>

<pallas_src>
import jax
import jax.numpy as jnp
from jax import lax
from jax.experimental import pallas as pl
from jax.experimental.pallas import tpu as pltpu
from jax.experimental.pallas import tpu_sc as plsc

_USER_NUM = 30000
_ITEM_NUM = 20000
_N = _USER_NUM + _ITEM_NUM
_D = 64
_HD = 32
_E = 800000
_MODAL_ADJ_W = 0.2
_RESID_W = 0.5

_NC = 2
_NS = 16
_L = 16

_C = 128
_EPT_CH = -(-_E // (_NS * _C))
_EPT = _EPT_CH * _C
_E_PAD = _EPT * _NS
_N_CH = -(-_N // (_NS * _C))
_STRIPE = _N_CH * _C
_N_PAD = _STRIPE * _NS


def _sc_kernel_body(
    pk_a, pk_i, pk_t,
    tb_base, tb_img, tb_txt,
    scales_hbm,
    out_hbm,
    modal_hbm,
    accum,
    ebuf0, ebuf1,
    ridx,
    vbuf,
    rbuf0, rbuf1,
    wbuf,
    scales_v,
    gsem,
):
  h = lax.axis_index("c")
  s = lax.axis_index("s")
  stripe0 = s * _STRIPE

  pltpu.sync_copy(scales_hbm, scales_v)

  zv = jnp.zeros((_L,), jnp.float32)

  @pl.loop(0, _C)
  def _zero_wbuf(r):
    wbuf[r, pl.ds(0, _L)] = zv
    wbuf[r, pl.ds(_L, _L)] = zv

  @pl.loop(0, _N_CH)
  def _zero_accum(k):
    pltpu.sync_copy(wbuf, accum.at[pl.ds(stripe0 + k * _C, _C)])

  plsc.subcore_barrier()

  def emit_pass(packed_hbm, table_hbm, scale_row, half_rows):
    scale_v = scales_v[scale_row]
    hoff = jnp.full((_L,), h * half_rows, jnp.int32)
    ch0 = s * _EPT_CH

    def fire(g, eb, rb):
      off = (ch0 + g) * (3 * _C)
      pltpu.sync_copy(packed_hbm.at[pl.ds(off, 3 * _C)], eb)
      for j in range(_C // _L):
        eb[pl.ds(j * _L, _L)] = eb[pl.ds(j * _L, _L)] + hoff
      pltpu.async_copy(table_hbm.at[eb.at[pl.ds(0, _C)]], rb, gsem)

    def finish(eb, rb):
      pltpu.make_async_copy(
          table_hbm.at[eb.at[pl.ds(0, _C)]], rb, gsem).wait()

    def crunch(eb, rb):
      @pl.loop(0, _C // _L)
      def _grp(grp):
        o = grp * _L
        vv = plsc.bitcast(eb[pl.ds(2 * _C + o, _L)], jnp.float32)
        vbuf[pl.ds(o, _L)] = vv * scale_v
        ridx[pl.ds(o, _L)] = eb[pl.ds(_C + o, _L)]
        for i in range(_L):
          e = o + i
          vb = plsc.load_gather(vbuf, [jnp.full((_L,), e, jnp.int32)])
          rb[e, pl.ds(0, _L)] = rb[e, pl.ds(0, _L)] * vb
          rb[e, pl.ds(_L, _L)] = rb[e, pl.ds(_L, _L)] * vb

      pltpu.sync_copy(rb, accum.at[ridx], add=True)

    @pl.loop(0, _EPT_CH)
    def _chunks(g):
      fire(g, ebuf0, rbuf0)
      finish(ebuf0, rbuf0)
      crunch(ebuf0, rbuf0)

  emit_pass(pk_a, tb_base, 0, _N)
  emit_pass(pk_i, tb_img, 1, _N)
  emit_pass(pk_t, tb_txt, 2, _N)
  plsc.subcore_barrier()

  hN = h * _N_PAD

  @pl.loop(0, _N_CH)
  def _modal_out(k):
    base = stripe0 + k * _C
    pltpu.sync_copy(accum.at[pl.ds(base, _C)], wbuf)
    pltpu.sync_copy(wbuf, modal_hbm.at[pl.ds(hN + base, _C)])

    @pl.loop(0, _C)
    def _scale(r):
      wbuf[r, pl.ds(0, _L)] = wbuf[r, pl.ds(0, _L)] * (1.0 + _RESID_W)
      wbuf[r, pl.ds(_L, _L)] = wbuf[r, pl.ds(_L, _L)] * (1.0 + _RESID_W)

    pltpu.sync_copy(wbuf, accum.at[pl.ds(base, _C)])

  plsc.subcore_barrier()

  emit_pass(pk_a, modal_hbm, 3, _N_PAD)
  plsc.subcore_barrier()

  @pl.loop(0, _N_CH)
  def _final_out(k):
    base = stripe0 + k * _C
    pltpu.sync_copy(accum.at[pl.ds(base, _C)], wbuf)
    pltpu.sync_copy(wbuf, out_hbm.at[h, pl.ds(base, _C)])


def _sc_spmm(pk_a, pk_i, pk_t, tb_base, tb_img, tb_txt, scales):
  mesh = plsc.VectorSubcoreMesh(
      core_axis_name="c", subcore_axis_name="s",
      num_cores=_NC, num_subcores=_NS)
  fn = pl.kernel(
      _sc_kernel_body,
      out_type=[
          jax.ShapeDtypeStruct((_NC, _N_PAD, _HD), jnp.float32),
          jax.ShapeDtypeStruct((_NC * _N_PAD, _HD), jnp.float32),
      ],
      mesh=mesh,
      compiler_params=pltpu.CompilerParams(
          needs_layout_passes=False, use_tc_tiling_on_sc=False),
      scratch_types=[
          pltpu.VMEM_SHARED((_N_PAD, _HD), jnp.float32),
          pltpu.VMEM((3 * _C,), jnp.int32),
          pltpu.VMEM((3 * _C,), jnp.int32),
          pltpu.VMEM((_C,), jnp.int32),
          pltpu.VMEM((_C,), jnp.float32),
          pltpu.VMEM((_C, _HD), jnp.float32),
          pltpu.VMEM((_C, _HD), jnp.float32),
          pltpu.VMEM((_C, _HD), jnp.float32),
          pltpu.VMEM((4, _L), jnp.float32),
          pltpu.SemaphoreType.DMA,
      ],
  )
  out, _ = fn(pk_a, pk_i, pk_t, tb_base, tb_img, tb_txt, scales)
  return out


def _proj_body(x_ref, w_ref, b_ref, o_ref):
  y = jnp.dot(x_ref[...], w_ref[...], preferred_element_type=jnp.float32)
  y = y + b_ref[...]
  norm = jnp.sqrt(jnp.sum(y * y, axis=1, keepdims=True))
  o_ref[...] = y / jnp.maximum(norm, 1e-12)


def _proj_l2(x, w, b):
  m, k = x.shape
  bm = 400
  return pl.pallas_call(
      _proj_body,
      grid=(m // bm,),
      in_specs=[
          pl.BlockSpec((bm, k), lambda i: (i, 0)),
          pl.BlockSpec((k, _D), lambda i: (0, 0)),
          pl.BlockSpec((1, _D), lambda i: (0, 0)),
      ],
      out_specs=pl.BlockSpec((bm, _D), lambda i: (i, 0)),
      out_shape=jax.ShapeDtypeStruct((m, _D), jnp.float32),
  )(x, w, b.reshape(1, _D))


def _pack_edges(indices, values):
  pad = _E_PAD + _C - _E
  rows = jnp.pad(indices[0], (0, pad)).reshape(-1, _C)
  cols = jnp.pad(indices[1], (0, pad)).reshape(-1, _C)
  vals = jax.lax.bitcast_convert_type(
      jnp.pad(values, (0, pad)), jnp.int32).reshape(-1, _C)
  return jnp.stack([cols, rows, vals], axis=1).reshape(-1)


def _halves_table(top, bot):
  return jnp.concatenate(
      [top[:, :_HD], bot[:, :_HD], top[:, _HD:], bot[:, _HD:]], axis=0)


def kernel(adj_indices, adj_values, image_adj_indices, image_adj_values,
           text_adj_indices, text_adj_values, u_embs, i_embs,
           image_embedding, text_embedding, image_W, image_b,
           text_W, text_b, modal_weight):
  img_feats = _proj_l2(image_embedding, image_W, image_b)
  txt_feats = _proj_l2(text_embedding, text_W, text_b)

  weight = jax.nn.softmax(modal_weight, axis=-1)
  ones = jnp.ones((_L,), jnp.float32)
  scales = jnp.stack([
      ones,
      _MODAL_ADJ_W * weight[0] * ones,
      _MODAL_ADJ_W * weight[1] * ones,
      ones,
  ])

  tb_base = _halves_table(u_embs, i_embs)
  tb_img = _halves_table(u_embs, img_feats)
  tb_txt = _halves_table(u_embs, txt_feats)

  pk_a = _pack_edges(adj_indices, adj_values)
  pk_i = _pack_edges(image_adj_indices, image_adj_values)
  pk_t = _pack_edges(text_adj_indices, text_adj_values)

  out = _sc_spmm(pk_a, pk_i, pk_t, tb_base, tb_img, tb_txt, scales)

  final = jnp.concatenate([out[0, :_N, :], out[1, :_N, :]], axis=1)
  return final[:_USER_NUM], final[_USER_NUM:]

# --- scband reference (transcript-rebuilt; emitter-appended) ---
"""Pipeline reference for scband-model-29618094473950 (READ-ONLY COPY).

The authoritative reference and input builder live on the scoring server;
editing this copy changes nothing except your own understanding.
"""

import jax, jax.numpy as jnp
import numpy as np

USER_NUM = 30000
ITEM_NUM = 20000
N = USER_NUM + ITEM_NUM
LATDIM = 64
IMG_DIM = 512
TXT_DIM = 768
E = 800000
MODAL_ADJ_W = 0.2
RESID_W = 0.5


def _xavier(key, shape):
    fan_in, fan_out = shape[0], shape[1]
    a = float(np.sqrt(6.0 / (fan_in + fan_out)))
    return jax.random.uniform(key, shape, dtype=jnp.float32, minval=-a, maxval=a)


def setup_inputs(seed: int = 0) -> dict:
    key = jax.random.key(seed)
    ks = jax.random.split(key, 16)
    adj_indices = jax.random.randint(ks[0], (2, E), 0, N, dtype=jnp.int32)
    adj_values = jax.random.uniform(ks[1], (E,), dtype=jnp.float32) / 16.0
    image_adj_indices = jax.random.randint(ks[2], (2, E), 0, N, dtype=jnp.int32)
    image_adj_values = jax.random.uniform(ks[3], (E,), dtype=jnp.float32) / 16.0
    text_adj_indices = jax.random.randint(ks[4], (2, E), 0, N, dtype=jnp.int32)
    text_adj_values = jax.random.uniform(ks[5], (E,), dtype=jnp.float32) / 16.0
    u_embs = _xavier(ks[6], (USER_NUM, LATDIM))
    i_embs = _xavier(ks[7], (ITEM_NUM, LATDIM))
    image_embedding = jax.random.normal(ks[8], (ITEM_NUM, IMG_DIM), dtype=jnp.float32)
    text_embedding = jax.random.normal(ks[9], (ITEM_NUM, TXT_DIM), dtype=jnp.float32)
    image_W = _xavier(ks[10], (IMG_DIM, LATDIM))
    image_b = jnp.zeros((LATDIM,), dtype=jnp.float32)
    text_W = _xavier(ks[11], (TXT_DIM, LATDIM))
    text_b = jnp.zeros((LATDIM,), dtype=jnp.float32)
    modal_weight = jnp.array([0.5, 0.5], dtype=jnp.float32)
    return {
        'adj_indices': adj_indices, 'adj_values': adj_values,
        'image_adj_indices': image_adj_indices, 'image_adj_values': image_adj_values,
        'text_adj_indices': text_adj_indices, 'text_adj_values': text_adj_values,
        'u_embs': u_embs, 'i_embs': i_embs,
        'image_embedding': image_embedding, 'text_embedding': text_embedding,
        'image_W': image_W, 'image_b': image_b,
        'text_W': text_W, 'text_b': text_b,
        'modal_weight': modal_weight,
    }


def _spmm(indices, values, x):
    rows = indices[0]
    cols = indices[1]
    msgs = values[:, None] * jnp.take(x, cols, axis=0)
    return jax.ops.segment_sum(msgs, rows, num_segments=x.shape[0])


def _l2_normalize(x):
    norm = jnp.linalg.norm(x, axis=1, keepdims=True)
    return x / jnp.maximum(norm, 1e-12)


def reference(adj_indices, adj_values, image_adj_indices, image_adj_values,
              text_adj_indices, text_adj_values, u_embs, i_embs,
              image_embedding, text_embedding, image_W, image_b,
              text_W, text_b, modal_weight):
    # trans == 1: linear projections for modal features
    image_feats = image_embedding @ image_W + image_b
    text_feats = text_embedding @ text_W + text_b
    weight = jax.nn.softmax(modal_weight, axis=-1)

    image_adj_embs = jnp.concatenate([u_embs, _l2_normalize(image_feats)], axis=0)
    image_adj_embs = _spmm(image_adj_indices, image_adj_values, image_adj_embs)
    image_aware_embs = jnp.concatenate([u_embs, i_embs], axis=0)
    image_aware_embs = _spmm(adj_indices, adj_values, image_aware_embs)

    text_adj_embs = jnp.concatenate([u_embs, _l2_normalize(text_feats)], axis=0)
    text_adj_embs = _spmm(text_adj_indices, text_adj_values, text_adj_embs)
    text_aware_embs = jnp.concatenate([u_embs, i_embs], axis=0)
    text_aware_embs = _spmm(adj_indices, adj_values, text_aware_embs)

    image_aware_embs = image_aware_embs + MODAL_ADJ_W * image_adj_embs
    text_aware_embs = text_aware_embs + MODAL_ADJ_W * text_adj_embs

    modal_embs = weight[0] * image_aware_embs + weight[1] * text_aware_embs
    final_embs = modal_embs
    embs_list = [final_embs]
    final_embs = _spmm(adj_indices, adj_values, embs_list[-1])
    embs_list.append(final_embs)
    final_embs = jnp.stack(embs_list).sum(axis=0)
    final_embs = final_embs + RESID_W * modal_embs
    return final_embs[:USER_NUM], final_embs[USER_NUM:]

if __name__ == "__main__":
    import jax
    _d = setup_inputs()
    print(jax.jit(kernel)(*tuple(_d.values())))

</pallas_src>

<mosaic_0001>
#map = affine_map<(d0, d1) -> (0)>
#map1 = affine_map<(d0, d1) -> (0, 0)>
#map2 = affine_map<(d0, d1) -> (0, 0, 0)>
module attributes {stable_mosaic.version = 14 : i64} {
  func.func @_sc_kernel_body(%arg0: i32, %arg1: i32, %arg2: memref<2402688xi32, #tpu.memory_space<hbm>>, %arg3: memref<2402688xi32, #tpu.memory_space<hbm>>, %arg4: memref<2402688xi32, #tpu.memory_space<hbm>>, %arg5: memref<100000x32xf32, #tpu.memory_space<hbm>>, %arg6: memref<100000x32xf32, #tpu.memory_space<hbm>>, %arg7: memref<100000x32xf32, #tpu.memory_space<hbm>>, %arg8: memref<4x16xf32, #tpu.memory_space<hbm>>, %arg9: memref<2x51200x32xf32, #tpu.memory_space<hbm>>, %arg10: memref<102400x32xf32, #tpu.memory_space<hbm>>, %arg11: memref<51200x32xf32, #tpu.memory_space<vmem_shared>>, %arg12: memref<384xi32, #tpu.memory_space<vmem>>, %arg13: memref<384xi32, #tpu.memory_space<vmem>>, %arg14: memref<128xi32, #tpu.memory_space<vmem>>, %arg15: memref<128xf32, #tpu.memory_space<vmem>>, %arg16: memref<128x32xf32, #tpu.memory_space<vmem>>, %arg17: memref<128x32xf32, #tpu.memory_space<vmem>>, %arg18: memref<128x32xf32, #tpu.memory_space<vmem>>, %arg19: memref<4x16xf32, #tpu.memory_space<vmem>>, %arg20: memref<!tpu.dma_semaphore, #tpu.memory_space<semaphore_mem>>) attributes {dimension_semantics = [#tpu.dimension_semantics<core_parallel>, #tpu.dimension_semantics<subcore_parallel>], iteration_bounds = array<i64: 2, 16>, scalar_prefetch = 0 : i64, scratch_operands = 10 : i64, tpu.core_type = #tpu.core_type<sc_vector_subcore>, window_params = [{transform_indices = #map}, {transform_indices = #map}, {transform_indices = #map}, {transform_indices = #map1}, {transform_indices = #map1}, {transform_indices = #map1}, {transform_indices = #map1}, {transform_indices = #map2}, {transform_indices = #map1}]} {
    %mul3A = arith.constant 3200 : i32
    %mul3A_0 = arith.muli %arg1, %mul3A : i32
    "tpu.region"() ({
      %run_scoped3A = tpu.sem_alloc : memref<!tpu.dma_semaphore, #tpu.memory_space<semaphore_mem>>
      tpu.enqueue_dma source(%arg8 : memref<4x16xf32, #tpu.memory_space<hbm>>) target(%arg19 : memref<4x16xf32, #tpu.memory_space<vmem>>) target_semaphore(%run_scoped3A : memref<!tpu.dma_semaphore, #tpu.memory_space<semaphore_mem>>)
      tpu.wait_dma2 semaphore(%run_scoped3A : memref<!tpu.dma_semaphore, #tpu.memory_space<semaphore_mem>>) src(%arg8 : memref<4x16xf32, #tpu.memory_space<hbm>>) dst(%arg19 : memref<4x16xf32, #tpu.memory_space<vmem>>)
      tpu.yield
    }) : () -> ()
    %broadcast_in_dim3A = arith.constant 0.000000e+00 : f32
    %broadcast_in_dim3A_1 = vector.broadcast %broadcast_in_dim3A : f32 to vector<16xf32>
    %scan3A = arith.constant 0 : i32
    %scan3A_2 = arith.constant 128 : i32
    %scan3A_3 = arith.addi %scan3A, %scan3A_2 : i32
    %scan3A_4 = arith.constant 1 : i32
    scf.for %scan3A_81 = %scan3A to %scan3A_3 step %scan3A_4  : i32 {
      %mul3A_82 = arith.constant 1 : i32
      %mul3A_83 = arith.muli %scan3A_81, %mul3A_82 : i32
      %add3A = arith.constant 0 : i32
      %add3A_84 = arith.addi %add3A, %mul3A_83 : i32
      %swap3A = arith.index_cast %add3A_84 : i32 to index
      %swap3A_85 = arith.constant 0 : index
      %swap3A_86 = tpu.vector_load %arg18[%swap3A, %swap3A_85] {strides = array<i32>} : memref<128x32xf32, #tpu.memory_space<vmem>>, vector<16xf32>,
      tpu.vector_store %arg18[%swap3A, %swap3A_85], %broadcast_in_dim3A_1 {strides = array<i32>} : memref<128x32xf32, #tpu.memory_space<vmem>>, vector<16xf32>,
      %swap3A_87 = arith.index_cast %add3A_84 : i32 to index
      %swap3A_88 = arith.constant 16 : index
      %swap3A_89 = tpu.vector_load %arg18[%swap3A_87, %swap3A_88] {strides = array<i32>} : memref<128x32xf32, #tpu.memory_space<vmem>>, vector<16xf32>,
      tpu.vector_store %arg18[%swap3A_87, %swap3A_88], %broadcast_in_dim3A_1 {strides = array<i32>} : memref<128x32xf32, #tpu.memory_space<vmem>>, vector<16xf32>,
    }
    %scan3A_5 = arith.constant 128 : i32
    %scan3A_6 = arith.constant 0 : i32
    %scan3A_7 = arith.constant 25 : i32
    %scan3A_8 = arith.addi %scan3A_6, %scan3A_7 : i32
    %scan3A_9 = arith.constant 1 : i32
    scf.for %scan3A_81 = %scan3A_6 to %scan3A_8 step %scan3A_9  : i32 {
      %mul3A_82 = arith.constant 1 : i32
      %mul3A_83 = arith.muli %scan3A_81, %mul3A_82 : i32
      %add3A = arith.constant 0 : i32
      %add3A_84 = arith.addi %add3A, %mul3A_83 : i32
      %mul3A_85 = arith.constant 128 : i32
      %mul3A_86 = arith.muli %add3A_84, %mul3A_85 : i32
      %add3A_87 = arith.addi %mul3A_0, %mul3A_86 : i32
      "tpu.region"() ({
        %run_scoped3A = tpu.sem_alloc : memref<!tpu.dma_semaphore, #tpu.memory_space<semaphore_mem>>
        %dma_start3A = arith.constant 0 : i32
        %dma_start3A_88 = tpu.memref_slice %arg11[%add3A_87, %dma_start3A] : memref<51200x32xf32, #tpu.memory_space<vmem_shared>> -> memref<128x32xf32, #tpu.memory_space<vmem_shared>>
        %dma_start3A_89 = arith.constant 0 : i32
        %dma_start3A_90 = tpu.memref_slice %arg11[%add3A_87, %dma_start3A_89] : memref<51200x32xf32, #tpu.memory_space<vmem_shared>> -> memref<128x32xf32, #tpu.memory_space<vmem_shared>>
        tpu.enqueue_dma source(%arg18 : memref<128x32xf32, #tpu.memory_space<vmem>>) target(%dma_start3A_90 : memref<128x32xf32, #tpu.memory_space<vmem_shared>>) target_semaphore(%run_scoped3A : memref<!tpu.dma_semaphore, #tpu.memory_space<semaphore_mem>>)
        %dma_wait3A = arith.constant 0 : i32
        %dma_wait3A_91 = tpu.memref_slice %arg11[%add3A_87, %dma_wait3A] : memref<51200x32xf32, #tpu.memory_space<vmem_shared>> -> memref<128x32xf32, #tpu.memory_space<vmem_shared>>
        %dma_wait3A_92 = arith.constant 0 : i32
        %dma_wait3A_93 = tpu.memref_slice %arg11[%add3A_87, %dma_wait3A_92] : memref<51200x32xf32, #tpu.memory_space<vmem_shared>> -> memref<128x32xf32, #tpu.memory_space<vmem_shared>>
        tpu.wait_dma2 semaphore(%run_scoped3A : memref<!tpu.dma_semaphore, #tpu.memory_space<semaphore_mem>>) src(%arg18 : memref<128x32xf32, #tpu.memory_space<vmem>>) dst(%dma_wait3A_93 : memref<128x32xf32, #tpu.memory_space<vmem_shared>>)
        tpu.yield
      }) : () -> ()
    }
    %scan3A_10 = arith.constant 25 : i32
    %barrier3A = arith.constant 0 : index
    tpu.barrier barrier_id(%barrier3A)
    %get3A = arith.constant 0 : i32
    %get3A_11 = arith.index_cast %get3A : i32 to index
    %get3A_12 = arith.constant 0 : index
    %get3A_13 = tpu.vector_load %arg19[%get3A_11, %get3A_12] {strides = array<i32>} : memref<4x16xf32, #tpu.memory_space<vmem>>, vector<16xf32>,
    %mul3A_14 = arith.constant 50000 : i32
    %mul3A_15 = arith.muli %arg0, %mul3A_14 : i32
    %broadcast_in_dim3A_16 = vector.broadcast %mul3A_15 : i32 to vector<16xi32>
    %mul3A_17 = arith.constant 391 : i32
    %mul3A_18 = arith.muli %arg1, %mul3A_17 : i32
    %scan3A_19 = arith.constant 0 : i32
    %scan3A_20 = arith.constant 391 : i32
    %scan3A_21 = arith.addi %scan3A_19, %scan3A_20 : i32
    %scan3A_22 = arith.constant 1 : i32
    scf.for %scan3A_81 = %scan3A_19 to %scan3A_21 step %scan3A_22  : i32 {
      %mul3A_82 = arith.constant 1 : i32
      %mul3A_83 = arith.muli %scan3A_81, %mul3A_82 : i32
      %add3A = arith.constant 0 : i32
      %add3A_84 = arith.addi %add3A, %mul3A_83 : i32
      %add3A_85 = arith.addi %mul3A_18, %add3A_84 : i32
      %mul3A_86 = arith.constant 384 : i32
      %mul3A_87 = arith.muli %add3A_85, %mul3A_86 : i32
      "tpu.region"() ({
        %run_scoped3A = tpu.sem_alloc : memref<!tpu.dma_semaphore, #tpu.memory_space<semaphore_mem>>
        %dma_start3A_140 = tpu.memref_slice %arg2[%mul3A_87] : memref<2402688xi32, #tpu.memory_space<hbm>> -> memref<384xi32, #tpu.memory_space<hbm>>
        %dma_start3A_141 = tpu.memref_slice %arg2[%mul3A_87] : memref<2402688xi32, #tpu.memory_space<hbm>> -> memref<384xi32, #tpu.memory_space<hbm>>
        tpu.enqueue_dma source(%dma_start3A_141 : memref<384xi32, #tpu.memory_space<hbm>>) target(%arg12 : memref<384xi32, #tpu.memory_space<vmem>>) target_semaphore(%run_scoped3A : memref<!tpu.dma_semaphore, #tpu.memory_space<semaphore_mem>>)
        %dma_wait3A_142 = tpu.memref_slice %arg2[%mul3A_87] : memref<2402688xi32, #tpu.memory_space<hbm>> -> memref<384xi32, #tpu.memory_space<hbm>>
        %dma_wait3A_143 = tpu.memref_slice %arg2[%mul3A_87] : memref<2402688xi32, #tpu.memory_space<hbm>> -> memref<384xi32, #tpu.memory_space<hbm>>
        tpu.wait_dma2 semaphore(%run_scoped3A : memref<!tpu.dma_semaphore, #tpu.memory_space<semaphore_mem>>) src(%dma_wait3A_143 : memref<384xi32, #tpu.memory_space<hbm>>) dst(%arg12 : memref<384xi32, #tpu.memory_space<vmem>>)
        tpu.yield
      }) : () -> ()
      %get3A_88 = arith.constant 0 : index
      %get3A_89 = tpu.vector_load %arg12[%get3A_88] {strides = array<i32>} : memref<384xi32, #tpu.memory_space<vmem>>, vector<16xi32>,
      %add3A_90 = arith.addi %get3A_89, %broadcast_in_dim3A_16 : vector<16xi32>
      %swap3A = arith.constant 0 : index
      %swap3A_91 = tpu.vector_load %arg12[%swap3A] {strides = array<i32>} : memref<384xi32, #tpu.memory_space<vmem>>, vector<16xi32>,
      tpu.vector_store %arg12[%swap3A], %add3A_90 {strides = array<i32>} : memref<384xi32, #tpu.memory_space<vmem>>, vector<16xi32>,
      %get3A_92 = arith.constant 16 : index
      %get3A_93 = tpu.vector_load %arg12[%get3A_92] {strides = array<i32>} : memref<384xi32, #tpu.memory_space<vmem>>, vector<16xi32>,
      %add3A_94 = arith.addi %get3A_93, %broadcast_in_dim3A_16 : vector<16xi32>
      %swap3A_95 = arith.constant 16 : index
      %swap3A_96 = tpu.vector_load %arg12[%swap3A_95] {strides = array<i32>} : memref<384xi32, #tpu.memory_space<vmem>>, vector<16xi32>,
      tpu.vector_store %arg12[%swap3A_95], %add3A_94 {strides = array<i32>} : memref<384xi32, #tpu.memory_space<vmem>>, vector<16xi32>,
      %get3A_97 = arith.constant 32 : index
      %get3A_98 = tpu.vector_load %arg12[%get3A_97] {strides = array<i32>} : memref<384xi32, #tpu.memory_space<vmem>>, vector<16xi32>,
      %add3A_99 = arith.addi %get3A_98, %broadcast_in_dim3A_16 : vector<16xi32>
      %swap3A_100 = arith.constant 32 : index
      %swap3A_101 = tpu.vector_load %arg12[%swap3A_100] {strides = array<i32>} : memref<384xi32, #tpu.memory_space<vmem>>, vector<16xi32>,
      tpu.vector_store %arg12[%swap3A_100], %add3A_99 {strides = array<i32>} : memref<384xi32, #tpu.memory_space<vmem>>, vector<16xi32>,
      %get3A_102 = arith.constant 48 : index
      %get3A_103 = tpu.vector_load %arg12[%get3A_102] {strides = array<i32>} : memref<384xi32, #tpu.memory_space<vmem>>, vector<16xi32>,
      %add3A_104 = arith.addi %get3A_103, %broadcast_in_dim3A_16 : vector<16xi32>
      %swap3A_105 = arith.constant 48 : index
      %swap3A_106 = tpu.vector_load %arg12[%swap3A_105] {strides = array<i32>} : memref<384xi32, #tpu.memory_space<vmem>>, vector<16xi32>,
      tpu.vector_store %arg12[%swap3A_105], %add3A_104 {strides = array<i32>} : memref<384xi32, #tpu.memory_space<vmem>>, vector<16xi32>,
      %get3A_107 = arith.constant 64 : index
      %get3A_108 = tpu.vector_load %arg12[%get3A_107] {strides = array<i32>} : memref<384xi32, #tpu.memory_space<vmem>>, vector<16xi32>,
      %add3A_109 = arith.addi %get3A_108, %broadcast_in_dim3A_16 : vector<16xi32>
      %swap3A_110 = arith.constant 64 : index
      %swap3A_111 = tpu.vector_load %arg12[%swap3A_110] {strides = array<i32>} : memref<384xi32, #tpu.memory_space<vmem>>, vector<16xi32>,
      tpu.vector_store %arg12[%swap3A_110], %add3A_109 {strides = array<i32>} : memref<384xi32, #tpu.memory_space<vmem>>, vector<16xi32>,
      %get3A_112 = arith.constant 80 : index
      %get3A_113 = tpu.vector_load %arg12[%get3A_112] {strides = array<i32>} : memref<384xi32, #tpu.memory_space<vmem>>, vector<16xi32>,
      %add3A_114 = arith.addi %get3A_113, %broadcast_in_dim3A_16 : vector<16xi32>
      %swap3A_115 = arith.constant 80 : index
      %swap3A_116 = tpu.vector_load %arg12[%swap3A_115] {strides = array<i32>} : memref<384xi32, #tpu.memory_space<vmem>>, vector<16xi32>,
      tpu.vector_store %arg12[%swap3A_115], %add3A_114 {strides = array<i32>} : memref<384xi32, #tpu.memory_space<vmem>>, vector<16xi32>,
      %get3A_117 = arith.constant 96 : index
      %get3A_118 = tpu.vector_load %arg12[%get3A_117] {strides = array<i32>} : memref<384xi32, #tpu.memory_space<vmem>>, vector<16xi32>,
      %add3A_119 = arith.addi %get3A_118, %broadcast_in_dim3A_16 : vector<16xi32>
      %swap3A_120 = arith.constant 96 : index
      %swap3A_121 = tpu.vector_load %arg12[%swap3A_120] {strides = array<i32>} : memref<384xi32, #tpu.memory_space<vmem>>, vector<16xi32>,
      tpu.vector_store %arg12[%swap3A_120], %add3A_119 {strides = array<i32>} : memref<384xi32, #tpu.memory_space<vmem>>, vector<16xi32>,
      %get3A_122 = arith.constant 112 : index
      %get3A_123 = tpu.vector_load %arg12[%get3A_122] {strides = array<i32>} : memref<384xi32, #tpu.memory_space<vmem>>, vector<16xi32>,
      %add3A_124 = arith.addi %get3A_123, %broadcast_in_dim3A_16 : vector<16xi32>
      %swap3A_125 = arith.constant 112 : index
      %swap3A_126 = tpu.vector_load %arg12[%swap3A_125] {strides = array<i32>} : memref<384xi32, #tpu.memory_space<vmem>>, vector<16xi32>,
      tpu.vector_store %arg12[%swap3A_125], %add3A_124 {strides = array<i32>} : memref<384xi32, #tpu.memory_space<vmem>>, vector<16xi32>,
      %dma_start3A = arith.constant 0 : i32
      %dma_start3A_127 = tpu.memref_slice %arg12[%dma_start3A] : memref<384xi32, #tpu.memory_space<vmem>> -> memref<128xi32, #tpu.memory_space<vmem>>
      %dma_start3A_128 = arith.constant 0 : i32
      %dma_start3A_129 = arith.constant 0 : i32
      %dma_start3A_130 = tpu.memref_slice %arg5[%dma_start3A_128, %dma_start3A_129] : memref<100000x32xf32, #tpu.memory_space<hbm>> -> memref<100000x32xf32, #tpu.memory_space<hbm>>
      tpu.enqueue_indirect_dma source(%dma_start3A_130 : memref<100000x32xf32, #tpu.memory_space<hbm>>) target(%arg16 : memref<128x32xf32, #tpu.memory_space<vmem>>) offsets(%dma_start3A_127 : memref<128xi32, #tpu.memory_space<vmem>>) semaphore(%arg20 : memref<!tpu.dma_semaphore, #tpu.memory_space<semaphore_mem>>)
      %dma_wait3A = arith.constant 0 : i32
      %dma_wait3A_131 = tpu.memref_slice %arg12[%dma_wait3A] : memref<384xi32, #tpu.memory_space<vmem>> -> memref<128xi32, #tpu.memory_space<vmem>>
      %dma_wait3A_132 = arith.constant 0 : i32
      %dma_wait3A_133 = arith.constant 0 : i32
      %dma_wait3A_134 = tpu.memref_slice %arg5[%dma_wait3A_132, %dma_wait3A_133] : memref<100000x32xf32, #tpu.memory_space<hbm>> -> memref<100000x32xf32, #tpu.memory_space<hbm>>
      tpu.wait_indirect_dma semaphore(%arg20 : memref<!tpu.dma_semaphore, #tpu.memory_space<semaphore_mem>>) src(%dma_wait3A_134 : memref<100000x32xf32, #tpu.memory_space<hbm>>) dst(%arg16 : memref<128x32xf32, #tpu.memory_space<vmem>>)
      %scan3A_135 = arith.constant 0 : i32
      %scan3A_136 = arith.constant 8 : i32
      %scan3A_137 = arith.addi %scan3A_135, %scan3A_136 : i32
      %scan3A_138 = arith.constant 1 : i32
      scf.for %scan3A_140 = %scan3A_135 to %scan3A_137 step %scan3A_138  : i32 {
        %mul3A_141 = arith.constant 1 : i32
        %mul3A_142 = arith.muli %scan3A_140, %mul3A_141 : i32
        %add3A_143 = arith.constant 0 : i32
        %add3A_144 = arith.addi %add3A_143, %mul3A_142 : i32
        %mul3A_145 = arith.constant 16 : i32
        %mul3A_146 = arith.muli %add3A_144, %mul3A_145 : i32
        %add3A_147 = arith.constant 256 : i32
        %add3A_148 = arith.addi %add3A_147, %mul3A_146 : i32
        %get3A_149 = arith.index_cast %add3A_148 : i32 to index
        %get3A_150 = tpu.vector_load %arg12[%get3A_149] {strides = array<i32>} : memref<384xi32, #tpu.memory_space<vmem>>, vector<16xi32>,
        %bitcast3A = vector.bitcast %get3A_150 : vector<16xi32> to vector<16xf32>
        %mul3A_151 = arith.mulf %bitcast3A, %get3A_13 : vector<16xf32>
        %swap3A_152 = arith.index_cast %mul3A_146 : i32 to index
        %swap3A_153 = tpu.vector_load %arg15[%swap3A_152] {strides = array<i32>} : memref<128xf32, #tpu.memory_space<vmem>>, vector<16xf32>,
        tpu.vector_store %arg15[%swap3A_152], %mul3A_151 {strides = array<i32>} : memref<128xf32, #tpu.memory_space<vmem>>, vector<16xf32>,
        %add3A_154 = arith.constant 128 : i32
        %add3A_155 = arith.addi %add3A_154, %mul3A_146 : i32
        %get3A_156 = arith.index_cast %add3A_155 : i32 to index
        %get3A_157 = tpu.vector_load %arg12[%get3A_156] {strides = array<i32>} : memref<384xi32, #tpu.memory_space<vmem>>, vector<16xi32>,
        %swap3A_158 = arith.index_cast %mul3A_146 : i32 to index
        %swap3A_159 = tpu.vector_load %arg14[%swap3A_158] {strides = array<i32>} : memref<128xi32, #tpu.memory_space<vmem>>, vector<16xi32>,
        tpu.vector_store %arg14[%swap3A_158], %get3A_157 {strides = array<i32>} : memref<128xi32, #tpu.memory_space<vmem>>, vector<16xi32>,
        %add3A_160 = arith.constant 0 : i32
        %add3A_161 = arith.addi %mul3A_146, %add3A_160 : i32
        %broadcast_in_dim3A_162 = vector.broadcast %add3A_161 : i32 to vector<16xi32>
        %gather3A = tpu.vector_load_idx %arg15[%broadcast_in_dim3A_162] : memref<128xf32, #tpu.memory_space<vmem>>[vector<16xi32>], vector<16xf32>,
        %get3A_163 = arith.index_cast %add3A_161 : i32 to index
        %get3A_164 = arith.constant 0 : index
        %get3A_165 = tpu.vector_load %arg16[%get3A_163, %get3A_164] {strides = array<i32>} : memref<128x32xf32, #tpu.memory_space<vmem>>, vector<16xf32>,
        %mul3A_166 = arith.mulf %get3A_165, %gather3A : vector<16xf32>
        %swap3A_167 = arith.index_cast %add3A_161 : i32 to index
        %swap3A_168 = arith.constant 0 : index
        %swap3A_169 = tpu.vector_load %arg16[%swap3A_167, %swap3A_168] {strides = array<i32>} : memref<128x32xf32, #tpu.memory_space<vmem>>, vector<16xf32>,
        tpu.vector_store %arg16[%swap3A_167, %swap3A_168], %mul3A_166 {strides = array<i32>} : memref<128x32xf32, #tpu.memory_space<vmem>>, vector<16xf32>,
        %get3A_170 = arith.index_cast %add3A_161 : i32 to index
        %get3A_171 = arith.constant 16 : index
        %get3A_172 = tpu.vector_load %arg16[%get3A_170, %get3A_171] {strides = array<i32>} : memref<128x32xf32, #tpu.memory_space<vmem>>, vector<16xf32>,
        %mul3A_173 = arith.mulf %get3A_172, %gather3A : vector<16xf32>
        %swap3A_174 = arith.index_cast %add3A_161 : i32 to index
        %swap3A_175 = arith.constant 16 : index
        %swap3A_176 = tpu.vector_load %arg16[%swap3A_174, %swap3A_175] {strides = array<i32>} : memref<128x32xf32, #tpu.memory_space<vmem>>, vector<16xf32>,
        tpu.vector_store %arg16[%swap3A_174, %swap3A_175], %mul3A_173 {strides = array<i32>} : memref<128x32xf32, #tpu.memory_space<vmem>>, vector<16xf32>,
        %add3A_177 = arith.constant 1 : i32
        %add3A_178 = arith.addi %mul3A_146, %add3A_177 : i32
        %broadcast_in_dim3A_179 = vector.broadcast %add3A_178 : i32 to vector<16xi32>
        %gather3A_180 = tpu.vector_load_idx %arg15[%broadcast_in_dim3A_179] : memref<128xf32, #tpu.memory_space<vmem>>[vector<16xi32>], vector<16xf32>,
        %get3A_181 = arith.index_cast %add3A_178 : i32 to index
        %get3A_182 = arith.constant 0 : index
        %get3A_183 = tpu.vector_load %arg16[%get3A_181, %get3A_182] {strides = array<i32>} : memref<128x32xf32, #tpu.memory_space<vmem>>, vector<16xf32>,
        %mul3A_184 = arith.mulf %get3A_183, %gather3A_180 : vector<16xf32>
        %swap3A_185 = arith.index_cast %add3A_178 : i32 to index
        %swap3A_186 = arith.constant 0 : index
        %swap3A_187 = tpu.vector_load %arg16[%swap3A_185, %swap3A_186] {strides = array<i32>} : memref<128x32xf32, #tpu.memory_space<vmem>>, vector<16xf32>,
        tpu.vector_store %arg16[%swap3A_185, %swap3A_186], %mul3A_184 {strides = array<i32>} : memref<128x32xf32, #tpu.memory_space<vmem>>, vector<16xf32>,
        %get3A_188 = arith.index_cast %add3A_178 : i32 to index
        %get3A_189 = arith.constant 16 : index
        %get3A_190 = tpu.vector_load %arg16[%get3A_188, %get3A_189] {strides = array<i32>} : memref<128x32xf32, #tpu.memory_space<vmem>>, vector<16xf32>,
        %mul3A_191 = arith.mulf %get3A_190, %gather3A_180 : vector<16xf32>
        %swap3A_192 = arith.index_cast %add3A_178 : i32 to index
        %swap3A_193 = arith.constant 16 : index
        %swap3A_194 = tpu.vector_load %arg16[%swap3A_192, %swap3A_193] {strides = array<i32>} : memref<128x32xf32, #tpu.memory_space<vmem>>, vector<16xf32>,
        tpu.vector_store %arg16[%swap3A_192, %swap3A_193], %mul3A_191 {strides = array<i32>} : memref<128x32xf32, #tpu.memory_space<vmem>>, vector<16xf32>,
        %add3A_195 = arith.constant 2 : i32
        %add3A_196 = arith.addi %mul3A_146, %add3A_195 : i32
        %broadcast_in_dim3A_197 = vector.broadcast %add3A_196 : i32 to vector<16xi32>
        %gather3A_198 = tpu.vector_load_idx %arg15[%broadcast_in_dim3A_197] : memref<128xf32, #tpu.memory_space<vmem>>[vector<16xi32>], vector<16xf32>,
        %get3A_199 = arith.index_cast %add3A_196 : i32 to index
        %get3A_200 = arith.constant 0 : index
        %get3A_201 = tpu.vector_load %arg16[%get3A_199, %get3A_200] {strides = array<i32>} : memref<128x32xf32, #tpu.memory_space<vmem>>, vector<16xf32>,
        %mul3A_202 = arith.mulf %get3A_201, %gather3A_198 : vector<16xf32>
        %swap3A_203 = arith.index_cast %add3A_196 : i32 to index
        %swap3A_204 = arith.constant 0 : index
        %swap3A_205 = tpu.vector_load %arg16[%swap3A_203, %swap3A_204] {strides = array<i32>} : memref<128x32xf32, #tpu.memory_space<vmem>>, vector<16xf32>,
        tpu.vector_store %arg16[%swap3A_203, %swap3A_204], %mul3A_202 {strides = array<i32>} : memref<128x32xf32, #tpu.memory_space<vmem>>, vector<16xf32>,
        %get3A_206 = arith.index_cast %add3A_196 : i32 to index
        %get3A_207 = arith.constant 16 : index
        %get3A_208 = tpu.vector_load %arg16[%get3A_206, %get3A_207] {strides = array<i32>} : memref<128x32xf32, #tpu.memory_space<vmem>>, vector<16xf32>,
        %mul3A_209 = arith.mulf %get3A_208, %gather3A_198 : vector<16xf32>
        %swap3A_210 = arith.index_cast %add3A_196 : i32 to index
        %swap3A_211 = arith.constant 16 : index
        %swap3A_212 = tpu.vector_load %arg16[%swap3A_210, %swap3A_211] {strides = array<i32>} : memref<128x32xf32, #tpu.memory_space<vmem>>, vector<16xf32>,
        tpu.vector_store %arg16[%swap3A_210, %swap3A_211], %mul3A_209 {strides = array<i32>} : memref<128x32xf32, #tpu.memory_space<vmem>>, vector<16xf32>,
        %add3A_213 = arith.constant 3 : i32
        %add3A_214 = arith.addi %mul3A_146, %add3A_213 : i32
        %broadcast_in_dim3A_215 = vector.broadcast %add3A_214 : i32 to vector<16xi32>
        %gather3A_216 = tpu.vector_load_idx %arg15[%broadcast_in_dim3A_215] : memref<128xf32, #tpu.memory_space<vmem>>[vector<16xi32>], vector<16xf32>,
        %get3A_217 = arith.index_cast %add3A_214 : i32 to index
        %get3A_218 = arith.constant 0 : index
        %get3A_219 = tpu.vector_load %arg16[%get3A_217, %get3A_218] {strides = array<i32>} : memref<128x32xf32, #tpu.memory_space<vmem>>, vector<16xf32>,
        %mul3A_220 = arith.mulf %get3A_219, %gather3A_216 : vector<16xf32>
        %swap3A_221 = arith.index_cast %add3A_214 : i32 to index
        %swap3A_222 = arith.constant 0 : index
        %swap3A_223 = tpu.vector_load %arg16[%swap3A_221, %swap3A_222] {strides = array<i32>} : memref<128x32xf32, #tpu.memory_space<vmem>>, vector<16xf32>,
        tpu.vector_store %arg16[%swap3A_221, %swap3A_222], %mul3A_220 {strides = array<i32>} : memref<128x32xf32, #tpu.memory_space<vmem>>, vector<16xf32>,
        %get3A_224 = arith.index_cast %add3A_214 : i32 to index
        %get3A_225 = arith.constant 16 : index
        %get3A_226 = tpu.vector_load %arg16[%get3A_224, %get3A_225] {strides = array<i32>} : memref<128x32xf32, #tpu.memory_space<vmem>>, vector<16xf32>,
        %mul3A_227 = arith.mulf %get3A_226, %gather3A_216 : vector<16xf32>
        %swap3A_228 = arith.index_cast %add3A_214 : i32 to index
        %swap3A_229 = arith.constant 16 : index
        %swap3A_230 = tpu.vector_load %arg16[%swap3A_228, %swap3A_229] {strides = array<i32>} : memref<128x32xf32, #tpu.memory_space<vmem>>, vector<16xf32>,
        tpu.vector_store %arg16[%swap3A_228, %swap3A_229], %mul3A_227 {strides = array<i32>} : memref<128x32xf32, #tpu.memory_space<vmem>>, vector<16xf32>,
        %add3A_231 = arith.constant 4 : i32
        %add3A_232 = arith.addi %mul3A_146, %add3A_231 : i32
        %broadcast_in_dim3A_233 = vector.broadcast %add3A_232 : i32 to vector<16xi32>
        %gather3A_234 = tpu.vector_load_idx %arg15[%broadcast_in_dim3A_233] : memref<128xf32, #tpu.memory_space<vmem>>[vector<16xi32>], vector<16xf32>,
        %get3A_235 = arith.index_cast %add3A_232 : i32 to index
        %get3A_236 = arith.constant 0 : index
        %get3A_237 = tpu.vector_load %arg16[%get3A_235, %get3A_236] {strides = array<i32>} : memref<128x32xf32, #tpu.memory_space<vmem>>, vector<16xf32>,
        %mul3A_238 = arith.mulf %get3A_237, %gather3A_234 : vector<16xf32>
        %swap3A_239 = arith.index_cast %add3A_232 : i32 to index
        %swap3A_240 = arith.constant 0 : index
        %swap3A_241 = tpu.vector_load %arg16[%swap3A_239, %swap3A_240] {strides = array<i32>} : memref<128x32xf32, #tpu.memory_space<vmem>>, vector<16xf32>,
        tpu.vector_store %arg16[%swap3A_239, %swap3A_240], %mul3A_238 {strides = array<i32>} : memref<128x32xf32, #tpu.memory_space<vmem>>, vector<16xf32>,
        %get3A_242 = arith.index_cast %add3A_232 : i32 to index
        %get3A_243 = arith.constant 16 : index
        %get3A_244 = tpu.vector_load %arg16[%get3A_242, %get3A_243] {strides = array<i32>} : memref<128x32xf32, #tpu.memory_space<vmem>>, vector<16xf32>,
        %mul3A_245 = arith.mulf %get3A_244, %gather3A_234 : vector<16xf32>
        %swap3A_246 = arith.index_cast %add3A_232 : i32 to index
        %swap3A_247 = arith.constant 16 : index
        %swap3A_248 = tpu.vector_load %arg16[%swap3A_246, %swap3A_247] {strides = array<i32>} : memref<128x32xf32, #tpu.memory_space<vmem>>, vector<16xf32>,
        tpu.vector_store %arg16[%swap3A_246, %swap3A_247], %mul3A_245 {strides = array<i32>} : memref<128x32xf32, #tpu.memory_space<vmem>>, vector<16xf32>,
        %add3A_249 = arith.constant 5 : i32
        %add3A_250 = arith.addi %mul3A_146, %add3A_249 : i32
        %broadcast_in_dim3A_251 = vector.broadcast %add3A_250 : i32 to vector<16xi32>
        %gather3A_252 = tpu.vector_load_idx %arg15[%broadcast_in_dim3A_251] : memref<128xf32, #tpu.memory_space<vmem>>[vector<16xi32>], vector<16xf32>,
        %get3A_253 = arith.index_cast %add3A_250 : i32 to index
        %get3A_254 = arith.constant 0 : index
        %get3A_255 = tpu.vector_load %arg16[%get3A_253, %get3A_254] {strides = array<i32>} : memref<128x32xf32, #tpu.memory_space<vmem>>, vector<16xf32>,
        %mul3A_256 = arith.mulf %get3A_255, %gather3A_252 : vector<16xf32>
        %swap3A_257 = arith.index_cast %add3A_250 : i32 to index
        %swap3A_258 = arith.constant 0 : index
        %swap3A_259 = tpu.vector_load %arg16[%swap3A_257, %swap3A_258] {strides = array<i32>} : memref<128x32xf32, #tpu.memory_space<vmem>>, vector<16xf32>,
        tpu.vector_store %arg16[%swap3A_257, %swap3A_258], %mul3A_256 {strides = array<i32>} : memref<128x32xf32, #tpu.memory_space<vmem>>, vector<16xf32>,
        %get3A_260 = arith.index_cast %add3A_250 : i32 to index
        %get3A_261 = arith.constant 16 : index
        %get3A_262 = tpu.vector_load %arg16[%get3A_260, %get3A_261] {strides = array<i32>} : memref<128x32xf32, #tpu.memory_space<vmem>>, vector<16xf32>,
        %mul3A_263 = arith.mulf %get3A_262, %gather3A_252 : vector<16xf32>
        %swap3A_264 = arith.index_cast %add3A_250 : i32 to index
        %swap3A_265 = arith.constant 16 : index
        %swap3A_266 = tpu.vector_load %arg16[%swap3A_264, %swap3A_265] {strides = array<i32>} : memref<128x32xf32, #tpu.memory_space<vmem>>, vector<16xf32>,
        tpu.vector_store %arg16[%swap3A_264, %swap3A_265], %mul3A_263 {strides = array<i32>} : memref<128x32xf32, #tpu.memory_space<vmem>>, vector<16xf32>,
        %add3A_267 = arith.constant 6 : i32
        %add3A_268 = arith.addi %mul3A_146, %add3A_267 : i32
        %broadcast_in_dim3A_269 = vector.broadcast %add3A_268 : i32 to vector<16xi32>
        %gather3A_270 = tpu.vector_load_idx %arg15[%broadcast_in_dim3A_269] : memref<128xf32, #tpu.memory_space<vmem>>[vector<16xi32>], vector<16xf32>,
        %get3A_271 = arith.index_cast %add3A_268 : i32 to index
        %get3A_272 = arith.constant 0 : index
        %get3A_273 = tpu.vector_load %arg16[%get3A_271, %get3A_272] {strides = array<i32>} : memref<128x32xf32, #tpu.memory_space<vmem>>, vector<16xf32>,
        %mul3A_274 = arith.mulf %get3A_273, %gather3A_270 : vector<16xf32>
        %swap3A_275 = arith.index_cast %add3A_268 : i32 to index
        %swap3A_276 = arith.constant 0 : index
        %swap3A_277 = tpu.vector_load %arg16[%swap3A_275, %swap3A_276] {strides = array<i32>} : memref<128x32xf32, #tpu.memory_space<vmem>>, vector<16xf32>,
        tpu.vector_store %arg16[%swap3A_275, %swap3A_276], %mul3A_274 {strides = array<i32>} : memref<128x32xf32, #tpu.memory_space<vmem>>, vector<16xf32>,
        %get3A_278 = arith.index_cast %add3A_268 : i32 to index
        %get3A_279 = arith.constant 16 : index
        %get3A_280 = tpu.vector_load %arg16[%get3A_278, %get3A_279] {strides = array<i32>} : memref<128x32xf32, #tpu.memory_space<vmem>>, vector<16xf32>,
        %mul3A_281 = arith.mulf %get3A_280, %gather3A_270 : vector<16xf32>
        %swap3A_282 = arith.index_cast %add3A_268 : i32 to index
        %swap3A_283 = arith.constant 16 : index
        %swap3A_284 = tpu.vector_load %arg16[%swap3A_282, %swap3A_283] {strides = array<i32>} : memref<128x32xf32, #tpu.memory_space<vmem>>, vector<16xf32>,
        tpu.vector_store %arg16[%swap3A_282, %swap3A_283], %mul3A_281 {strides = array<i32>} : memref<128x32xf32, #tpu.memory_space<vmem>>, vector<16xf32>,
        %add3A_285 = arith.constant 7 : i32
        %add3A_286 = arith.addi %mul3A_146, %add3A_285 : i32
        %broadcast_in_dim3A_287 = vector.broadcast %add3A_286 : i32 to vector<16xi32>
        %gather3A_288 = tpu.vector_load_idx %arg15[%broadcast_in_dim3A_287] : memref<128xf32, #tpu.memory_space<vmem>>[vector<16xi32>], vector<16xf32>,
        %get3A_289 = arith.index_cast %add3A_286 : i32 to index
        %get3A_290 = arith.constant 0 : index
        %get3A_291 = tpu.vector_load %arg16[%get3A_289, %get3A_290] {strides = array<i32>} : memref<128x32xf32, #tpu.memory_space<vmem>>, vector<16xf32>,
        %mul3A_292 = arith.mulf %get3A_291, %gather3A_288 : vector<16xf32>
        %swap3A_293 = arith.index_cast %add3A_286 : i32 to index
        %swap3A_294 = arith.constant 0 : index
        %swap3A_295 = tpu.vector_load %arg16[%swap3A_293, %swap3A_294] {strides = array<i32>} : memref<128x32xf32, #tpu.memory_space<vmem>>, vector<16xf32>,
        tpu.vector_store %arg16[%swap3A_293, %swap3A_294], %mul3A_292 {strides = array<i32>} : memref<128x32xf32, #tpu.memory_space<vmem>>, vector<16xf32>,
        %get3A_296 = arith.index_cast %add3A_286 : i32 to index
        %get3A_297 = arith.constant 16 : index
        %get3A_298 = tpu.vector_load %arg16[%get3A_296, %get3A_297] {strides = array<i32>} : memref<128x32xf32, #tpu.memory_space<vmem>>, vector<16xf32>,
        %mul3A_299 = arith.mulf %get3A_298, %gather3A_288 : vector<16xf32>
        %swap3A_300 = arith.index_cast %add3A_286 : i32 to index
        %swap3A_301 = arith.constant 16 : index
        %swap3A_302 = tpu.vector_load %arg16[%swap3A_300, %swap3A_301] {strides = array<i32>} : memref<128x32xf32, #tpu.memory_space<vmem>>, vector<16xf32>,
        tpu.vector_store %arg16[%swap3A_300, %swap3A_301], %mul3A_299 {strides = array<i32>} : memref<128x32xf32, #tpu.memory_space<vmem>>, vector<16xf32>,
        %add3A_303 = arith.constant 8 : i32
        %add3A_304 = arith.addi %mul3A_146, %add3A_303 : i32
        %broadcast_in_dim3A_305 = vector.broadcast %add3A_304 : i32 to vector<16xi32>
        %gather3A_306 = tpu.vector_load_idx %arg15[%broadcast_in_dim3A_305] : memref<128xf32, #tpu.memory_space<vmem>>[vector<16xi32>], vector<16xf32>,
        %get3A_307 = arith.index_cast %add3A_304 : i32 to index
        %get3A_308 = arith.constant 0 : index
        %get3A_309 = tpu.vector_load %arg16[%get3A_307, %get3A_308] {strides = array<i32>} : memref<128x32xf32, #tpu.memory_space<vmem>>, vector<16xf32>,
        %mul3A_310 = arith.mulf %get3A_309, %gather3A_306 : vector<16xf32>
        %swap3A_311 = arith.index_cast %add3A_304 : i32 to index
        %swap3A_312 = arith.constant 0 : index
        %swap3A_313 = tpu.vector_load %arg16[%swap3A_311, %swap3A_312] {strides = array<i32>} : memref<128x32xf32, #tpu.memory_space<vmem>>, vector<16xf32>,
        tpu.vector_store %arg16[%swap3A_311, %swap3A_312], %mul3A_310 {strides = array<i32>} : memref<128x32xf32, #tpu.memory_space<vmem>>, vector<16xf32>,
        %get3A_314 = arith.index_cast %add3A_304 : i32 to index
        %get3A_315 = arith.constant 16 : index
        %get3A_316 = tpu.vector_load %arg16[%get3A_314, %get3A_315] {strides = array<i32>} : memref<128x32xf32, #tpu.memory_space<vmem>>, vector<16xf32>,
        %mul3A_317 = arith.mulf %get3A_316, %gather3A_306 : vector<16xf32>
        %swap3A_318 = arith.index_cast %add3A_304 : i32 to index
        %swap3A_319 = arith.constant 16 : index
        %swap3A_320 = tpu.vector_load %arg16[%swap3A_318, %swap3A_319] {strides = array<i32>} : memref<128x32xf32, #tpu.memory_space<vmem>>, vector<16xf32>,
        tpu.vector_store %arg16[%swap3A_318, %swap3A_319], %mul3A_317 {strides = array<i32>} : memref<128x32xf32, #tpu.memory_space<vmem>>, vector<16xf32>,
        %add3A_321 = arith.constant 9 : i32
        %add3A_322 = arith.addi %mul3A_146, %add3A_321 : i32
        %broadcast_in_dim3A_323 = vector.broadcast %add3A_322 : i32 to vector<16xi32>
        %gather3A_324 = tpu.vector_load_idx %arg15[%broadcast_in_dim3A_323] : memref<128xf32, #tpu.memory_space<vmem>>[vector<16xi32>], vector<16xf32>,
        %get3A_325 = arith.index_cast %add3A_322 : i32 to index
        %get3A_326 = arith.constant 0 : index
        %get3A_327 = tpu.vector_load %arg16[%get3A_325, %get3A_326] {strides = array<i32>} : memref<128x32xf32, #tpu.memory_space<vmem>>, vector<16xf32>,
        %mul3A_328 = arith.mulf %get3A_327, %gather3A_324 : vector<16xf32>
        %swap3A_329 = arith.index_cast %add3A_322 : i32 to index
        %swap3A_330 = arith.constant 0 : index
        %swap3A_331 = tpu.vector_load %arg16[%swap3A_329, %swap3A_330] {strides = array<i32>} : memref<128x32xf32, #tpu.memory_space<vmem>>, vector<16xf32>,
        tpu.vector_store %arg16[%swap3A_329, %swap3A_330], %mul3A_328 {strides = array<i32>} : memref<128x32xf32, #tpu.memory_space<vmem>>, vector<16xf32>,
        %get3A_332 = arith.index_cast %add3A_322 : i32 to index
        %get3A_333 = arith.constant 16 : index
        %get3A_334 = tpu.vector_load %arg16[%get3A_332, %get3A_333] {strides = array<i32>} : memref<128x32xf32, #tpu.memory_space<vmem>>, vector<16xf32>,
        %mul3A_335 = arith.mulf %get3A_334, %gather3A_324 : vector<16xf32>
        %swap3A_336 = arith.index_cast %add3A_322 : i32 to index
        %swap3A_337 = arith.constant 16 : index
        %swap3A_338 = tpu.vector_load %arg16[%swap3A_336, %swap3A_337] {strides = array<i32>} : memref<128x32xf32, #tpu.memory_space<vmem>>, vector<16xf32>,
        tpu.vector_store %arg16[%swap3A_336, %swap3A_337], %mul3A_335 {strides = array<i32>} : memref<128x32xf32, #tpu.memory_space<vmem>>, vector<16xf32>,
        %add3A_339 = arith.constant 10 : i32
        %add3A_340 = arith.addi %mul3A_146, %add3A_339 : i32
        %broadcast_in_dim3A_341 = vector.broadcast %add3A_340 : i32 to vector<16xi32>
        %gather3A_342 = tpu.vector_load_idx %arg15[%broadcast_in_dim3A_341] : memref<128xf32, #tpu.memory_space<vmem>>[vector<16xi32>], vector<16xf32>,
        %get3A_343 = arith.index_cast %add3A_340 : i32 to index
        %get3A_344 = arith.constant 0 : index
        %get3A_345 = tpu.vector_load %arg16[%get3A_343, %get3A_344] {strides = array<i32>} : memref<128x32xf32, #tpu.memory_space<vmem>>, vector<16xf32>,
        %mul3A_346 = arith.mulf %get3A_345, %gather3A_342 : vector<16xf32>
        %swap3A_347 = arith.index_cast %add3A_340 : i32 to index
        %swap3A_348 = arith.constant 0 : index
        %swap3A_349 = tpu.vector_load %arg16[%swap3A_347, %swap3A_348] {strides = array<i32>} : memref<128x32xf32, #tpu.memory_space<vmem>>, vector<16xf32>,
        tpu.vector_store %arg16[%swap3A_347, %swap3A_348], %mul3A_346 {strides = array<i32>} : memref<128x32xf32, #tpu.memory_space<vmem>>, vector<16xf32>,
        %get3A_350 = arith.index_cast %add3A_340 : i32 to index
        %get3A_351 = arith.constant 16 : index
        %get3A_352 = tpu.vector_load %arg16[%get3A_350, %get3A_351] {strides = array<i32>} : memref<128x32xf32, #tpu.memory_space<vmem>>, vector<16xf32>,
        %mul3A_353 = arith.mulf %get3A_352, %gather3A_342 : vector<16xf32>
        %swap3A_354 = arith.index_cast %add3A_340 : i32 to index
        %swap3A_355 = arith.constant 16 : index
        %swap3A_356 = tpu.vector_load %arg16[%swap3A_354, %swap3A_355] {strides = array<i32>} : memref<128x32xf32, #tpu.memory_space<vmem>>, vector<16xf32>,
        tpu.vector_store %arg16[%swap3A_354, %swap3A_355], %mul3A_353 {strides = array<i32>} : memref<128x32xf32, #tpu.memory_space<vmem>>, vector<16xf32>,
        %add3A_357 = arith.constant 11 : i32
        %add3A_358 = arith.addi %mul3A_146, %add3A_357 : i32
        %broadcast_in_dim3A_359 = vector.broadcast %add3A_358 : i32 to vector<16xi32>
        %gather3A_360 = tpu.vector_load_idx %arg15[%broadcast_in_dim3A_359] : memref<128xf32, #tpu.memory_space<vmem>>[vector<16xi32>], vector<16xf32>,
        %get3A_361 = arith.index_cast %add3A_358 : i32 to index
        %get3A_362 = arith.constant 0 : index
        %get3A_363 = tpu.vector_load %arg16[%get3A_361, %get3A_362] {strides = array<i32>} : memref<128x32xf32, #tpu.memory_space<vmem>>, vector<16xf32>,
        %mul3A_364 = arith.mulf %get3A_363, %gather3A_360 : vector<16xf32>
        %swap3A_365 = arith.index_cast %add3A_358 : i32 to index
        %swap3A_366 = arith.constant 0 : index
        %swap3A_367 = tpu.vector_load %arg16[%swap3A_365, %swap3A_366] {strides = array<i32>} : memref<128x32xf32, #tpu.memory_space<vmem>>, vector<16xf32>,
        tpu.vector_store %arg16[%swap3A_365, %swap3A_366], %mul3A_364 {strides = array<i32>} : memref<128x32xf32, #tpu.memory_space<vmem>>, vector<16xf32>,
        %get3A_368 = arith.index_cast %add3A_358 : i32 to index
        %get3A_369 = arith.constant 16 : index
        %get3A_370 = tpu.vector_load %arg16[%get3A_368, %get3A_369] {strides = array<i32>} : memref<128x32xf32, #tpu.memory_space<vmem>>, vector<16xf32>,
        %mul3A_371 = arith.mulf %get3A_370, %gather3A_360 : vector<16xf32>
        %swap3A_372 = arith.index_cast %add3A_358 : i32 to index
        %swap3A_373 = arith.constant 16 : index
        %swap3A_374 = tpu.vector_load %arg16[%swap3A_372, %swap3A_373] {strides = array<i32>} : memref<128x32xf32, #tpu.memory_space<vmem>>, vector<16xf32>,
        tpu.vector_store %arg16[%swap3A_372, %swap3A_373], %mul3A_371 {strides = array<i32>} : memref<128x32xf32, #tpu.memory_space<vmem>>, vector<16xf32>,
        %add3A_375 = arith.constant 12 : i32
        %add3A_376 = arith.addi %mul3A_146, %add3A_375 : i32
        %broadcast_in_dim3A_377 = vector.broadcast %add3A_376 : i32 to vector<16xi32>
        %gather3A_378 = tpu.vector_load_idx %arg15[%broadcast_in_dim3A_377] : memref<128xf32, #tpu.memory_space<vmem>>[vector<16xi32>], vector<16xf32>,
        %get3A_379 = arith.index_cast %add3A_376 : i32 to index
        %get3A_380 = arith.constant 0 : index
        %get3A_381 = tpu.vector_load %arg16[%get3A_379, %get3A_380] {strides = array<i32>} : memref<128x32xf32, #tpu.memory_space<vmem>>, vector<16xf32>,
        %mul3A_382 = arith.mulf %get3A_381, %gather3A_378 : vector<16xf32>
        %swap3A_383 = arith.index_cast %add3A_376 : i32 to index
        %swap3A_384 = arith.constant 0 : index
        %swap3A_385 = tpu.vector_load %arg16[%swap3A_383, %swap3A_384] {strides = array<i32>} : memref<128x32xf32, #tpu.memory_space<vmem>>, vector<16xf32>,
        tpu.vector_store %arg16[%swap3A_383, %swap3A_384], %mul3A_382 {strides = array<i32>} : memref<128x32xf32, #tpu.memory_space<vmem>>, vector<16xf32>,
        %get3A_386 = arith.index_cast %add3A_376 : i32 to index
        %get3A_387 = arith.constant 16 : index
        %get3A_388 = tpu.vector_load %arg16[%get3A_386, %get3A_387] {strides = array<i32>} : memref<128x32xf32, #tpu.memory_space<vmem>>, vector<16xf32>,
        %mul3A_389 = arith.mulf %get3A_388, %gather3A_378 : vector<16xf32>
        %swap3A_390 = arith.index_cast %add3A_376 : i32 to index
        %swap3A_391 = arith.constant 16 : index
        %swap3A_392 = tpu.vector_load %arg16[%swap3A_390, %swap3A_391] {strides = array<i32>} : memref<128x32xf32, #tpu.memory_space<vmem>>, vector<16xf32>,
        tpu.vector_store %arg16[%swap3A_390, %swap3A_391], %mul3A_389 {strides = array<i32>} : memref<128x32xf32, #tpu.memory_space<vmem>>, vector<16xf32>,
        %add3A_393 = arith.constant 13 : i32
        %add3A_394 = arith.addi %mul3A_146, %add3A_393 : i32
        %broadcast_in_dim3A_395 = vector.broadcast %add3A_394 : i32 to vector<16xi32>
        %gather3A_396 = tpu.vector_load_idx %arg15[%broadcast_in_dim3A_395] : memref<128xf32, #tpu.memory_space<vmem>>[vector<16xi32>], vector<16xf32>,
        %get3A_397 = arith.index_cast %add3A_394 : i32 to index
        %get3A_398 = arith.constant 0 : index
        %get3A_399 = tpu.vector_load %arg16[%get3A_397, %get3A_398] {strides = array<i32>} : memref<128x32xf32, #tpu.memory_space<vmem>>, vector<16xf32>,
        %mul3A_400 = arith.mulf %get3A_399, %gather3A_396 : vector<16xf32>
        %swap3A_401 = arith.index_cast %add3A_394 : i32 to index
        %swap3A_402 = arith.constant 0 : index
        %swap3A_403 = tpu.vector_load %arg16[%swap3A_401, %swap3A_402] {strides = array<i32>} : memref<128x32xf32, #tpu.memory_space<vmem>>, vector<16xf32>,
        tpu.vector_store %arg16[%swap3A_401, %swap3A_402], %mul3A_400 {strides = array<i32>} : memref<128x32xf32, #tpu.memory_space<vmem>>, vector<16xf32>,
        %get3A_404 = arith.index_cast %add3A_394 : i32 to index
        %get3A_405 = arith.constant 16 : index
        %get3A_406 = tpu.vector_load %arg16[%get3A_404, %get3A_405] {strides = array<i32>} : memref<128x32xf32, #tpu.memory_space<vmem>>, vector<16xf32>,
        %mul3A_407 = arith.mulf %get3A_406, %gather3A_396 : vector<16xf32>
        %swap3A_408 = arith.index_cast %add3A_394 : i32 to index
        %swap3A_409 = arith.constant 16 : index
        %swap3A_410 = tpu.vector_load %arg16[%swap3A_408, %swap3A_409] {strides = array<i32>} : memref<128x32xf32, #tpu.memory_space<vmem>>, vector<16xf32>,
        tpu.vector_store %arg16[%swap3A_408, %swap3A_409], %mul3A_407 {strides = array<i32>} : memref<128x32xf32, #tpu.memory_space<vmem>>, vector<16xf32>,
        %add3A_411 = arith.constant 14 : i32
        %add3A_412 = arith.addi %mul3A_146, %add3A_411 : i32
        %broadcast_in_dim3A_413 = vector.broadcast %add3A_412 : i32 to vector<16xi32>
        %gather3A_414 = tpu.vector_load_idx %arg15[%broadcast_in_dim3A_413] : memref<128xf32, #tpu.memory_space<vmem>>[vector<16xi32>], vector<16xf32>,
        %get3A_415 = arith.index_cast %add3A_412 : i32 to index
        %get3A_416 = arith.constant 0 : index
        %get3A_417 = tpu.vector_load %arg16[%get3A_415, %get3A_416] {strides = array<i32>} : memref<128x32xf32, #tpu.memory_space<vmem>>, vector<16xf32>,
        %mul3A_418 = arith.mulf %get3A_417, %gather3A_414 : vector<16xf32>
        %swap3A_419 = arith.index_cast %add3A_412 : i32 to index
        %swap3A_420 = arith.constant 0 : index
        %swap3A_421 = tpu.vector_load %arg16[%swap3A_419, %swap3A_420] {strides = array<i32>} : memref<128x32xf32, #tpu.memory_space<vmem>>, vector<16xf32>,
        tpu.vector_store %arg16[%swap3A_419, %swap3A_420], %mul3A_418 {strides = array<i32>} : memref<128x32xf32, #tpu.memory_space<vmem>>, vector<16xf32>,
        %get3A_422 = arith.index_cast %add3A_412 : i32 to index
        %get3A_423 = arith.constant 16 : index
        %get3A_424 = tpu.vector_load %arg16[%get3A_422, %get3A_423] {strides = array<i32>} : memref<128x32xf32, #tpu.memory_space<vmem>>, vector<16xf32>,
        %mul3A_425 = arith.mulf %get3A_424, %gather3A_414 : vector<16xf32>
        %swap3A_426 = arith.index_cast %add3A_412 : i32 to index
        %swap3A_427 = arith.constant 16 : index
        %swap3A_428 = tpu.vector_load %arg16[%swap3A_426, %swap3A_427] {strides = array<i32>} : memref<128x32xf32, #tpu.memory_space<vmem>>, vector<16xf32>,
        tpu.vector_store %arg16[%swap3A_426, %swap3A_427], %mul3A_425 {strides = array<i32>} : memref<128x32xf32, #tpu.memory_space<vmem>>, vector<16xf32>,
        %add3A_429 = arith.constant 15 : i32
        %add3A_430 = arith.addi %mul3A_146, %add3A_429 : i32
        %broadcast_in_dim3A_431 = vector.broadcast %add3A_430 : i32 to vector<16xi32>
        %gather3A_432 = tpu.vector_load_idx %arg15[%broadcast_in_dim3A_431] : memref<128xf32, #tpu.memory_space<vmem>>[vector<16xi32>], vector<16xf32>,
        %get3A_433 = arith.index_cast %add3A_430 : i32 to index
        %get3A_434 = arith.constant 0 : index
        %get3A_435 = tpu.vector_load %arg16[%get3A_433, %get3A_434] {strides = array<i32>} : memref<128x32xf32, #tpu.memory_space<vmem>>, vector<16xf32>,
        %mul3A_436 = arith.mulf %get3A_435, %gather3A_432 : vector<16xf32>
        %swap3A_437 = arith.index_cast %add3A_430 : i32 to index
        %swap3A_438 = arith.constant 0 : index
        %swap3A_439 = tpu.vector_load %arg16[%swap3A_437, %swap3A_438] {strides = array<i32>} : memref<128x32xf32, #tpu.memory_space<vmem>>, vector<16xf32>,
        tpu.vector_store %arg16[%swap3A_437, %swap3A_438], %mul3A_436 {strides = array<i32>} : memref<128x32xf32, #tpu.memory_space<vmem>>, vector<16xf32>,
        %get3A_440 = arith.index_cast %add3A_430 : i32 to index
        %get3A_441 = arith.constant 16 : index
        %get3A_442 = tpu.vector_load %arg16[%get3A_440, %get3A_441] {strides = array<i32>} : memref<128x32xf32, #tpu.memory_space<vmem>>, vector<16xf32>,
        %mul3A_443 = arith.mulf %get3A_442, %gather3A_432 : vector<16xf32>
        %swap3A_444 = arith.index_cast %add3A_430 : i32 to index
        %swap3A_445 = arith.constant 16 : index
        %swap3A_446 = tpu.vector_load %arg16[%swap3A_444, %swap3A_445] {strides = array<i32>} : memref<128x32xf32, #tpu.memory_space<vmem>>, vector<16xf32>,
        tpu.vector_store %arg16[%swap3A_444, %swap3A_445], %mul3A_443 {strides = array<i32>} : memref<128x32xf32, #tpu.memory_space<vmem>>, vector<16xf32>,
      }
      %scan3A_139 = arith.constant 8 : i32
      "tpu.region"() ({
        %run_scoped3A = tpu.sem_alloc : memref<!tpu.dma_semaphore, #tpu.memory_space<semaphore_mem>>
        %dma_start3A_140 = arith.constant 0 : i32
        %dma_start3A_141 = arith.constant 0 : i32
        %dma_start3A_142 = tpu.memref_slice %arg11[%dma_start3A_140, %dma_start3A_141] : memref<51200x32xf32, #tpu.memory_space<vmem_shared>> -> memref<51200x32xf32, #tpu.memory_space<vmem_shared>>
        tpu.enqueue_indirect_dma source(%arg16 : memref<128x32xf32, #tpu.memory_space<vmem>>) target(%dma_start3A_142 : memref<51200x32xf32, #tpu.memory_space<vmem_shared>>) offsets(%arg14 : memref<128xi32, #tpu.memory_space<vmem>>) semaphore(%run_scoped3A : memref<!tpu.dma_semaphore, #tpu.memory_space<semaphore_mem>>) {add = true}
        %dma_wait3A_143 = arith.constant 0 : i32
        %dma_wait3A_144 = arith.constant 0 : i32
        %dma_wait3A_145 = tpu.memref_slice %arg11[%dma_wait3A_143, %dma_wait3A_144] : memref<51200x32xf32, #tpu.memory_space<vmem_shared>> -> memref<51200x32xf32, #tpu.memory_space<vmem_shared>>
        tpu.wait_indirect_dma semaphore(%run_scoped3A : memref<!tpu.dma_semaphore, #tpu.memory_space<semaphore_mem>>) src(%arg16 : memref<128x32xf32, #tpu.memory_space<vmem>>) dst(%dma_wait3A_145 : memref<51200x32xf32, #tpu.memory_space<vmem_shared>>)
        tpu.yield
      }) : () -> ()
    }
    %scan3A_23 = arith.constant 391 : i32
    %get3A_24 = arith.constant 1 : i32
    %get3A_25 = arith.index_cast %get3A_24 : i32 to index
    %get3A_26 = arith.constant 0 : index
    %get3A_27 = tpu.vector_load %arg19[%get3A_25, %get3A_26] {strides = array<i32>} : memref<4x16xf32, #tpu.memory_space<vmem>>, vector<16xf32>,
    %mul3A_28 = arith.constant 50000 : i32
    %mul3A_29 = arith.muli %arg0, %mul3A_28 : i32
    %broadcast_in_dim3A_30 = vector.broadcast %mul3A_29 : i32 to vector<16xi32>
    %mul3A_31 = arith.constant 391 : i32
    %mul3A_32 = arith.muli %arg1, %mul3A_31 : i32
    %scan3A_33 = arith.constant 0 : i32
    %scan3A_34 = arith.constant 391 : i32
    %scan3A_35 = arith.addi %scan3A_33, %scan3A_34 : i32
    %scan3A_36 = arith.constant 1 : i32
    scf.for %scan3A_81 = %scan3A_33 to %scan3A_35 step %scan3A_36  : i32 {
      %mul3A_82 = arith.constant 1 : i32
      %mul3A_83 = arith.muli %scan3A_81, %mul3A_82 : i32
      %add3A = arith.constant 0 : i32
      %add3A_84 = arith.addi %add3A, %mul3A_83 : i32
      %add3A_85 = arith.addi %mul3A_32, %add3A_84 : i32
      %mul3A_86 = arith.constant 384 : i32
      %mul3A_87 = arith.muli %add3A_85, %mul3A_86 : i32
      "tpu.region"() ({
        %run_scoped3A = tpu.sem_alloc : memref<!tpu.dma_semaphore, #tpu.memory_space<semaphore_mem>>
        %dma_start3A_140 = tpu.memref_slice %arg3[%mul3A_87] : memref<2402688xi32, #tpu.memory_space<hbm>> -> memref<384xi32, #tpu.memory_space<hbm>>
        %dma_start3A_141 = tpu.memref_slice %arg3[%mul3A_87] : memref<2402688xi32, #tpu.memory_space<hbm>> -> memref<384xi32, #tpu.memory_space<hbm>>
        tpu.enqueue_dma source(%dma_start3A_141 : memref<384xi32, #tpu.memory_space<hbm>>) target(%arg12 : memref<384xi32, #tpu.memory_space<vmem>>) target_semaphore(%run_scoped3A : memref<!tpu.dma_semaphore, #tpu.memory_space<semaphore_mem>>)
        %dma_wait3A_142 = tpu.memref_slice %arg3[%mul3A_87] : memref<2402688xi32, #tpu.memory_space<hbm>> -> memref<384xi32, #tpu.memory_space<hbm>>
        %dma_wait3A_143 = tpu.memref_slice %arg3[%mul3A_87] : memref<2402688xi32, #tpu.memory_space<hbm>> -> memref<384xi32, #tpu.memory_space<hbm>>
        tpu.wait_dma2 semaphore(%run_scoped3A : memref<!tpu.dma_semaphore, #tpu.memory_space<semaphore_mem>>) src(%dma_wait3A_143 : memref<384xi32, #tpu.memory_space<hbm>>) dst(%arg12 : memref<384xi32, #tpu.memory_space<vmem>>)
        tpu.yield
      }) : () -> ()
      %get3A_88 = arith.constant 0 : index
      %get3A_89 = tpu.vector_load %arg12[%get3A_88] {strides = array<i32>} : memref<384xi32, #tpu.memory_space<vmem>>, vector<16xi32>,
      %add3A_90 = arith.addi %get3A_89, %broadcast_in_dim3A_30 : vector<16xi32>
      %swap3A = arith.constant 0 : index
      %swap3A_91 = tpu.vector_load %arg12[%swap3A] {strides = array<i32>} : memref<384xi32, #tpu.memory_space<vmem>>, vector<16xi32>,
      tpu.vector_store %arg12[%swap3A], %add3A_90 {strides = array<i32>} : memref<384xi32, #tpu.memory_space<vmem>>, vector<16xi32>,
      %get3A_92 = arith.constant 16 : index
      %get3A_93 = tpu.vector_load %arg12[%get3A_92] {strides = array<i32>} : memref<384xi32, #tpu.memory_space<vmem>>, vector<16xi32>,
      %add3A_94 = arith.addi %get3A_93, %broadcast_in_dim3A_30 : vector<16xi32>
      %swap3A_95 = arith.constant 16 : index
      %swap3A_96 = tpu.vector_load %arg12[%swap3A_95] {strides = array<i32>} : memref<384xi32, #tpu.memory_space<vmem>>, vector<16xi32>,
      tpu.vector_store %arg12[%swap3A_95], %add3A_94 {strides = array<i32>} : memref<384xi32, #tpu.memory_space<vmem>>, vector<16xi32>,
      %get3A_97 = arith.constant 32 : index
      %get3A_98 = tpu.vector_load %arg12[%get3A_97] {strides = array<i32>} : memref<384xi32, #tpu.memory_space<vmem>>, vector<16xi32>,
      %add3A_99 = arith.addi %get3A_98, %broadcast_in_dim3A_30 : vector<16xi32>
      %swap3A_100 = arith.constant 32 : index
      %swap3A_101 = tpu.vector_load %arg12[%swap3A_100] {strides = array<i32>} : memref<384xi32, #tpu.memory_space<vmem>>, vector<16xi32>,
      tpu.vector_store %arg12[%swap3A_100], %add3A_99 {strides = array<i32>} : memref<384xi32, #tpu.memory_space<vmem>>, vector<16xi32>,
      %get3A_102 = arith.constant 48 : index
      %get3A_103 = tpu.vector_load %arg12[%get3A_102] {strides = array<i32>} : memref<384xi32, #tpu.memory_space<vmem>>, vector<16xi32>,
      %add3A_104 = arith.addi %get3A_103, %broadcast_in_dim3A_30 : vector<16xi32>
      %swap3A_105 = arith.constant 48 : index
      %swap3A_106 = tpu.vector_load %arg12[%swap3A_105] {strides = array<i32>} : memref<384xi32, #tpu.memory_space<vmem>>, vector<16xi32>,
      tpu.vector_store %arg12[%swap3A_105], %add3A_104 {strides = array<i32>} : memref<384xi32, #tpu.memory_space<vmem>>, vector<16xi32>,
      %get3A_107 = arith.constant 64 : index
      %get3A_108 = tpu.vector_load %arg12[%get3A_107] {strides = array<i32>} : memref<384xi32, #tpu.memory_space<vmem>>, vector<16xi32>,
      %add3A_109 = arith.addi %get3A_108, %broadcast_in_dim3A_30 : vector<16xi32>
      %swap3A_110 = arith.constant 64 : index
      %swap3A_111 = tpu.vector_load %arg12[%swap3A_110] {strides = array<i32>} : memref<384xi32, #tpu.memory_space<vmem>>, vector<16xi32>,
      tpu.vector_store %arg12[%swap3A_110], %add3A_109 {strides = array<i32>} : memref<384xi32, #tpu.memory_space<vmem>>, vector<16xi32>,
      %get3A_112 = arith.constant 80 : index
      %get3A_113 = tpu.vector_load %arg12[%get3A_112] {strides = array<i32>} : memref<384xi32, #tpu.memory_space<vmem>>, vector<16xi32>,
      %add3A_114 = arith.addi %get3A_113, %broadcast_in_dim3A_30 : vector<16xi32>
      %swap3A_115 = arith.constant 80 : index
      %swap3A_116 = tpu.vector_load %arg12[%swap3A_115] {strides = array<i32>} : memref<384xi32, #tpu.memory_space<vmem>>, vector<16xi32>,
      tpu.vector_store %arg12[%swap3A_115], %add3A_114 {strides = array<i32>} : memref<384xi32, #tpu.memory_space<vmem>>, vector<16xi32>,
      %get3A_117 = arith.constant 96 : index
      %get3A_118 = tpu.vector_load %arg12[%get3A_117] {strides = array<i32>} : memref<384xi32, #tpu.memory_space<vmem>>, vector<16xi32>,
      %add3A_119 = arith.addi %get3A_118, %broadcast_in_dim3A_30 : vector<16xi32>
      %swap3A_120 = arith.constant 96 : index
      %swap3A_121 = tpu.vector_load %arg12[%swap3A_120] {strides = array<i32>} : memref<384xi32, #tpu.memory_space<vmem>>, vector<16xi32>,
      tpu.vector_store %arg12[%swap3A_120], %add3A_119 {strides = array<i32>} : memref<384xi32, #tpu.memory_space<vmem>>, vector<16xi32>,
      %get3A_122 = arith.constant 112 : index
      %get3A_123 = tpu.vector_load %arg12[%get3A_122] {strides = array<i32>} : memref<384xi32, #tpu.memory_space<vmem>>, vector<16xi32>,
      %add3A_124 = arith.addi %get3A_123, %broadcast_in_dim3A_30 : vector<16xi32>
      %swap3A_125 = arith.constant 112 : index
      %swap3A_126 = tpu.vector_load %arg12[%swap3A_125] {strides = array<i32>} : memref<384xi32, #tpu.memory_space<vmem>>, vector<16xi32>,
      tpu.vector_store %arg12[%swap3A_125], %add3A_124 {strides = array<i32>} : memref<384xi32, #tpu.memory_space<vmem>>, vector<16xi32>,
      %dma_start3A = arith.constant 0 : i32
      %dma_start3A_127 = tpu.memref_slice %arg12[%dma_start3A] : memref<384xi32, #tpu.memory_space<vmem>> -> memref<128xi32, #tpu.memory_space<vmem>>
      %dma_start3A_128 = arith.constant 0 : i32
      %dma_start3A_129 = arith.constant 0 : i32
      %dma_start3A_130 = tpu.memref_slice %arg6[%dma_start3A_128, %dma_start3A_129] : memref<100000x32xf32, #tpu.memory_space<hbm>> -> memref<100000x32xf32, #tpu.memory_space<hbm>>
      tpu.enqueue_indirect_dma source(%dma_start3A_130 : memref<100000x32xf32, #tpu.memory_space<hbm>>) target(%arg16 : memref<128x32xf32, #tpu.memory_space<vmem>>) offsets(%dma_start3A_127 : memref<128xi32, #tpu.memory_space<vmem>>) semaphore(%arg20 : memref<!tpu.dma_semaphore, #tpu.memory_space<semaphore_mem>>)
      %dma_wait3A = arith.constant 0 : i32
      %dma_wait3A_131 = tpu.memref_slice %arg12[%dma_wait3A] : memref<384xi32, #tpu.memory_space<vmem>> -> memref<128xi32, #tpu.memory_space<vmem>>
      %dma_wait3A_132 = arith.constant 0 : i32
      %dma_wait3A_133 = arith.constant 0 : i32
      %dma_wait3A_134 = tpu.memref_slice %arg6[%dma_wait3A_132, %dma_wait3A_133] : memref<100000x32xf32, #tpu.memory_space<hbm>> -> memref<100000x32xf32, #tpu.memory_space<hbm>>
      tpu.wait_indirect_dma semaphore(%arg20 : memref<!tpu.dma_semaphore, #tpu.memory_space<semaphore_mem>>) src(%dma_wait3A_134 : memref<100000x32xf32, #tpu.memory_space<hbm>>) dst(%arg16 : memref<128x32xf32, #tpu.memory_space<vmem>>)
      %scan3A_135 = arith.constant 0 : i32
      %scan3A_136 = arith.constant 8 : i32
      %scan3A_137 = arith.addi %scan3A_135, %scan3A_136 : i32
      %scan3A_138 = arith.constant 1 : i32
      scf.for %scan3A_140 = %scan3A_135 to %scan3A_137 step %scan3A_138  : i32 {
        %mul3A_141 = arith.constant 1 : i32
        %mul3A_142 = arith.muli %scan3A_140, %mul3A_141 : i32
        %add3A_143 = arith.constant 0 : i32
        %add3A_144 = arith.addi %add3A_143, %mul3A_142 : i32
        %mul3A_145 = arith.constant 16 : i32
        %mul3A_146 = arith.muli %add3A_144, %mul3A_145 : i32
        %add3A_147 = arith.constant 256 : i32
        %add3A_148 = arith.addi %add3A_147, %mul3A_146 : i32
        %get3A_149 = arith.index_cast %add3A_148 : i32 to index
        %get3A_150 = tpu.vector_load %arg12[%get3A_149] {strides = array<i32>} : memref<384xi32, #tpu.memory_space<vmem>>, vector<16xi32>,
        %bitcast3A = vector.bitcast %get3A_150 : vector<16xi32> to vector<16xf32>
        %mul3A_151 = arith.mulf %bitcast3A, %get3A_27 : vector<16xf32>
        %swap3A_152 = arith.index_cast %mul3A_146 : i32 to index
        %swap3A_153 = tpu.vector_load %arg15[%swap3A_152] {strides = array<i32>} : memref<128xf32, #tpu.memory_space<vmem>>, vector<16xf32>,
        tpu.vector_store %arg15[%swap3A_152], %mul3A_151 {strides = array<i32>} : memref<128xf32, #tpu.memory_space<vmem>>, vector<16xf32>,
        %add3A_154 = arith.constant 128 : i32
        %add3A_155 = arith.addi %add3A_154, %mul3A_146 : i32
        %get3A_156 = arith.index_cast %add3A_155 : i32 to index
        %get3A_157 = tpu.vector_load %arg12[%get3A_156] {strides = array<i32>} : memref<384xi32, #tpu.memory_space<vmem>>, vector<16xi32>,
        %swap3A_158 = arith.index_cast %mul3A_146 : i32 to index
        %swap3A_159 = tpu.vector_load %arg14[%swap3A_158] {strides = array<i32>} : memref<128xi32, #tpu.memory_space<vmem>>, vector<16xi32>,
        tpu.vector_store %arg14[%swap3A_158], %get3A_157 {strides = array<i32>} : memref<128xi32, #tpu.memory_space<vmem>>, vector<16xi32>,
        %add3A_160 = arith.constant 0 : i32
        %add3A_161 = arith.addi %mul3A_146, %add3A_160 : i32
        %broadcast_in_dim3A_162 = vector.broadcast %add3A_161 : i32 to vector<16xi32>
        %gather3A = tpu.vector_load_idx %arg15[%broadcast_in_dim3A_162] : memref<128xf32, #tpu.memory_space<vmem>>[vector<16xi32>], vector<16xf32>,
        %get3A_163 = arith.index_cast %add3A_161 : i32 to index
        %get3A_164 = arith.constant 0 : index
        %get3A_165 = tpu.vector_load %arg16[%get3A_163, %get3A_164] {strides = array<i32>} : memref<128x32xf32, #tpu.memory_space<vmem>>, vector<16xf32>,
        %mul3A_166 = arith.mulf %get3A_165, %gather3A : vector<16xf32>
        %swap3A_167 = arith.index_cast %add3A_161 : i32 to index
        %swap3A_168 = arith.constant 0 : index
        %swap3A_169 = tpu.vector_load %arg16[%swap3A_167, %swap3A_168] {strides = array<i32>} : memref<128x32xf32, #tpu.memory_space<vmem>>, vector<16xf32>,
        tpu.vector_store %arg16[%swap3A_167, %swap3A_168], %mul3A_166 {strides = array<i32>} : memref<128x32xf32, #tpu.memory_space<vmem>>, vector<16xf32>,
        %get3A_170 = arith.index_cast %add3A_161 : i32 to index
        %get3A_171 = arith.constant 16 : index
        %get3A_172 = tpu.vector_load %arg16[%get3A_170, %get3A_171] {strides = array<i32>} : memref<128x32xf32, #tpu.memory_space<vmem>>, vector<16xf32>,
        %mul3A_173 = arith.mulf %get3A_172, %gather3A : vector<16xf32>
        %swap3A_174 = arith.index_cast %add3A_161 : i32 to index
        %swap3A_175 = arith.constant 16 : index
        %swap3A_176 = tpu.vector_load %arg16[%swap3A_174, %swap3A_175] {strides = array<i32>} : memref<128x32xf32, #tpu.memory_space<vmem>>, vector<16xf32>,
        tpu.vector_store %arg16[%swap3A_174, %swap3A_175], %mul3A_173 {strides = array<i32>} : memref<128x32xf32, #tpu.memory_space<vmem>>, vector<16xf32>,
        %add3A_177 = arith.constant 1 : i32
        %add3A_178 = arith.addi %mul3A_146, %add3A_177 : i32
        %broadcast_in_dim3A_179 = vector.broadcast %add3A_178 : i32 to vector<16xi32>
        %gather3A_180 = tpu.vector_load_idx %arg15[%broadcast_in_dim3A_179] : memref<128xf32, #tpu.memory_space<vmem>>[vector<16xi32>], vector<16xf32>,
        %get3A_181 = arith.index_cast %add3A_178 : i32 to index
        %get3A_182 = arith.constant 0 : index
        %get3A_183 = tpu.vector_load %arg16[%get3A_181, %get3A_182] {strides = array<i32>} : memref<128x32xf32, #tpu.memory_space<vmem>>, vector<16xf32>,
        %mul3A_184 = arith.mulf %get3A_183, %gather3A_180 : vector<16xf32>
        %swap3A_185 = arith.index_cast %add3A_178 : i32 to index
        %swap3A_186 = arith.constant 0 : index
        %swap3A_187 = tpu.vector_load %arg16[%swap3A_185, %swap3A_186] {strides = array<i32>} : memref<128x32xf32, #tpu.memory_space<vmem>>, vector<16xf32>,
        tpu.vector_store %arg16[%swap3A_185, %swap3A_186], %mul3A_184 {strides = array<i32>} : memref<128x32xf32, #tpu.memory_space<vmem>>, vector<16xf32>,
        %get3A_188 = arith.index_cast %add3A_178 : i32 to index
        %get3A_189 = arith.constant 16 : index
        %get3A_190 = tpu.vector_load %arg16[%get3A_188, %get3A_189] {strides = array<i32>} : memref<128x32xf32, #tpu.memory_space<vmem>>, vector<16xf32>,
        %mul3A_191 = arith.mulf %get3A_190, %gather3A_180 : vector<16xf32>
        %swap3A_192 = arith.index_cast %add3A_178 : i32 to index
        %swap3A_193 = arith.constant 16 : index
        %swap3A_194 = tpu.vector_load %arg16[%swap3A_192, %swap3A_193] {strides = array<i32>} : memref<128x32xf32, #tpu.memory_space<vmem>>, vector<16xf32>,
        tpu.vector_store %arg16[%swap3A_192, %swap3A_193], %mul3A_191 {strides = array<i32>} : memref<128x32xf32, #tpu.memory_space<vmem>>, vector<16xf32>,
        %add3A_195 = arith.constant 2 : i32
        %add3A_196 = arith.addi %mul3A_146, %add3A_195 : i32
        %broadcast_in_dim3A_197 = vector.broadcast %add3A_196 : i32 to vector<16xi32>
        %gather3A_198 = tpu.vector_load_idx %arg15[%broadcast_in_dim3A_197] : memref<128xf32, #tpu.memory_space<vmem>>[vector<16xi32>], vector<16xf32>,
        %get3A_199 = arith.index_cast %add3A_196 : i32 to index
        %get3A_200 = arith.constant 0 : index
        %get3A_201 = tpu.vector_load %arg16[%get3A_199, %get3A_200] {strides = array<i32>} : memref<128x32xf32, #tpu.memory_space<vmem>>, vector<16xf32>,
        %mul3A_202 = arith.mulf %get3A_201, %gather3A_198 : vector<16xf32>
        %swap3A_203 = arith.index_cast %add3A_196 : i32 to index
        %swap3A_204 = arith.constant 0 : index
        %swap3A_205 = tpu.vector_load %arg16[%swap3A_203, %swap3A_204] {strides = array<i32>} : memref<128x32xf32, #tpu.memory_space<vmem>>, vector<16xf32>,
        tpu.vector_store %arg16[%swap3A_203, %swap3A_204], %mul3A_202 {strides = array<i32>} : memref<128x32xf32, #tpu.memory_space<vmem>>, vector<16xf32>,
        %get3A_206 = arith.index_cast %add3A_196 : i32 to index
        %get3A_207 = arith.constant 16 : index
        %get3A_208 = tpu.vector_load %arg16[%get3A_206, %get3A_207] {strides = array<i32>} : memref<128x32xf32, #tpu.memory_space<vmem>>, vector<16xf32>,
        %mul3A_209 = arith.mulf %get3A_208, %gather3A_198 : vector<16xf32>
        %swap3A_210 = arith.index_cast %add3A_196 : i32 to index
        %swap3A_211 = arith.constant 16 : index
        %swap3A_212 = tpu.vector_load %arg16[%swap3A_210, %swap3A_211] {strides = array<i32>} : memref<128x32xf32, #tpu.memory_space<vmem>>, vector<16xf32>,
        tpu.vector_store %arg16[%swap3A_210, %swap3A_211], %mul3A_209 {strides = array<i32>} : memref<128x32xf32, #tpu.memory_space<vmem>>, vector<16xf32>,
        %add3A_213 = arith.constant 3 : i32
        %add3A_214 = arith.addi %mul3A_146, %add3A_213 : i32
        %broadcast_in_dim3A_215 = vector.broadcast %add3A_214 : i32 to vector<16xi32>
        %gather3A_216 = tpu.vector_load_idx %arg15[%broadcast_in_dim3A_215] : memref<128xf32, #tpu.memory_space<vmem>>[vector<16xi32>], vector<16xf32>,
        %get3A_217 = arith.index_cast %add3A_214 : i32 to index
        %get3A_218 = arith.constant 0 : index
        %get3A_219 = tpu.vector_load %arg16[%get3A_217, %get3A_218] {strides = array<i32>} : memref<128x32xf32, #tpu.memory_space<vmem>>, vector<16xf32>,
        %mul3A_220 = arith.mulf %get3A_219, %gather3A_216 : vector<16xf32>
        %swap3A_221 = arith.index_cast %add3A_214 : i32 to index
        %swap3A_222 = arith.constant 0 : index
        %swap3A_223 = tpu.vector_load %arg16[%swap3A_221, %swap3A_222] {strides = array<i32>} : memref<128x32xf32, #tpu.memory_space<vmem>>, vector<16xf32>,
        tpu.vector_store %arg16[%swap3A_221, %swap3A_222], %mul3A_220 {strides = array<i32>} : memref<128x32xf32, #tpu.memory_space<vmem>>, vector<16xf32>,
        %get3A_224 = arith.index_cast %add3A_214 : i32 to index
        %get3A_225 = arith.constant 16 : index
        %get3A_226 = tpu.vector_load %arg16[%get3A_224, %get3A_225] {strides = array<i32>} : memref<128x32xf32, #tpu.memory_space<vmem>>, vector<16xf32>,
        %mul3A_227 = arith.mulf %get3A_226, %gather3A_216 : vector<16xf32>
        %swap3A_228 = arith.index_cast %add3A_214 : i32 to index
        %swap3A_229 = arith.constant 16 : index
        %swap3A_230 = tpu.vector_load %arg16[%swap3A_228, %swap3A_229] {strides = array<i32>} : memref<128x32xf32, #tpu.memory_space<vmem>>, vector<16xf32>,
        tpu.vector_store %arg16[%swap3A_228, %swap3A_229], %mul3A_227 {strides = array<i32>} : memref<128x32xf32, #tpu.memory_space<vmem>>, vector<16xf32>,
        %add3A_231 = arith.constant 4 : i32
        %add3A_232 = arith.addi %mul3A_146, %add3A_231 : i32
        %broadcast_in_dim3A_233 = vector.broadcast %add3A_232 : i32 to vector<16xi32>
        %gather3A_234 = tpu.vector_load_idx %arg15[%broadcast_in_dim3A_233] : memref<128xf32, #tpu.memory_space<vmem>>[vector<16xi32>], vector<16xf32>,
        %get3A_235 = arith.index_cast %add3A_232 : i32 to index
        %get3A_236 = arith.constant 0 : index
        %get3A_237 = tpu.vector_load %arg16[%get3A_235, %get3A_236] {strides = array<i32>} : memref<128x32xf32, #tpu.memory_space<vmem>>, vector<16xf32>,
        %mul3A_238 = arith.mulf %get3A_237, %gather3A_234 : vector<16xf32>
        %swap3A_239 = arith.index_cast %add3A_232 : i32 to index
        %swap3A_240 = arith.constant 0 : index
        %swap3A_241 = tpu.vector_load %arg16[%swap3A_239, %swap3A_240] {strides = array<i32>} : memref<128x32xf32, #tpu.memory_space<vmem>>, vector<16xf32>,
        tpu.vector_store %arg16[%swap3A_239, %swap3A_240], %mul3A_238 {strides = array<i32>} : memref<128x32xf32, #tpu.memory_space<vmem>>, vector<16xf32>,
        %get3A_242 = arith.index_cast %add3A_232 : i32 to index
        %get3A_243 = arith.constant 16 : index
        %get3A_244 = tpu.vector_load %arg16[%get3A_242, %get3A_243] {strides = array<i32>} : memref<128x32xf32, #tpu.memory_space<vmem>>, vector<16xf32>,
        %mul3A_245 = arith.mulf %get3A_244, %gather3A_234 : vector<16xf32>
        %swap3A_246 = arith.index_cast %add3A_232 : i32 to index
        %swap3A_247 = arith.constant 16 : index
        %swap3A_248 = tpu.vector_load %arg16[%swap3A_246, %swap3A_247] {strides = array<i32>} : memref<128x32xf32, #tpu.memory_space<vmem>>, vector<16xf32>,
        tpu.vector_store %arg16[%swap3A_246, %swap3A_247], %mul3A_245 {strides = array<i32>} : memref<128x32xf32, #tpu.memory_space<vmem>>, vector<16xf32>,
        %add3A_249 = arith.constant 5 : i32
        %add3A_250 = arith.addi %mul3A_146, %add3A_249 : i32
        %broadcast_in_dim3A_251 = vector.broadcast %add3A_250 : i32 to vector<16xi32>
        %gather3A_252 = tpu.vector_load_idx %arg15[%broadcast_in_dim3A_251] : memref<128xf32, #tpu.memory_space<vmem>>[vector<16xi32>], vector<16xf32>,
        %get3A_253 = arith.index_cast %add3A_250 : i32 to index
        %get3A_254 = arith.constant 0 : index
        %get3A_255 = tpu.vector_load %arg16[%get3A_253, %get3A_254] {strides = array<i32>} : memref<128x32xf32, #tpu.memory_space<vmem>>, vector<16xf32>,
        %mul3A_256 = arith.mulf %get3A_255, %gather3A_252 : vector<16xf32>
        %swap3A_257 = arith.index_cast %add3A_250 : i32 to index
        %swap3A_258 = arith.constant 0 : index
        %swap3A_259 = tpu.vector_load %arg16[%swap3A_257, %swap3A_258] {strides = array<i32>} : memref<128x32xf32, #tpu.memory_space<vmem>>, vector<16xf32>,
        tpu.vector_store %arg16[%swap3A_257, %swap3A_258], %mul3A_256 {strides = array<i32>} : memref<128x32xf32, #tpu.memory_space<vmem>>, vector<16xf32>,
        %get3A_260 = arith.index_cast %add3A_250 : i32 to index
        %get3A_261 = arith.constant 16 : index
        %get3A_262 = tpu.vector_load %arg16[%get3A_260, %get3A_261] {strides = array<i32>} : memref<128x32xf32, #tpu.memory_space<vmem>>, vector<16xf32>,
        %mul3A_263 = arith.mulf %get3A_262, %gather3A_252 : vector<16xf32>
        %swap3A_264 = arith.index_cast %add3A_250 : i32 to index
        %swap3A_265 = arith.constant 16 : index
        %swap3A_266 = tpu.vector_load %arg16[%swap3A_264, %swap3A_265] {strides = array<i32>} : memref<128x32xf32, #tpu.memory_space<vmem>>, vector<16xf32>,
        tpu.vector_store %arg16[%swap3A_264, %swap3A_265], %mul3A_263 {strides = array<i32>} : memref<128x32xf32, #tpu.memory_space<vmem>>, vector<16xf32>,
        %add3A_267 = arith.constant 6 : i32
        %add3A_268 = arith.addi %mul3A_146, %add3A_267 : i32
        %broadcast_in_dim3A_269 = vector.broadcast %add3A_268 : i32 to vector<16xi32>
        %gather3A_270 = tpu.vector_load_idx %arg15[%broadcast_in_dim3A_269] : memref<128xf32, #tpu.memory_space<vmem>>[vector<16xi32>], vector<16xf32>,
        %get3A_271 = arith.index_cast %add3A_268 : i32 to index
        %get3A_272 = arith.constant 0 : index
        %get3A_273 = tpu.vector_load %arg16[%get3A_271, %get3A_272] {strides = array<i32>} : memref<128x32xf32, #tpu.memory_space<vmem>>, vector<16xf32>,
        %mul3A_274 = arith.mulf %get3A_273, %gather3A_270 : vector<16xf32>
        %swap3A_275 = arith.index_cast %add3A_268 : i32 to index
        %swap3A_276 = arith.constant 0 : index
        %swap3A_277 = tpu.vector_load %arg16[%swap3A_275, %swap3A_276] {strides = array<i32>} : memref<128x32xf32, #tpu.memory_space<vmem>>, vector<16xf32>,
        tpu.vector_store %arg16[%swap3A_275, %swap3A_276], %mul3A_274 {strides = array<i32>} : memref<128x32xf32, #tpu.memory_space<vmem>>, vector<16xf32>,
        %get3A_278 = arith.index_cast %add3A_268 : i32 to index
        %get3A_279 = arith.constant 16 : index
        %get3A_280 = tpu.vector_load %arg16[%get3A_278, %get3A_279] {strides = array<i32>} : memref<128x32xf32, #tpu.memory_space<vmem>>, vector<16xf32>,
        %mul3A_281 = arith.mulf %get3A_280, %gather3A_270 : vector<16xf32>
        %swap3A_282 = arith.index_cast %add3A_268 : i32 to index
        %swap3A_283 = arith.constant 16 : index
        %swap3A_284 = tpu.vector_load %arg16[%swap3A_282, %swap3A_283] {strides = array<i32>} : memref<128x32xf32, #tpu.memory_space<vmem>>, vector<16xf32>,
        tpu.vector_store %arg16[%swap3A_282, %swap3A_283], %mul3A_281 {strides = array<i32>} : memref<128x32xf32, #tpu.memory_space<vmem>>, vector<16xf32>,
        %add3A_285 = arith.constant 7 : i32
        %add3A_286 = arith.addi %mul3A_146, %add3A_285 : i32
        %broadcast_in_dim3A_287 = vector.broadcast %add3A_286 : i32 to vector<16xi32>
        %gather3A_288 = tpu.vector_load_idx %arg15[%broadcast_in_dim3A_287] : memref<128xf32, #tpu.memory_space<vmem>>[vector<16xi32>], vector<16xf32>,
        %get3A_289 = arith.index_cast %add3A_286 : i32 to index
        %get3A_290 = arith.constant 0 : index
        %get3A_291 = tpu.vector_load %arg16[%get3A_289, %get3A_290] {strides = array<i32>} : memref<128x32xf32, #tpu.memory_space<vmem>>, vector<16xf32>,
        %mul3A_292 = arith.mulf %get3A_291, %gather3A_288 : vector<16xf32>
        %swap3A_293 = arith.index_cast %add3A_286 : i32 to index
        %swap3A_294 = arith.constant 0 : index
        %swap3A_295 = tpu.vector_load %arg16[%swap3A_293, %swap3A_294] {strides = array<i32>} : memref<128x32xf32, #tpu.memory_space<vmem>>, vector<16xf32>,
        tpu.vector_store %arg16[%swap3A_293, %swap3A_294], %mul3A_292 {strides = array<i32>} : memref<128x32xf32, #tpu.memory_space<vmem>>, vector<16xf32>,
        %get3A_296 = arith.index_cast %add3A_286 : i32 to index
        %get3A_297 = arith.constant 16 : index
        %get3A_298 = tpu.vector_load %arg16[%get3A_296, %get3A_297] {strides = array<i32>} : memref<128x32xf32, #tpu.memory_space<vmem>>, vector<16xf32>,
        %mul3A_299 = arith.mulf %get3A_298, %gather3A_288 : vector<16xf32>
        %swap3A_300 = arith.index_cast %add3A_286 : i32 to index
        %swap3A_301 = arith.constant 16 : index
        %swap3A_302 = tpu.vector_load %arg16[%swap3A_300, %swap3A_301] {strides = array<i32>} : memref<128x32xf32, #tpu.memory_space<vmem>>, vector<16xf32>,
        tpu.vector_store %arg16[%swap3A_300, %swap3A_301], %mul3A_299 {strides = array<i32>} : memref<128x32xf32, #tpu.memory_space<vmem>>, vector<16xf32>,
        %add3A_303 = arith.constant 8 : i32
        %add3A_304 = arith.addi %mul3A_146, %add3A_303 : i32
        %broadcast_in_dim3A_305 = vector.broadcast %add3A_304 : i32 to vector<16xi32>
        %gather3A_306 = tpu.vector_load_idx %arg15[%broadcast_in_dim3A_305] : memref<128xf32, #tpu.memory_space<vmem>>[vector<16xi32>], vector<16xf32>,
        %get3A_307 = arith.index_cast %add3A_304 : i32 to index
        %get3A_308 = arith.constant 0 : index
        %get3A_309 = tpu.vector_load %arg16[%get3A_307, %get3A_308] {strides = array<i32>} : memref<128x32xf32, #tpu.memory_space<vmem>>, vector<16xf32>,
        %mul3A_310 = arith.mulf %get3A_309, %gather3A_306 : vector<16xf32>
        %swap3A_311 = arith.index_cast %add3A_304 : i32 to index
        %swap3A_312 = arith.constant 0 : index
        %swap3A_313 = tpu.vector_load %arg16[%swap3A_311, %swap3A_312] {strides = array<i32>} : memref<128x32xf32, #tpu.memory_space<vmem>>, vector<16xf32>,
        tpu.vector_store %arg16[%swap3A_311, %swap3A_312], %mul3A_310 {strides = array<i32>} : memref<128x32xf32, #tpu.memory_space<vmem>>, vector<16xf32>,
        %get3A_314 = arith.index_cast %add3A_304 : i32 to index
        %get3A_315 = arith.constant 16 : index
        %get3A_316 = tpu.vector_load %arg16[%get3A_314, %get3A_315] {strides = array<i32>} : memref<128x32xf32, #tpu.memory_space<vmem>>, vector<16xf32>,
        %mul3A_317 = arith.mulf %get3A_316, %gather3A_306 : vector<16xf32>
        %swap3A_318 = arith.index_cast %add3A_304 : i32 to index
        %swap3A_319 = arith.constant 16 : index
        %swap3A_320 = tpu.vector_load %arg16[%swap3A_318, %swap3A_319] {strides = array<i32>} : memref<128x32xf32, #tpu.memory_space<vmem>>, vector<16xf32>,
        tpu.vector_store %arg16[%swap3A_318, %swap3A_319], %mul3A_317 {strides = array<i32>} : memref<128x32xf32, #tpu.memory_space<vmem>>, vector<16xf32>,
        %add3A_321 = arith.constant 9 : i32
        %add3A_322 = arith.addi %mul3A_146, %add3A_321 : i32
        %broadcast_in_dim3A_323 = vector.broadcast %add3A_322 : i32 to vector<16xi32>
        %gather3A_324 = tpu.vector_load_idx %arg15[%broadcast_in_dim3A_323] : memref<128xf32, #tpu.memory_space<vmem>>[vector<16xi32>], vector<16xf32>,
        %get3A_325 = arith.index_cast %add3A_322 : i32 to index
        %get3A_326 = arith.constant 0 : index
        %get3A_327 = tpu.vector_load %arg16[%get3A_325, %get3A_326] {strides = array<i32>} : memref<128x32xf32, #tpu.memory_space<vmem>>, vector<16xf32>,
        %mul3A_328 = arith.mulf %get3A_327, %gather3A_324 : vector<16xf32>
        %swap3A_329 = arith.index_cast %add3A_322 : i32 to index
        %swap3A_330 = arith.constant 0 : index
        %swap3A_331 = tpu.vector_load %arg16[%swap3A_329, %swap3A_330] {strides = array<i32>} : memref<128x32xf32, #tpu.memory_space<vmem>>, vector<16xf32>,
        tpu.vector_store %arg16[%swap3A_329, %swap3A_330], %mul3A_328 {strides = array<i32>} : memref<128x32xf32, #tpu.memory_space<vmem>>, vector<16xf32>,
        %get3A_332 = arith.index_cast %add3A_322 : i32 to index
        %get3A_333 = arith.constant 16 : index
        %get3A_334 = tpu.vector_load %arg16[%get3A_332, %get3A_333] {strides = array<i32>} : memref<128x32xf32, #tpu.memory_space<vmem>>, vector<16xf32>,
        %mul3A_335 = arith.mulf %get3A_334, %gather3A_324 : vector<16xf32>
        %swap3A_336 = arith.index_cast %add3A_322 : i32 to index
        %swap3A_337 = arith.constant 16 : index
        %swap3A_338 = tpu.vector_load %arg16[%swap3A_336, %swap3A_337] {strides = array<i32>} : memref<128x32xf32, #tpu.memory_space<vmem>>, vector<16xf32>,
        tpu.vector_store %arg16[%swap3A_336, %swap3A_337], %mul3A_335 {strides = array<i32>} : memref<128x32xf32, #tpu.memory_space<vmem>>, vector<16xf32>,
        %add3A_339 = arith.constant 10 : i32
        %add3A_340 = arith.addi %mul3A_146, %add3A_339 : i32
        %broadcast_in_dim3A_341 = vector.broadcast %add3A_340 : i32 to vector<16xi32>
        %gather3A_342 = tpu.vector_load_idx %arg15[%broadcast_in_dim3A_341] : memref<128xf32, #tpu.memory_space<vmem>>[vector<16xi32>], vector<16xf32>,
        %get3A_343 = arith.index_cast %add3A_340 : i32 to index
        %get3A_344 = arith.constant 0 : index
        %get3A_345 = tpu.vector_load %arg16[%get3A_343, %get3A_344] {strides = array<i32>} : memref<128x32xf32, #tpu.memory_space<vmem>>, vector<16xf32>,
        %mul3A_346 = arith.mulf %get3A_345, %gather3A_342 : vector<16xf32>
        %swap3A_347 = arith.index_cast %add3A_340 : i32 to index
        %swap3A_348 = arith.constant 0 : index
        %swap3A_349 = tpu.vector_load %arg16[%swap3A_347, %swap3A_348] {strides = array<i32>} : memref<128x32xf32, #tpu.memory_space<vmem>>, vector<16xf32>,
        tpu.vector_store %arg16[%swap3A_347, %swap3A_348], %mul3A_346 {strides = array<i32>} : memref<128x32xf32, #tpu.memory_space<vmem>>, vector<16xf32>,
        %get3A_350 = arith.index_cast %add3A_340 : i32 to index
        %get3A_351 = arith.constant 16 : index
        %get3A_352 = tpu.vector_load %arg16[%get3A_350, %get3A_351] {strides = array<i32>} : memref<128x32xf32, #tpu.memory_space<vmem>>, vector<16xf32>,
        %mul3A_353 = arith.mulf %get3A_352, %gather3A_342 : vector<16xf32>
        %swap3A_354 = arith.index_cast %add3A_340 : i32 to index
        %swap3A_355 = arith.constant 16 : index
        %swap3A_356 = tpu.vector_load %arg16[%swap3A_354, %swap3A_355] {strides = array<i32>} : memref<128x32xf32, #tpu.memory_space<vmem>>, vector<16xf32>,
        tpu.vector_store %arg16[%swap3A_354, %swap3A_355], %mul3A_353 {strides = array<i32>} : memref<128x32xf32, #tpu.memory_space<vmem>>, vector<16xf32>,
        %add3A_357 = arith.constant 11 : i32
        %add3A_358 = arith.addi %mul3A_146, %add3A_357 : i32
        %broadcast_in_dim3A_359 = vector.broadcast %add3A_358 : i32 to vector<16xi32>
        %gather3A_360 = tpu.vector_load_idx %arg15[%broadcast_in_dim3A_359] : memref<128xf32, #tpu.memory_space<vmem>>[vector<16xi32>], vector<16xf32>,
        %get3A_361 = arith.index_cast %add3A_358 : i32 to index
        %get3A_362 = arith.constant 0 : index
        %get3A_363 = tpu.vector_load %arg16[%get3A_361, %get3A_362] {strides = array<i32>} : memref<128x32xf32, #tpu.memory_space<vmem>>, vector<16xf32>,
        %mul3A_364 = arith.mulf %get3A_363, %gather3A_360 : vector<16xf32>
        %swap3A_365 = arith.index_cast %add3A_358 : i32 to index
        %swap3A_366 = arith.constant 0 : index
        %swap3A_367 = tpu.vector_load %arg16[%swap3A_365, %swap3A_366] {strides = array<i32>} : memref<128x32xf32, #tpu.memory_space<vmem>>, vector<16xf32>,
        tpu.vector_store %arg16[%swap3A_365, %swap3A_366], %mul3A_364 {strides = array<i32>} : memref<128x32xf32, #tpu.memory_space<vmem>>, vector<16xf32>,
        %get3A_368 = arith.index_cast %add3A_358 : i32 to index
        %get3A_369 = arith.constant 16 : index
        %get3A_370 = tpu.vector_load %arg16[%get3A_368, %get3A_369] {strides = array<i32>} : memref<128x32xf32, #tpu.memory_space<vmem>>, vector<16xf32>,
        %mul3A_371 = arith.mulf %get3A_370, %gather3A_360 : vector<16xf32>
        %swap3A_372 = arith.index_cast %add3A_358 : i32 to index
        %swap3A_373 = arith.constant 16 : index
        %swap3A_374 = tpu.vector_load %arg16[%swap3A_372, %swap3A_373] {strides = array<i32>} : memref<128x32xf32, #tpu.memory_space<vmem>>, vector<16xf32>,
        tpu.vector_store %arg16[%swap3A_372, %swap3A_373], %mul3A_371 {strides = array<i32>} : memref<128x32xf32, #tpu.memory_space<vmem>>, vector<16xf32>,
        %add3A_375 = arith.constant 12 : i32
        %add3A_376 = arith.addi %mul3A_146, %add3A_375 : i32
        %broadcast_in_dim3A_377 = vector.broadcast %add3A_376 : i32 to vector<16xi32>
        %gather3A_378 = tpu.vector_load_idx %arg15[%broadcast_in_dim3A_377] : memref<128xf32, #tpu.memory_space<vmem>>[vector<16xi32>], vector<16xf32>,
        %get3A_379 = arith.index_cast %add3A_376 : i32 to index
        %get3A_380 = arith.constant 0 : index
        %get3A_381 = tpu.vector_load %arg16[%get3A_379, %get3A_380] {strides = array<i32>} : memref<128x32xf32, #tpu.memory_space<vmem>>, vector<16xf32>,
        %mul3A_382 = arith.mulf %get3A_381, %gather3A_378 : vector<16xf32>
        %swap3A_383 = arith.index_cast %add3A_376 : i32 to index
        %swap3A_384 = arith.constant 0 : index
        %swap3A_385 = tpu.vector_load %arg16[%swap3A_383, %swap3A_384] {strides = array<i32>} : memref<128x32xf32, #tpu.memory_space<vmem>>, vector<16xf32>,
        tpu.vector_store %arg16[%swap3A_383, %swap3A_384], %mul3A_382 {strides = array<i32>} : memref<128x32xf32, #tpu.memory_space<vmem>>, vector<16xf32>,
        %get3A_386 = arith.index_cast %add3A_376 : i32 to index
        %get3A_387 = arith.constant 16 : index
        %get3A_388 = tpu.vector_load %arg16[%get3A_386, %get3A_387] {strides = array<i32>} : memref<128x32xf32, #tpu.memory_space<vmem>>, vector<16xf32>,
        %mul3A_389 = arith.mulf %get3A_388, %gather3A_378 : vector<16xf32>
        %swap3A_390 = arith.index_cast %add3A_376 : i32 to index
        %swap3A_391 = arith.constant 16 : index
        %swap3A_392 = tpu.vector_load %arg16[%swap3A_390, %swap3A_391] {strides = array<i32>} : memref<128x32xf32, #tpu.memory_space<vmem>>, vector<16xf32>,
        tpu.vector_store %arg16[%swap3A_390, %swap3A_391], %mul3A_389 {strides = array<i32>} : memref<128x32xf32, #tpu.memory_space<vmem>>, vector<16xf32>,
        %add3A_393 = arith.constant 13 : i32
        %add3A_394 = arith.addi %mul3A_146, %add3A_393 : i32
        %broadcast_in_dim3A_395 = vector.broadcast %add3A_394 : i32 to vector<16xi32>
        %gather3A_396 = tpu.vector_load_idx %arg15[%broadcast_in_dim3A_395] : memref<128xf32, #tpu.memory_space<vmem>>[vector<16xi32>], vector<16xf32>,
        %get3A_397 = arith.index_cast %add3A_394 : i32 to index
        %get3A_398 = arith.constant 0 : index
        %get3A_399 = tpu.vector_load %arg16[%get3A_397, %get3A_398] {strides = array<i32>} : memref<128x32xf32, #tpu.memory_space<vmem>>, vector<16xf32>,
        %mul3A_400 = arith.mulf %get3A_399, %gather3A_396 : vector<16xf32>
        %swap3A_401 = arith.index_cast %add3A_394 : i32 to index
        %swap3A_402 = arith.constant 0 : index
        %swap3A_403 = tpu.vector_load %arg16[%swap3A_401, %swap3A_402] {strides = array<i32>} : memref<128x32xf32, #tpu.memory_space<vmem>>, vector<16xf32>,
        tpu.vector_store %arg16[%swap3A_401, %swap3A_402], %mul3A_400 {strides = array<i32>} : memref<128x32xf32, #tpu.memory_space<vmem>>, vector<16xf32>,
        %get3A_404 = arith.index_cast %add3A_394 : i32 to index
        %get3A_405 = arith.constant 16 : index
        %get3A_406 = tpu.vector_load %arg16[%get3A_404, %get3A_405] {strides = array<i32>} : memref<128x32xf32, #tpu.memory_space<vmem>>, vector<16xf32>,
        %mul3A_407 = arith.mulf %get3A_406, %gather3A_396 : vector<16xf32>
        %swap3A_408 = arith.index_cast %add3A_394 : i32 to index
        %swap3A_409 = arith.constant 16 : index
        %swap3A_410 = tpu.vector_load %arg16[%swap3A_408, %swap3A_409] {strides = array<i32>} : memref<128x32xf32, #tpu.memory_space<vmem>>, vector<16xf32>,
        tpu.vector_store %arg16[%swap3A_408, %swap3A_409], %mul3A_407 {strides = array<i32>} : memref<128x32xf32, #tpu.memory_space<vmem>>, vector<16xf32>,
        %add3A_411 = arith.constant 14 : i32
        %add3A_412 = arith.addi %mul3A_146, %add3A_411 : i32
        %broadcast_in_dim3A_413 = vector.broadcast %add3A_412 : i32 to vector<16xi32>
        %gather3A_414 = tpu.vector_load_idx %arg15[%broadcast_in_dim3A_413] : memref<128xf32, #tpu.memory_space<vmem>>[vector<16xi32>], vector<16xf32>,
        %get3A_415 = arith.index_cast %add3A_412 : i32 to index
        %get3A_416 = arith.constant 0 : index
        %get3A_417 = tpu.vector_load %arg16[%get3A_415, %get3A_416] {strides = array<i32>} : memref<128x32xf32, #tpu.memory_space<vmem>>, vector<16xf32>,
        %mul3A_418 = arith.mulf %get3A_417, %gather3A_414 : vector<16xf32>
        %swap3A_419 = arith.index_cast %add3A_412 : i32 to index
        %swap3A_420 = arith.constant 0 : index
        %swap3A_421 = tpu.vector_load %arg16[%swap3A_419, %swap3A_420] {strides = array<i32>} : memref<128x32xf32, #tpu.memory_space<vmem>>, vector<16xf32>,
        tpu.vector_store %arg16[%swap3A_419, %swap3A_420], %mul3A_418 {strides = array<i32>} : memref<128x32xf32, #tpu.memory_space<vmem>>, vector<16xf32>,
        %get3A_422 = arith.index_cast %add3A_412 : i32 to index
        %get3A_423 = arith.constant 16 : index
        %get3A_424 = tpu.vector_load %arg16[%get3A_422, %get3A_423] {strides = array<i32>} : memref<128x32xf32, #tpu.memory_space<vmem>>, vector<16xf32>,
        %mul3A_425 = arith.mulf %get3A_424, %gather3A_414 : vector<16xf32>
        %swap3A_426 = arith.index_cast %add3A_412 : i32 to index
        %swap3A_427 = arith.constant 16 : index
        %swap3A_428 = tpu.vector_load %arg16[%swap3A_426, %swap3A_427] {strides = array<i32>} : memref<128x32xf32, #tpu.memory_space<vmem>>, vector<16xf32>,
        tpu.vector_store %arg16[%swap3A_426, %swap3A_427], %mul3A_425 {strides = array<i32>} : memref<128x32xf32, #tpu.memory_space<vmem>>, vector<16xf32>,
        %add3A_429 = arith.constant 15 : i32
        %add3A_430 = arith.addi %mul3A_146, %add3A_429 : i32
        %broadcast_in_dim3A_431 = vector.broadcast %add3A_430 : i32 to vector<16xi32>
        %gather3A_432 = tpu.vector_load_idx %arg15[%broadcast_in_dim3A_431] : memref<128xf32, #tpu.memory_space<vmem>>[vector<16xi32>], vector<16xf32>,
        %get3A_433 = arith.index_cast %add3A_430 : i32 to index
        %get3A_434 = arith.constant 0 : index
        %get3A_435 = tpu.vector_load %arg16[%get3A_433, %get3A_434] {strides = array<i32>} : memref<128x32xf32, #tpu.memory_space<vmem>>, vector<16xf32>,
        %mul3A_436 = arith.mulf %get3A_435, %gather3A_432 : vector<16xf32>
        %swap3A_437 = arith.index_cast %add3A_430 : i32 to index
        %swap3A_438 = arith.constant 0 : index
        %swap3A_439 = tpu.vector_load %arg16[%swap3A_437, %swap3A_438] {strides = array<i32>} : memref<128x32xf32, #tpu.memory_space<vmem>>, vector<16xf32>,
        tpu.vector_store %arg16[%swap3A_437, %swap3A_438], %mul3A_436 {strides = array<i32>} : memref<128x32xf32, #tpu.memory_space<vmem>>, vector<16xf32>,
        %get3A_440 = arith.index_cast %add3A_430 : i32 to index
        %get3A_441 = arith.constant 16 : index
        %get3A_442 = tpu.vector_load %arg16[%get3A_440, %get3A_441] {strides = array<i32>} : memref<128x32xf32, #tpu.memory_space<vmem>>, vector<16xf32>,
        %mul3A_443 = arith.mulf %get3A_442, %gather3A_432 : vector<16xf32>
        %swap3A_444 = arith.index_cast %add3A_430 : i32 to index
        %swap3A_445 = arith.constant 16 : index
        %swap3A_446 = tpu.vector_load %arg16[%swap3A_444, %swap3A_445] {strides = array<i32>} : memref<128x32xf32, #tpu.memory_space<vmem>>, vector<16xf32>,
        tpu.vector_store %arg16[%swap3A_444, %swap3A_445], %mul3A_443 {strides = array<i32>} : memref<128x32xf32, #tpu.memory_space<vmem>>, vector<16xf32>,
      }
      %scan3A_139 = arith.constant 8 : i32
      "tpu.region"() ({
        %run_scoped3A = tpu.sem_alloc : memref<!tpu.dma_semaphore, #tpu.memory_space<semaphore_mem>>
        %dma_start3A_140 = arith.constant 0 : i32
        %dma_start3A_141 = arith.constant 0 : i32
        %dma_start3A_142 = tpu.memref_slice %arg11[%dma_start3A_140, %dma_start3A_141] : memref<51200x32xf32, #tpu.memory_space<vmem_shared>> -> memref<51200x32xf32, #tpu.memory_space<vmem_shared>>
        tpu.enqueue_indirect_dma source(%arg16 : memref<128x32xf32, #tpu.memory_space<vmem>>) target(%dma_start3A_142 : memref<51200x32xf32, #tpu.memory_space<vmem_shared>>) offsets(%arg14 : memref<128xi32, #tpu.memory_space<vmem>>) semaphore(%run_scoped3A : memref<!tpu.dma_semaphore, #tpu.memory_space<semaphore_mem>>) {add = true}
        %dma_wait3A_143 = arith.constant 0 : i32
        %dma_wait3A_144 = arith.constant 0 : i32
        %dma_wait3A_145 = tpu.memref_slice %arg11[%dma_wait3A_143, %dma_wait3A_144] : memref<51200x32xf32, #tpu.memory_space<vmem_shared>> -> memref<51200x32xf32, #tpu.memory_space<vmem_shared>>
        tpu.wait_indirect_dma semaphore(%run_scoped3A : memref<!tpu.dma_semaphore, #tpu.memory_space<semaphore_mem>>) src(%arg16 : memref<128x32xf32, #tpu.memory_space<vmem>>) dst(%dma_wait3A_145 : memref<51200x32xf32, #tpu.memory_space<vmem_shared>>)
        tpu.yield
      }) : () -> ()
    }
    %scan3A_37 = arith.constant 391 : i32
    %get3A_38 = arith.constant 2 : i32
    %get3A_39 = arith.index_cast %get3A_38 : i32 to index
    %get3A_40 = arith.constant 0 : index
    %get3A_41 = tpu.vector_load %arg19[%get3A_39, %get3A_40] {strides = array<i32>} : memref<4x16xf32, #tpu.memory_space<vmem>>, vector<16xf32>,
    %mul3A_42 = arith.constant 50000 : i32
    %mul3A_43 = arith.muli %arg0, %mul3A_42 : i32
    %broadcast_in_dim3A_44 = vector.broadcast %mul3A_43 : i32 to vector<16xi32>
    %mul3A_45 = arith.constant 391 : i32
    %mul3A_46 = arith.muli %arg1, %mul3A_45 : i32
    %scan3A_47 = arith.constant 0 : i32
    %scan3A_48 = arith.constant 391 : i32
    %scan3A_49 = arith.addi %scan3A_47, %scan3A_48 : i32
    %scan3A_50 = arith.constant 1 : i32
    scf.for %scan3A_81 = %scan3A_47 to %scan3A_49 step %scan3A_50  : i32 {
      %mul3A_82 = arith.constant 1 : i32
      %mul3A_83 = arith.muli %scan3A_81, %mul3A_82 : i32
      %add3A = arith.constant 0 : i32
      %add3A_84 = arith.addi %add3A, %mul3A_83 : i32
      %add3A_85 = arith.addi %mul3A_46, %add3A_84 : i32
      %mul3A_86 = arith.constant 384 : i32
      %mul3A_87 = arith.muli %add3A_85, %mul3A_86 : i32
      "tpu.region"() ({
        %run_scoped3A = tpu.sem_alloc : memref<!tpu.dma_semaphore, #tpu.memory_space<semaphore_mem>>
        %dma_start3A_140 = tpu.memref_slice %arg4[%mul3A_87] : memref<2402688xi32, #tpu.memory_space<hbm>> -> memref<384xi32, #tpu.memory_space<hbm>>
        %dma_start3A_141 = tpu.memref_slice %arg4[%mul3A_87] : memref<2402688xi32, #tpu.memory_space<hbm>> -> memref<384xi32, #tpu.memory_space<hbm>>
        tpu.enqueue_dma source(%dma_start3A_141 : memref<384xi32, #tpu.memory_space<hbm>>) target(%arg12 : memref<384xi32, #tpu.memory_space<vmem>>) target_semaphore(%run_scoped3A : memref<!tpu.dma_semaphore, #tpu.memory_space<semaphore_mem>>)
        %dma_wait3A_142 = tpu.memref_slice %arg4[%mul3A_87] : memref<2402688xi32, #tpu.memory_space<hbm>> -> memref<384xi32, #tpu.memory_space<hbm>>
        %dma_wait3A_143 = tpu.memref_slice %arg4[%mul3A_87] : memref<2402688xi32, #tpu.memory_space<hbm>> -> memref<384xi32, #tpu.memory_space<hbm>>
        tpu.wait_dma2 semaphore(%run_scoped3A : memref<!tpu.dma_semaphore, #tpu.memory_space<semaphore_mem>>) src(%dma_wait3A_143 : memref<384xi32, #tpu.memory_space<hbm>>) dst(%arg12 : memref<384xi32, #tpu.memory_space<vmem>>)
        tpu.yield
      }) : () -> ()
      %get3A_88 = arith.constant 0 : index
      %get3A_89 = tpu.vector_load %arg12[%get3A_88] {strides = array<i32>} : memref<384xi32, #tpu.memory_space<vmem>>, vector<16xi32>,
      %add3A_90 = arith.addi %get3A_89, %broadcast_in_dim3A_44 : vector<16xi32>
      %swap3A = arith.constant 0 : index
      %swap3A_91 = tpu.vector_load %arg12[%swap3A] {strides = array<i32>} : memref<384xi32, #tpu.memory_space<vmem>>, vector<16xi32>,
      tpu.vector_store %arg12[%swap3A], %add3A_90 {strides = array<i32>} : memref<384xi32, #tpu.memory_space<vmem>>, vector<16xi32>,
      %get3A_92 = arith.constant 16 : index
      %get3A_93 = tpu.vector_load %arg12[%get3A_92] {strides = array<i32>} : memref<384xi32, #tpu.memory_space<vmem>>, vector<16xi32>,
      %add3A_94 = arith.addi %get3A_93, %broadcast_in_dim3A_44 : vector<16xi32>
      %swap3A_95 = arith.constant 16 : index
      %swap3A_96 = tpu.vector_load %arg12[%swap3A_95] {strides = array<i32>} : memref<384xi32, #tpu.memory_space<vmem>>, vector<16xi32>,
      tpu.vector_store %arg12[%swap3A_95], %add3A_94 {strides = array<i32>} : memref<384xi32, #tpu.memory_space<vmem>>, vector<16xi32>,
      %get3A_97 = arith.constant 32 : index
      %get3A_98 = tpu.vector_load %arg12[%get3A_97] {strides = array<i32>} : memref<384xi32, #tpu.memory_space<vmem>>, vector<16xi32>,
      %add3A_99 = arith.addi %get3A_98, %broadcast_in_dim3A_44 : vector<16xi32>
      %swap3A_100 = arith.constant 32 : index
      %swap3A_101 = tpu.vector_load %arg12[%swap3A_100] {strides = array<i32>} : memref<384xi32, #tpu.memory_space<vmem>>, vector<16xi32>,
      tpu.vector_store %arg12[%swap3A_100], %add3A_99 {strides = array<i32>} : memref<384xi32, #tpu.memory_space<vmem>>, vector<16xi32>,
      %get3A_102 = arith.constant 48 : index
      %get3A_103 = tpu.vector_load %arg12[%get3A_102] {strides = array<i32>} : memref<384xi32, #tpu.memory_space<vmem>>, vector<16xi32>,
      %add3A_104 = arith.addi %get3A_103, %broadcast_in_dim3A_44 : vector<16xi32>
      %swap3A_105 = arith.constant 48 : index
      %swap3A_106 = tpu.vector_load %arg12[%swap3A_105] {strides = array<i32>} : memref<384xi32, #tpu.memory_space<vmem>>, vector<16xi32>,
      tpu.vector_store %arg12[%swap3A_105], %add3A_104 {strides = array<i32>} : memref<384xi32, #tpu.memory_space<vmem>>, vector<16xi32>,
      %get3A_107 = arith.constant 64 : index
      %get3A_108 = tpu.vector_load %arg12[%get3A_107] {strides = array<i32>} : memref<384xi32, #tpu.memory_space<vmem>>, vector<16xi32>,
      %add3A_109 = arith.addi %get3A_108, %broadcast_in_dim3A_44 : vector<16xi32>
      %swap3A_110 = arith.constant 64 : index
      %swap3A_111 = tpu.vector_load %arg12[%swap3A_110] {strides = array<i32>} : memref<384xi32, #tpu.memory_space<vmem>>, vector<16xi32>,
      tpu.vector_store %arg12[%swap3A_110], %add3A_109 {strides = array<i32>} : memref<384xi32, #tpu.memory_space<vmem>>, vector<16xi32>,
      %get3A_112 = arith.constant 80 : index
      %get3A_113 = tpu.vector_load %arg12[%get3A_112] {strides = array<i32>} : memref<384xi32, #tpu.memory_space<vmem>>, vector<16xi32>,
      %add3A_114 = arith.addi %get3A_113, %broadcast_in_dim3A_44 : vector<16xi32>
      %swap3A_115 = arith.constant 80 : index
      %swap3A_116 = tpu.vector_load %arg12[%swap3A_115] {strides = array<i32>} : memref<384xi32, #tpu.memory_space<vmem>>, vector<16xi32>,
      tpu.vector_store %arg12[%swap3A_115], %add3A_114 {strides = array<i32>} : memref<384xi32, #tpu.memory_space<vmem>>, vector<16xi32>,
      %get3A_117 = arith.constant 96 : index
      %get3A_118 = tpu.vector_load %arg12[%get3A_117] {strides = array<i32>} : memref<384xi32, #tpu.memory_space<vmem>>, vector<16xi32>,
      %add3A_119 = arith.addi %get3A_118, %broadcast_in_dim3A_44 : vector<16xi32>
      %swap3A_120 = arith.constant 96 : index
      %swap3A_121 = tpu.vector_load %arg12[%swap3A_120] {strides = array<i32>} : memref<384xi32, #tpu.memory_space<vmem>>, vector<16xi32>,
      tpu.vector_store %arg12[%swap3A_120], %add3A_119 {strides = array<i32>} : memref<384xi32, #tpu.memory_space<vmem>>, vector<16xi32>,
      %get3A_122 = arith.constant 112 : index
      %get3A_123 = tpu.vector_load %arg12[%get3A_122] {strides = array<i32>} : memref<384xi32, #tpu.memory_space<vmem>>, vector<16xi32>,
      %add3A_124 = arith.addi %get3A_123, %broadcast_in_dim3A_44 : vector<16xi32>
      %swap3A_125 = arith.constant 112 : index
      %swap3A_126 = tpu.vector_load %arg12[%swap3A_125] {strides = array<i32>} : memref<384xi32, #tpu.memory_space<vmem>>, vector<16xi32>,
      tpu.vector_store %arg12[%swap3A_125], %add3A_124 {strides = array<i32>} : memref<384xi32, #tpu.memory_space<vmem>>, vector<16xi32>,
      %dma_start3A = arith.constant 0 : i32
      %dma_start3A_127 = tpu.memref_slice %arg12[%dma_start3A] : memref<384xi32, #tpu.memory_space<vmem>> -> memref<128xi32, #tpu.memory_space<vmem>>
      %dma_start3A_128 = arith.constant 0 : i32
      %dma_start3A_129 = arith.constant 0 : i32
      %dma_start3A_130 = tpu.memref_slice %arg7[%dma_start3A_128, %dma_start3A_129] : memref<100000x32xf32, #tpu.memory_space<hbm>> -> memref<100000x32xf32, #tpu.memory_space<hbm>>
      tpu.enqueue_indirect_dma source(%dma_start3A_130 : memref<100000x32xf32, #tpu.memory_space<hbm>>) target(%arg16 : memref<128x32xf32, #tpu.memory_space<vmem>>) offsets(%dma_start3A_127 : memref<128xi32, #tpu.memory_space<vmem>>) semaphore(%arg20 : memref<!tpu.dma_semaphore, #tpu.memory_space<semaphore_mem>>)
      %dma_wait3A = arith.constant 0 : i32
      %dma_wait3A_131 = tpu.memref_slice %arg12[%dma_wait3A] : memref<384xi32, #tpu.memory_space<vmem>> -> memref<128xi32, #tpu.memory_space<vmem>>
      %dma_wait3A_132 = arith.constant 0 : i32
      %dma_wait3A_133 = arith.constant 0 : i32
      %dma_wait3A_134 = tpu.memref_slice %arg7[%dma_wait3A_132, %dma_wait3A_133] : memref<100000x32xf32, #tpu.memory_space<hbm>> -> memref<100000x32xf32, #tpu.memory_space<hbm>>
      tpu.wait_indirect_dma semaphore(%arg20 : memref<!tpu.dma_semaphore, #tpu.memory_space<semaphore_mem>>) src(%dma_wait3A_134 : memref<100000x32xf32, #tpu.memory_space<hbm>>) dst(%arg16 : memref<128x32xf32, #tpu.memory_space<vmem>>)
      %scan3A_135 = arith.constant 0 : i32
      %scan3A_136 = arith.constant 8 : i32
      %scan3A_137 = arith.addi %scan3A_135, %scan3A_136 : i32
      %scan3A_138 = arith.constant 1 : i32
      scf.for %scan3A_140 = %scan3A_135 to %scan3A_137 step %scan3A_138  : i32 {
        %mul3A_141 = arith.constant 1 : i32
        %mul3A_142 = arith.muli %scan3A_140, %mul3A_141 : i32
        %add3A_143 = arith.constant 0 : i32
        %add3A_144 = arith.addi %add3A_143, %mul3A_142 : i32
        %mul3A_145 = arith.constant 16 : i32
        %mul3A_146 = arith.muli %add3A_144, %mul3A_145 : i32
        %add3A_147 = arith.constant 256 : i32
        %add3A_148 = arith.addi %add3A_147, %mul3A_146 : i32
        %get3A_149 = arith.index_cast %add3A_148 : i32 to index
        %get3A_150 = tpu.vector_load %arg12[%get3A_149] {strides = array<i32>} : memref<384xi32, #tpu.memory_space<vmem>>, vector<16xi32>,
        %bitcast3A = vector.bitcast %get3A_150 : vector<16xi32> to vector<16xf32>
        %mul3A_151 = arith.mulf %bitcast3A, %get3A_41 : vector<16xf32>
        %swap3A_152 = arith.index_cast %mul3A_146 : i32 to index
        %swap3A_153 = tpu.vector_load %arg15[%swap3A_152] {strides = array<i32>} : memref<128xf32, #tpu.memory_space<vmem>>, vector<16xf32>,
        tpu.vector_store %arg15[%swap3A_152], %mul3A_151 {strides = array<i32>} : memref<128xf32, #tpu.memory_space<vmem>>, vector<16xf32>,
        %add3A_154 = arith.constant 128 : i32
        %add3A_155 = arith.addi %add3A_154, %mul3A_146 : i32
        %get3A_156 = arith.index_cast %add3A_155 : i32 to index
        %get3A_157 = tpu.vector_load %arg12[%get3A_156] {strides = array<i32>} : memref<384xi32, #tpu.memory_space<vmem>>, vector<16xi32>,
        %swap3A_158 = arith.index_cast %mul3A_146 : i32 to index
        %swap3A_159 = tpu.vector_load %arg14[%swap3A_158] {strides = array<i32>} : memref<128xi32, #tpu.memory_space<vmem>>, vector<16xi32>,
        tpu.vector_store %arg14[%swap3A_158], %get3A_157 {strides = array<i32>} : memref<128xi32, #tpu.memory_space<vmem>>, vector<16xi32>,
        %add3A_160 = arith.constant 0 : i32
        %add3A_161 = arith.addi %mul3A_146, %add3A_160 : i32
        %broadcast_in_dim3A_162 = vector.broadcast %add3A_161 : i32 to vector<16xi32>
        %gather3A = tpu.vector_load_idx %arg15[%broadcast_in_dim3A_162] : memref<128xf32, #tpu.memory_space<vmem>>[vector<16xi32>], vector<16xf32>,
        %get3A_163 = arith.index_cast %add3A_161 : i32 to index
        %get3A_164 = arith.constant 0 : index
        %get3A_165 = tpu.vector_load %arg16[%get3A_163, %get3A_164] {strides = array<i32>} : memref<128x32xf32, #tpu.memory_space<vmem>>, vector<16xf32>,
        %mul3A_166 = arith.mulf %get3A_165, %gather3A : vector<16xf32>
        %swap3A_167 = arith.index_cast %add3A_161 : i32 to index
        %swap3A_168 = arith.constant 0 : index
        %swap3A_169 = tpu.vector_load %arg16[%swap3A_167, %swap3A_168] {strides = array<i32>} : memref<128x32xf32, #tpu.memory_space<vmem>>, vector<16xf32>,
        tpu.vector_store %arg16[%swap3A_167, %swap3A_168], %mul3A_166 {strides = array<i32>} : memref<128x32xf32, #tpu.memory_space<vmem>>, vector<16xf32>,
        %get3A_170 = arith.index_cast %add3A_161 : i32 to index
        %get3A_171 = arith.constant 16 : index
        %get3A_172 = tpu.vector_load %arg16[%get3A_170, %get3A_171] {strides = array<i32>} : memref<128x32xf32, #tpu.memory_space<vmem>>, vector<16xf32>,
        %mul3A_173 = arith.mulf %get3A_172, %gather3A : vector<16xf32>
        %swap3A_174 = arith.index_cast %add3A_161 : i32 to index
        %swap3A_175 = arith.constant 16 : index
        %swap3A_176 = tpu.vector_load %arg16[%swap3A_174, %swap3A_175] {strides = array<i32>} : memref<128x32xf32, #tpu.memory_space<vmem>>, vector<16xf32>,
        tpu.vector_store %arg16[%swap3A_174, %swap3A_175], %mul3A_173 {strides = array<i32>} : memref<128x32xf32, #tpu.memory_space<vmem>>, vector<16xf32>,
        %add3A_177 = arith.constant 1 : i32
        %add3A_178 = arith.addi %mul3A_146, %add3A_177 : i32
        %broadcast_in_dim3A_179 = vector.broadcast %add3A_178 : i32 to vector<16xi32>
        %gather3A_180 = tpu.vector_load_idx %arg15[%broadcast_in_dim3A_179] : memref<128xf32, #tpu.memory_space<vmem>>[vector<16xi32>], vector<16xf32>,
        %get3A_181 = arith.index_cast %add3A_178 : i32 to index
        %get3A_182 = arith.constant 0 : index
        %get3A_183 = tpu.vector_load %arg16[%get3A_181, %get3A_182] {strides = array<i32>} : memref<128x32xf32, #tpu.memory_space<vmem>>, vector<16xf32>,
        %mul3A_184 = arith.mulf %get3A_183, %gather3A_180 : vector<16xf32>
        %swap3A_185 = arith.index_cast %add3A_178 : i32 to index
        %swap3A_186 = arith.constant 0 : index
        %swap3A_187 = tpu.vector_load %arg16[%swap3A_185, %swap3A_186] {strides = array<i32>} : memref<128x32xf32, #tpu.memory_space<vmem>>, vector<16xf32>,
        tpu.vector_store %arg16[%swap3A_185, %swap3A_186], %mul3A_184 {strides = array<i32>} : memref<128x32xf32, #tpu.memory_space<vmem>>, vector<16xf32>,
        %get3A_188 = arith.index_cast %add3A_178 : i32 to index
        %get3A_189 = arith.constant 16 : index
        %get3A_190 = tpu.vector_load %arg16[%get3A_188, %get3A_189] {strides = array<i32>} : memref<128x32xf32, #tpu.memory_space<vmem>>, vector<16xf32>,
        %mul3A_191 = arith.mulf %get3A_190, %gather3A_180 : vector<16xf32>
        %swap3A_192 = arith.index_cast %add3A_178 : i32 to index
        %swap3A_193 = arith.constant 16 : index
        %swap3A_194 = tpu.vector_load %arg16[%swap3A_192, %swap3A_193] {strides = array<i32>} : memref<128x32xf32, #tpu.memory_space<vmem>>, vector<16xf32>,
        tpu.vector_store %arg16[%swap3A_192, %swap3A_193], %mul3A_191 {strides = array<i32>} : memref<128x32xf32, #tpu.memory_space<vmem>>, vector<16xf32>,
        %add3A_195 = arith.constant 2 : i32
        %add3A_196 = arith.addi %mul3A_146, %add3A_195 : i32
        %broadcast_in_dim3A_197 = vector.broadcast %add3A_196 : i32 to vector<16xi32>
        %gather3A_198 = tpu.vector_load_idx %arg15[%broadcast_in_dim3A_197] : memref<128xf32, #tpu.memory_space<vmem>>[vector<16xi32>], vector<16xf32>,
        %get3A_199 = arith.index_cast %add3A_196 : i32 to index
        %get3A_200 = arith.constant 0 : index
        %get3A_201 = tpu.vector_load %arg16[%get3A_199, %get3A_200] {strides = array<i32>} : memref<128x32xf32, #tpu.memory_space<vmem>>, vector<16xf32>,
        %mul3A_202 = arith.mulf %get3A_201, %gather3A_198 : vector<16xf32>
        %swap3A_203 = arith.index_cast %add3A_196 : i32 to index
        %swap3A_204 = arith.constant 0 : index
        %swap3A_205 = tpu.vector_load %arg16[%swap3A_203, %swap3A_204] {strides = array<i32>} : memref<128x32xf32, #tpu.memory_space<vmem>>, vector<16xf32>,
        tpu.vector_store %arg16[%swap3A_203, %swap3A_204], %mul3A_202 {strides = array<i32>} : memref<128x32xf32, #tpu.memory_space<vmem>>, vector<16xf32>,
        %get3A_206 = arith.index_cast %add3A_196 : i32 to index
        %get3A_207 = arith.constant 16 : index
        %get3A_208 = tpu.vector_load %arg16[%get3A_206, %get3A_207] {strides = array<i32>} : memref<128x32xf32, #tpu.memory_space<vmem>>, vector<16xf32>,
        %mul3A_209 = arith.mulf %get3A_208, %gather3A_198 : vector<16xf32>
        %swap3A_210 = arith.index_cast %add3A_196 : i32 to index
        %swap3A_211 = arith.constant 16 : index
        %swap3A_212 = tpu.vector_load %arg16[%swap3A_210, %swap3A_211] {strides = array<i32>} : memref<128x32xf32, #tpu.memory_space<vmem>>, vector<16xf32>,
        tpu.vector_store %arg16[%swap3A_210, %swap3A_211], %mul3A_209 {strides = array<i32>} : memref<128x32xf32, #tpu.memory_space<vmem>>, vector<16xf32>,
        %add3A_213 = arith.constant 3 : i32
        %add3A_214 = arith.addi %mul3A_146, %add3A_213 : i32
        %broadcast_in_dim3A_215 = vector.broadcast %add3A_214 : i32 to vector<16xi32>
        %gather3A_216 = tpu.vector_load_idx %arg15[%broadcast_in_dim3A_215] : memref<128xf32, #tpu.memory_space<vmem>>[vector<16xi32>], vector<16xf32>,
        %get3A_217 = arith.index_cast %add3A_214 : i32 to index
        %get3A_218 = arith.constant 0 : index
        %get3A_219 = tpu.vector_load %arg16[%get3A_217, %get3A_218] {strides = array<i32>} : memref<128x32xf32, #tpu.memory_space<vmem>>, vector<16xf32>,
        %mul3A_220 = arith.mulf %get3A_219, %gather3A_216 : vector<16xf32>
        %swap3A_221 = arith.index_cast %add3A_214 : i32 to index
        %swap3A_222 = arith.constant 0 : index
        %swap3A_223 = tpu.vector_load %arg16[%swap3A_221, %swap3A_222] {strides = array<i32>} : memref<128x32xf32, #tpu.memory_space<vmem>>, vector<16xf32>,
        tpu.vector_store %arg16[%swap3A_221, %swap3A_222], %mul3A_220 {strides = array<i32>} : memref<128x32xf32, #tpu.memory_space<vmem>>, vector<16xf32>,
        %get3A_224 = arith.index_cast %add3A_214 : i32 to index
        %get3A_225 = arith.constant 16 : index
        %get3A_226 = tpu.vector_load %arg16[%get3A_224, %get3A_225] {strides = array<i32>} : memref<128x32xf32, #tpu.memory_space<vmem>>, vector<16xf32>,
        %mul3A_227 = arith.mulf %get3A_226, %gather3A_216 : vector<16xf32>
        %swap3A_228 = arith.index_cast %add3A_214 : i32 to index
        %swap3A_229 = arith.constant 16 : index
        %swap3A_230 = tpu.vector_load %arg16[%swap3A_228, %swap3A_229] {strides = array<i32>} : memref<128x32xf32, #tpu.memory_space<vmem>>, vector<16xf32>,
        tpu.vector_store %arg16[%swap3A_228, %swap3A_229], %mul3A_227 {strides = array<i32>} : memref<128x32xf32, #tpu.memory_space<vmem>>, vector<16xf32>,
        %add3A_231 = arith.constant 4 : i32
        %add3A_232 = arith.addi %mul3A_146, %add3A_231 : i32
        %broadcast_in_dim3A_233 = vector.broadcast %add3A_232 : i32 to vector<16xi32>
        %gather3A_234 = tpu.vector_load_idx %arg15[%broadcast_in_dim3A_233] : memref<128xf32, #tpu.memory_space<vmem>>[vector<16xi32>], vector<16xf32>,
        %get3A_235 = arith.index_cast %add3A_232 : i32 to index
        %get3A_236 = arith.constant 0 : index
        %get3A_237 = tpu.vector_load %arg16[%get3A_235, %get3A_236] {strides = array<i32>} : memref<128x32xf32, #tpu.memory_space<vmem>>, vector<16xf32>,
        %mul3A_238 = arith.mulf %get3A_237, %gather3A_234 : vector<16xf32>
        %swap3A_239 = arith.index_cast %add3A_232 : i32 to index
        %swap3A_240 = arith.constant 0 : index
        %swap3A_241 = tpu.vector_load %arg16[%swap3A_239, %swap3A_240] {strides = array<i32>} : memref<128x32xf32, #tpu.memory_space<vmem>>, vector<16xf32>,
        tpu.vector_store %arg16[%swap3A_239, %swap3A_240], %mul3A_238 {strides = array<i32>} : memref<128x32xf32, #tpu.memory_space<vmem>>, vector<16xf32>,
        %get3A_242 = arith.index_cast %add3A_232 : i32 to index
        %get3A_243 = arith.constant 16 : index
        %get3A_244 = tpu.vector_load %arg16[%get3A_242, %get3A_243] {strides = array<i32>} : memref<128x32xf32, #tpu.memory_space<vmem>>, vector<16xf32>,
        %mul3A_245 = arith.mulf %get3A_244, %gather3A_234 : vector<16xf32>
        %swap3A_246 = arith.index_cast %add3A_232 : i32 to index
        %swap3A_247 = arith.constant 16 : index
        %swap3A_248 = tpu.vector_load %arg16[%swap3A_246, %swap3A_247] {strides = array<i32>} : memref<128x32xf32, #tpu.memory_space<vmem>>, vector<16xf32>,
        tpu.vector_store %arg16[%swap3A_246, %swap3A_247], %mul3A_245 {strides = array<i32>} : memref<128x32xf32, #tpu.memory_space<vmem>>, vector<16xf32>,
        %add3A_249 = arith.constant 5 : i32
        %add3A_250 = arith.addi %mul3A_146, %add3A_249 : i32
        %broadcast_in_dim3A_251 = vector.broadcast %add3A_250 : i32 to vector<16xi32>
        %gather3A_252 = tpu.vector_load_idx %arg15[%broadcast_in_dim3A_251] : memref<128xf32, #tpu.memory_space<vmem>>[vector<16xi32>], vector<16xf32>,
        %get3A_253 = arith.index_cast %add3A_250 : i32 to index
        %get3A_254 = arith.constant 0 : index
        %get3A_255 = tpu.vector_load %arg16[%get3A_253, %get3A_254] {strides = array<i32>} : memref<128x32xf32, #tpu.memory_space<vmem>>, vector<16xf32>,
        %mul3A_256 = arith.mulf %get3A_255, %gather3A_252 : vector<16xf32>
        %swap3A_257 = arith.index_cast %add3A_250 : i32 to index
        %swap3A_258 = arith.constant 0 : index
        %swap3A_259 = tpu.vector_load %arg16[%swap3A_257, %swap3A_258] {strides = array<i32>} : memref<128x32xf32, #tpu.memory_space<vmem>>, vector<16xf32>,
        tpu.vector_store %arg16[%swap3A_257, %swap3A_258], %mul3A_256 {strides = array<i32>} : memref<128x32xf32, #tpu.memory_space<vmem>>, vector<16xf32>,
        %get3A_260 = arith.index_cast %add3A_250 : i32 to index
        %get3A_261 = arith.constant 16 : index
        %get3A_262 = tpu.vector_load %arg16[%get3A_260, %get3A_261] {strides = array<i32>} : memref<128x32xf32, #tpu.memory_space<vmem>>, vector<16xf32>,
        %mul3A_263 = arith.mulf %get3A_262, %gather3A_252 : vector<16xf32>
        %swap3A_264 = arith.index_cast %add3A_250 : i32 to index
        %swap3A_265 = arith.constant 16 : index
        %swap3A_266 = tpu.vector_load %arg16[%swap3A_264, %swap3A_265] {strides = array<i32>} : memref<128x32xf32, #tpu.memory_space<vmem>>, vector<16xf32>,
        tpu.vector_store %arg16[%swap3A_264, %swap3A_265], %mul3A_263 {strides = array<i32>} : memref<128x32xf32, #tpu.memory_space<vmem>>, vector<16xf32>,
        %add3A_267 = arith.constant 6 : i32
        %add3A_268 = arith.addi %mul3A_146, %add3A_267 : i32
        %broadcast_in_dim3A_269 = vector.broadcast %add3A_268 : i32 to vector<16xi32>
        %gather3A_270 = tpu.vector_load_idx %arg15[%broadcast_in_dim3A_269] : memref<128xf32, #tpu.memory_space<vmem>>[vector<16xi32>], vector<16xf32>,
        %get3A_271 = arith.index_cast %add3A_268 : i32 to index
        %get3A_272 = arith.constant 0 : index
        %get3A_273 = tpu.vector_load %arg16[%get3A_271, %get3A_272] {strides = array<i32>} : memref<128x32xf32, #tpu.memory_space<vmem>>, vector<16xf32>,
        %mul3A_274 = arith.mulf %get3A_273, %gather3A_270 : vector<16xf32>
        %swap3A_275 = arith.index_cast %add3A_268 : i32 to index
        %swap3A_276 = arith.constant 0 : index
        %swap3A_277 = tpu.vector_load %arg16[%swap3A_275, %swap3A_276] {strides = array<i32>} : memref<128x32xf32, #tpu.memory_space<vmem>>, vector<16xf32>,
        tpu.vector_store %arg16[%swap3A_275, %swap3A_276], %mul3A_274 {strides = array<i32>} : memref<128x32xf32, #tpu.memory_space<vmem>>, vector<16xf32>,
        %get3A_278 = arith.index_cast %add3A_268 : i32 to index
        %get3A_279 = arith.constant 16 : index
        %get3A_280 = tpu.vector_load %arg16[%get3A_278, %get3A_279] {strides = array<i32>} : memref<128x32xf32, #tpu.memory_space<vmem>>, vector<16xf32>,
        %mul3A_281 = arith.mulf %get3A_280, %gather3A_270 : vector<16xf32>
        %swap3A_282 = arith.index_cast %add3A_268 : i32 to index
        %swap3A_283 = arith.constant 16 : index
        %swap3A_284 = tpu.vector_load %arg16[%swap3A_282, %swap3A_283] {strides = array<i32>} : memref<128x32xf32, #tpu.memory_space<vmem>>, vector<16xf32>,
        tpu.vector_store %arg16[%swap3A_282, %swap3A_283], %mul3A_281 {strides = array<i32>} : memref<128x32xf32, #tpu.memory_space<vmem>>, vector<16xf32>,
        %add3A_285 = arith.constant 7 : i32
        %add3A_286 = arith.addi %mul3A_146, %add3A_285 : i32
        %broadcast_in_dim3A_287 = vector.broadcast %add3A_286 : i32 to vector<16xi32>
        %gather3A_288 = tpu.vector_load_idx %arg15[%broadcast_in_dim3A_287] : memref<128xf32, #tpu.memory_space<vmem>>[vector<16xi32>], vector<16xf32>,
        %get3A_289 = arith.index_cast %add3A_286 : i32 to index
        %get3A_290 = arith.constant 0 : index
        %get3A_291 = tpu.vector_load %arg16[%get3A_289, %get3A_290] {strides = array<i32>} : memref<128x32xf32, #tpu.memory_space<vmem>>, vector<16xf32>,
        %mul3A_292 = arith.mulf %get3A_291, %gather3A_288 : vector<16xf32>
        %swap3A_293 = arith.index_cast %add3A_286 : i32 to index
        %swap3A_294 = arith.constant 0 : index
        %swap3A_295 = tpu.vector_load %arg16[%swap3A_293, %swap3A_294] {strides = array<i32>} : memref<128x32xf32, #tpu.memory_space<vmem>>, vector<16xf32>,
        tpu.vector_store %arg16[%swap3A_293, %swap3A_294], %mul3A_292 {strides = array<i32>} : memref<128x32xf32, #tpu.memory_space<vmem>>, vector<16xf32>,
        %get3A_296 = arith.index_cast %add3A_286 : i32 to index
        %get3A_297 = arith.constant 16 : index
        %get3A_298 = tpu.vector_load %arg16[%get3A_296, %get3A_297] {strides = array<i32>} : memref<128x32xf32, #tpu.memory_space<vmem>>, vector<16xf32>,
        %mul3A_299 = arith.mulf %get3A_298, %gather3A_288 : vector<16xf32>
        %swap3A_300 = arith.index_cast %add3A_286 : i32 to index
        %swap3A_301 = arith.constant 16 : index
        %swap3A_302 = tpu.vector_load %arg16[%swap3A_300, %swap3A_301] {strides = array<i32>} : memref<128x32xf32, #tpu.memory_space<vmem>>, vector<16xf32>,
        tpu.vector_store %arg16[%swap3A_300, %swap3A_301], %mul3A_299 {strides = array<i32>} : memref<128x32xf32, #tpu.memory_space<vmem>>, vector<16xf32>,
        %add3A_303 = arith.constant 8 : i32
        %add3A_304 = arith.addi %mul3A_146, %add3A_303 : i32
        %broadcast_in_dim3A_305 = vector.broadcast %add3A_304 : i32 to vector<16xi32>
        %gather3A_306 = tpu.vector_load_idx %arg15[%broadcast_in_dim3A_305] : memref<128xf32, #tpu.memory_space<vmem>>[vector<16xi32>], vector<16xf32>,
        %get3A_307 = arith.index_cast %add3A_304 : i32 to index
        %get3A_308 = arith.constant 0 : index
        %get3A_309 = tpu.vector_load %arg16[%get3A_307, %get3A_308] {strides = array<i32>} : memref<128x32xf32, #tpu.memory_space<vmem>>, vector<16xf32>,
        %mul3A_310 = arith.mulf %get3A_309, %gather3A_306 : vector<16xf32>
        %swap3A_311 = arith.index_cast %add3A_304 : i32 to index
        %swap3A_312 = arith.constant 0 : index
        %swap3A_313 = tpu.vector_load %arg16[%swap3A_311, %swap3A_312] {strides = array<i32>} : memref<128x32xf32, #tpu.memory_space<vmem>>, vector<16xf32>,
        tpu.vector_store %arg16[%swap3A_311, %swap3A_312], %mul3A_310 {strides = array<i32>} : memref<128x32xf32, #tpu.memory_space<vmem>>, vector<16xf32>,
        %get3A_314 = arith.index_cast %add3A_304 : i32 to index
        %get3A_315 = arith.constant 16 : index
        %get3A_316 = tpu.vector_load %arg16[%get3A_314, %get3A_315] {strides = array<i32>} : memref<128x32xf32, #tpu.memory_space<vmem>>, vector<16xf32>,
        %mul3A_317 = arith.mulf %get3A_316, %gather3A_306 : vector<16xf32>
        %swap3A_318 = arith.index_cast %add3A_304 : i32 to index
        %swap3A_319 = arith.constant 16 : index
        %swap3A_320 = tpu.vector_load %arg16[%swap3A_318, %swap3A_319] {strides = array<i32>} : memref<128x32xf32, #tpu.memory_space<vmem>>, vector<16xf32>,
        tpu.vector_store %arg16[%swap3A_318, %swap3A_319], %mul3A_317 {strides = array<i32>} : memref<128x32xf32, #tpu.memory_space<vmem>>, vector<16xf32>,
        %add3A_321 = arith.constant 9 : i32
        %add3A_322 = arith.addi %mul3A_146, %add3A_321 : i32
        %broadcast_in_dim3A_323 = vector.broadcast %add3A_322 : i32 to vector<16xi32>
        %gather3A_324 = tpu.vector_load_idx %arg15[%broadcast_in_dim3A_323] : memref<128xf32, #tpu.memory_space<vmem>>[vector<16xi32>], vector<16xf32>,
        %get3A_325 = arith.index_cast %add3A_322 : i32 to index
        %get3A_326 = arith.constant 0 : index
        %get3A_327 = tpu.vector_load %arg16[%get3A_325, %get3A_326] {strides = array<i32>} : memref<128x32xf32, #tpu.memory_space<vmem>>, vector<16xf32>,
        %mul3A_328 = arith.mulf %get3A_327, %gather3A_324 : vector<16xf32>
        %swap3A_329 = arith.index_cast %add3A_322 : i32 to index
        %swap3A_330 = arith.constant 0 : index
        %swap3A_331 = tpu.vector_load %arg16[%swap3A_329, %swap3A_330] {strides = array<i32>} : memref<128x32xf32, #tpu.memory_space<vmem>>, vector<16xf32>,
        tpu.vector_store %arg16[%swap3A_329, %swap3A_330], %mul3A_328 {strides = array<i32>} : memref<128x32xf32, #tpu.memory_space<vmem>>, vector<16xf32>,
        %get3A_332 = arith.index_cast %add3A_322 : i32 to index
        %get3A_333 = arith.constant 16 : index
        %get3A_334 = tpu.vector_load %arg16[%get3A_332, %get3A_333] {strides = array<i32>} : memref<128x32xf32, #tpu.memory_space<vmem>>, vector<16xf32>,
        %mul3A_335 = arith.mulf %get3A_334, %gather3A_324 : vector<16xf32>
        %swap3A_336 = arith.index_cast %add3A_322 : i32 to index
        %swap3A_337 = arith.constant 16 : index
        %swap3A_338 = tpu.vector_load %arg16[%swap3A_336, %swap3A_337] {strides = array<i32>} : memref<128x32xf32, #tpu.memory_space<vmem>>, vector<16xf32>,
        tpu.vector_store %arg16[%swap3A_336, %swap3A_337], %mul3A_335 {strides = array<i32>} : memref<128x32xf32, #tpu.memory_space<vmem>>, vector<16xf32>,
        %add3A_339 = arith.constant 10 : i32
        %add3A_340 = arith.addi %mul3A_146, %add3A_339 : i32
        %broadcast_in_dim3A_341 = vector.broadcast %add3A_340 : i32 to vector<16xi32>
        %gather3A_342 = tpu.vector_load_idx %arg15[%broadcast_in_dim3A_341] : memref<128xf32, #tpu.memory_space<vmem>>[vector<16xi32>], vector<16xf32>,
        %get3A_343 = arith.index_cast %add3A_340 : i32 to index
        %get3A_344 = arith.constant 0 : index
        %get3A_345 = tpu.vector_load %arg16[%get3A_343, %get3A_344] {strides = array<i32>} : memref<128x32xf32, #tpu.memory_space<vmem>>, vector<16xf32>,
        %mul3A_346 = arith.mulf %get3A_345, %gather3A_342 : vector<16xf32>
        %swap3A_347 = arith.index_cast %add3A_340 : i32 to index
        %swap3A_348 = arith.constant 0 : index
        %swap3A_349 = tpu.vector_load %arg16[%swap3A_347, %swap3A_348] {strides = array<i32>} : memref<128x32xf32, #tpu.memory_space<vmem>>, vector<16xf32>,
        tpu.vector_store %arg16[%swap3A_347, %swap3A_348], %mul3A_346 {strides = array<i32>} : memref<128x32xf32, #tpu.memory_space<vmem>>, vector<16xf32>,
        %get3A_350 = arith.index_cast %add3A_340 : i32 to index
        %get3A_351 = arith.constant 16 : index
        %get3A_352 = tpu.vector_load %arg16[%get3A_350, %get3A_351] {strides = array<i32>} : memref<128x32xf32, #tpu.memory_space<vmem>>, vector<16xf32>,
        %mul3A_353 = arith.mulf %get3A_352, %gather3A_342 : vector<16xf32>
        %swap3A_354 = arith.index_cast %add3A_340 : i32 to index
        %swap3A_355 = arith.constant 16 : index
        %swap3A_356 = tpu.vector_load %arg16[%swap3A_354, %swap3A_355] {strides = array<i32>} : memref<128x32xf32, #tpu.memory_space<vmem>>, vector<16xf32>,
        tpu.vector_store %arg16[%swap3A_354, %swap3A_355], %mul3A_353 {strides = array<i32>} : memref<128x32xf32, #tpu.memory_space<vmem>>, vector<16xf32>,
        %add3A_357 = arith.constant 11 : i32
        %add3A_358 = arith.addi %mul3A_146, %add3A_357 : i32
        %broadcast_in_dim3A_359 = vector.broadcast %add3A_358 : i32 to vector<16xi32>
        %gather3A_360 = tpu.vector_load_idx %arg15[%broadcast_in_dim3A_359] : memref<128xf32, #tpu.memory_space<vmem>>[vector<16xi32>], vector<16xf32>,
        %get3A_361 = arith.index_cast %add3A_358 : i32 to index
        %get3A_362 = arith.constant 0 : index
        %get3A_363 = tpu.vector_load %arg16[%get3A_361, %get3A_362] {strides = array<i32>} : memref<128x32xf32, #tpu.memory_space<vmem>>, vector<16xf32>,
        %mul3A_364 = arith.mulf %get3A_363, %gather3A_360 : vector<16xf32>
        %swap3A_365 = arith.index_cast %add3A_358 : i32 to index
        %swap3A_366 = arith.constant 0 : index
        %swap3A_367 = tpu.vector_load %arg16[%swap3A_365, %swap3A_366] {strides = array<i32>} : memref<128x32xf32, #tpu.memory_space<vmem>>, vector<16xf32>,
        tpu.vector_store %arg16[%swap3A_365, %swap3A_366], %mul3A_364 {strides = array<i32>} : memref<128x32xf32, #tpu.memory_space<vmem>>, vector<16xf32>,
        %get3A_368 = arith.index_cast %add3A_358 : i32 to index
        %get3A_369 = arith.constant 16 : index
        %get3A_370 = tpu.vector_load %arg16[%get3A_368, %get3A_369] {strides = array<i32>} : memref<128x32xf32, #tpu.memory_space<vmem>>, vector<16xf32>,
        %mul3A_371 = arith.mulf %get3A_370, %gather3A_360 : vector<16xf32>
        %swap3A_372 = arith.index_cast %add3A_358 : i32 to index
        %swap3A_373 = arith.constant 16 : index
        %swap3A_374 = tpu.vector_load %arg16[%swap3A_372, %swap3A_373] {strides = array<i32>} : memref<128x32xf32, #tpu.memory_space<vmem>>, vector<16xf32>,
        tpu.vector_store %arg16[%swap3A_372, %swap3A_373], %mul3A_371 {strides = array<i32>} : memref<128x32xf32, #tpu.memory_space<vmem>>, vector<16xf32>,
        %add3A_375 = arith.constant 12 : i32
        %add3A_376 = arith.addi %mul3A_146, %add3A_375 : i32
        %broadcast_in_dim3A_377 = vector.broadcast %add3A_376 : i32 to vector<16xi32>
        %gather3A_378 = tpu.vector_load_idx %arg15[%broadcast_in_dim3A_377] : memref<128xf32, #tpu.memory_space<vmem>>[vector<16xi32>], vector<16xf32>,
        %get3A_379 = arith.index_cast %add3A_376 : i32 to index
        %get3A_380 = arith.constant 0 : index
        %get3A_381 = tpu.vector_load %arg16[%get3A_379, %get3A_380] {strides = array<i32>} : memref<128x32xf32, #tpu.memory_space<vmem>>, vector<16xf32>,
        %mul3A_382 = arith.mulf %get3A_381, %gather3A_378 : vector<16xf32>
        %swap3A_383 = arith.index_cast %add3A_376 : i32 to index
        %swap3A_384 = arith.constant 0 : index
        %swap3A_385 = tpu.vector_load %arg16[%swap3A_383, %swap3A_384] {strides = array<i32>} : memref<128x32xf32, #tpu.memory_space<vmem>>, vector<16xf32>,
        tpu.vector_store %arg16[%swap3A_383, %swap3A_384], %mul3A_382 {strides = array<i32>} : memref<128x32xf32, #tpu.memory_space<vmem>>, vector<16xf32>,
        %get3A_386 = arith.index_cast %add3A_376 : i32 to index
        %get3A_387 = arith.constant 16 : index
        %get3A_388 = tpu.vector_load %arg16[%get3A_386, %get3A_387] {strides = array<i32>} : memref<128x32xf32, #tpu.memory_space<vmem>>, vector<16xf32>,
        %mul3A_389 = arith.mulf %get3A_388, %gather3A_378 : vector<16xf32>
        %swap3A_390 = arith.index_cast %add3A_376 : i32 to index
        %swap3A_391 = arith.constant 16 : index
        %swap3A_392 = tpu.vector_load %arg16[%swap3A_390, %swap3A_391] {strides = array<i32>} : memref<128x32xf32, #tpu.memory_space<vmem>>, vector<16xf32>,
        tpu.vector_store %arg16[%swap3A_390, %swap3A_391], %mul3A_389 {strides = array<i32>} : memref<128x32xf32, #tpu.memory_space<vmem>>, vector<16xf32>,
        %add3A_393 = arith.constant 13 : i32
        %add3A_394 = arith.addi %mul3A_146, %add3A_393 : i32
        %broadcast_in_dim3A_395 = vector.broadcast %add3A_394 : i32 to vector<16xi32>
        %gather3A_396 = tpu.vector_load_idx %arg15[%broadcast_in_dim3A_395] : memref<128xf32, #tpu.memory_space<vmem>>[vector<16xi32>], vector<16xf32>,
        %get3A_397 = arith.index_cast %add3A_394 : i32 to index
        %get3A_398 = arith.constant 0 : index
        %get3A_399 = tpu.vector_load %arg16[%get3A_397, %get3A_398] {strides = array<i32>} : memref<128x32xf32, #tpu.memory_space<vmem>>, vector<16xf32>,
        %mul3A_400 = arith.mulf %get3A_399, %gather3A_396 : vector<16xf32>
        %swap3A_401 = arith.index_cast %add3A_394 : i32 to index
        %swap3A_402 = arith.constant 0 : index
        %swap3A_403 = tpu.vector_load %arg16[%swap3A_401, %swap3A_402] {strides = array<i32>} : memref<128x32xf32, #tpu.memory_space<vmem>>, vector<16xf32>,
        tpu.vector_store %arg16[%swap3A_401, %swap3A_402], %mul3A_400 {strides = array<i32>} : memref<128x32xf32, #tpu.memory_space<vmem>>, vector<16xf32>,
        %get3A_404 = arith.index_cast %add3A_394 : i32 to index
        %get3A_405 = arith.constant 16 : index
        %get3A_406 = tpu.vector_load %arg16[%get3A_404, %get3A_405] {strides = array<i32>} : memref<128x32xf32, #tpu.memory_space<vmem>>, vector<16xf32>,
        %mul3A_407 = arith.mulf %get3A_406, %gather3A_396 : vector<16xf32>
        %swap3A_408 = arith.index_cast %add3A_394 : i32 to index
        %swap3A_409 = arith.constant 16 : index
        %swap3A_410 = tpu.vector_load %arg16[%swap3A_408, %swap3A_409] {strides = array<i32>} : memref<128x32xf32, #tpu.memory_space<vmem>>, vector<16xf32>,
        tpu.vector_store %arg16[%swap3A_408, %swap3A_409], %mul3A_407 {strides = array<i32>} : memref<128x32xf32, #tpu.memory_space<vmem>>, vector<16xf32>,
        %add3A_411 = arith.constant 14 : i32
        %add3A_412 = arith.addi %mul3A_146, %add3A_411 : i32
        %broadcast_in_dim3A_413 = vector.broadcast %add3A_412 : i32 to vector<16xi32>
        %gather3A_414 = tpu.vector_load_idx %arg15[%broadcast_in_dim3A_413] : memref<128xf32, #tpu.memory_space<vmem>>[vector<16xi32>], vector<16xf32>,
        %get3A_415 = arith.index_cast %add3A_412 : i32 to index
        %get3A_416 = arith.constant 0 : index
        %get3A_417 = tpu.vector_load %arg16[%get3A_415, %get3A_416] {strides = array<i32>} : memref<128x32xf32, #tpu.memory_space<vmem>>, vector<16xf32>,
        %mul3A_418 = arith.mulf %get3A_417, %gather3A_414 : vector<16xf32>
        %swap3A_419 = arith.index_cast %add3A_412 : i32 to index
        %swap3A_420 = arith.constant 0 : index
        %swap3A_421 = tpu.vector_load %arg16[%swap3A_419, %swap3A_420] {strides = array<i32>} : memref<128x32xf32, #tpu.memory_space<vmem>>, vector<16xf32>,
        tpu.vector_store %arg16[%swap3A_419, %swap3A_420], %mul3A_418 {strides = array<i32>} : memref<128x32xf32, #tpu.memory_space<vmem>>, vector<16xf32>,
        %get3A_422 = arith.index_cast %add3A_412 : i32 to index
        %get3A_423 = arith.constant 16 : index
        %get3A_424 = tpu.vector_load %arg16[%get3A_422, %get3A_423] {strides = array<i32>} : memref<128x32xf32, #tpu.memory_space<vmem>>, vector<16xf32>,
        %mul3A_425 = arith.mulf %get3A_424, %gather3A_414 : vector<16xf32>
        %swap3A_426 = arith.index_cast %add3A_412 : i32 to index
        %swap3A_427 = arith.constant 16 : index
        %swap3A_428 = tpu.vector_load %arg16[%swap3A_426, %swap3A_427] {strides = array<i32>} : memref<128x32xf32, #tpu.memory_space<vmem>>, vector<16xf32>,
        tpu.vector_store %arg16[%swap3A_426, %swap3A_427], %mul3A_425 {strides = array<i32>} : memref<128x32xf32, #tpu.memory_space<vmem>>, vector<16xf32>,
        %add3A_429 = arith.constant 15 : i32
        %add3A_430 = arith.addi %mul3A_146, %add3A_429 : i32
        %broadcast_in_dim3A_431 = vector.broadcast %add3A_430 : i32 to vector<16xi32>
        %gather3A_432 = tpu.vector_load_idx %arg15[%broadcast_in_dim3A_431] : memref<128xf32, #tpu.memory_space<vmem>>[vector<16xi32>], vector<16xf32>,
        %get3A_433 = arith.index_cast %add3A_430 : i32 to index
        %get3A_434 = arith.constant 0 : index
        %get3A_435 = tpu.vector_load %arg16[%get3A_433, %get3A_434] {strides = array<i32>} : memref<128x32xf32, #tpu.memory_space<vmem>>, vector<16xf32>,
        %mul3A_436 = arith.mulf %get3A_435, %gather3A_432 : vector<16xf32>
        %swap3A_437 = arith.index_cast %add3A_430 : i32 to index
        %swap3A_438 = arith.constant 0 : index
        %swap3A_439 = tpu.vector_load %arg16[%swap3A_437, %swap3A_438] {strides = array<i32>} : memref<128x32xf32, #tpu.memory_space<vmem>>, vector<16xf32>,
        tpu.vector_store %arg16[%swap3A_437, %swap3A_438], %mul3A_436 {strides = array<i32>} : memref<128x32xf32, #tpu.memory_space<vmem>>, vector<16xf32>,
        %get3A_440 = arith.index_cast %add3A_430 : i32 to index
        %get3A_441 = arith.constant 16 : index
        %get3A_442 = tpu.vector_load %arg16[%get3A_440, %get3A_441] {strides = array<i32>} : memref<128x32xf32, #tpu.memory_space<vmem>>, vector<16xf32>,
        %mul3A_443 = arith.mulf %get3A_442, %gather3A_432 : vector<16xf32>
        %swap3A_444 = arith.index_cast %add3A_430 : i32 to index
        %swap3A_445 = arith.constant 16 : index
        %swap3A_446 = tpu.vector_load %arg16[%swap3A_444, %swap3A_445] {strides = array<i32>} : memref<128x32xf32, #tpu.memory_space<vmem>>, vector<16xf32>,
        tpu.vector_store %arg16[%swap3A_444, %swap3A_445], %mul3A_443 {strides = array<i32>} : memref<128x32xf32, #tpu.memory_space<vmem>>, vector<16xf32>,
      }
      %scan3A_139 = arith.constant 8 : i32
      "tpu.region"() ({
        %run_scoped3A = tpu.sem_alloc : memref<!tpu.dma_semaphore, #tpu.memory_space<semaphore_mem>>
        %dma_start3A_140 = arith.constant 0 : i32
        %dma_start3A_141 = arith.constant 0 : i32
        %dma_start3A_142 = tpu.memref_slice %arg11[%dma_start3A_140, %dma_start3A_141] : memref<51200x32xf32, #tpu.memory_space<vmem_shared>> -> memref<51200x32xf32, #tpu.memory_space<vmem_shared>>
        tpu.enqueue_indirect_dma source(%arg16 : memref<128x32xf32, #tpu.memory_space<vmem>>) target(%dma_start3A_142 : memref<51200x32xf32, #tpu.memory_space<vmem_shared>>) offsets(%arg14 : memref<128xi32, #tpu.memory_space<vmem>>) semaphore(%run_scoped3A : memref<!tpu.dma_semaphore, #tpu.memory_space<semaphore_mem>>) {add = true}
        %dma_wait3A_143 = arith.constant 0 : i32
        %dma_wait3A_144 = arith.constant 0 : i32
        %dma_wait3A_145 = tpu.memref_slice %arg11[%dma_wait3A_143, %dma_wait3A_144] : memref<51200x32xf32, #tpu.memory_space<vmem_shared>> -> memref<51200x32xf32, #tpu.memory_space<vmem_shared>>
        tpu.wait_indirect_dma semaphore(%run_scoped3A : memref<!tpu.dma_semaphore, #tpu.memory_space<semaphore_mem>>) src(%arg16 : memref<128x32xf32, #tpu.memory_space<vmem>>) dst(%dma_wait3A_145 : memref<51200x32xf32, #tpu.memory_space<vmem_shared>>)
        tpu.yield
      }) : () -> ()
    }
    %scan3A_51 = arith.constant 391 : i32
    %barrier3A_52 = arith.constant 0 : index
    tpu.barrier barrier_id(%barrier3A_52)
    %mul3A_53 = arith.constant 51200 : i32
    %mul3A_54 = arith.muli %arg0, %mul3A_53 : i32
    %scan3A_55 = arith.constant 0 : i32
    %scan3A_56 = arith.constant 25 : i32
    %scan3A_57 = arith.addi %scan3A_55, %scan3A_56 : i32
    %scan3A_58 = arith.constant 1 : i32
    scf.for %scan3A_81 = %scan3A_55 to %scan3A_57 step %scan3A_58  : i32 {
      %mul3A_82 = arith.constant 1 : i32
      %mul3A_83 = arith.muli %scan3A_81, %mul3A_82 : i32
      %add3A = arith.constant 0 : i32
      %add3A_84 = arith.addi %add3A, %mul3A_83 : i32
      %mul3A_85 = arith.constant 128 : i32
      %mul3A_86 = arith.muli %add3A_84, %mul3A_85 : i32
      %add3A_87 = arith.addi %mul3A_0, %mul3A_86 : i32
      "tpu.region"() ({
        %run_scoped3A = tpu.sem_alloc : memref<!tpu.dma_semaphore, #tpu.memory_space<semaphore_mem>>
        %dma_start3A = arith.constant 0 : i32
        %dma_start3A_94 = tpu.memref_slice %arg11[%add3A_87, %dma_start3A] : memref<51200x32xf32, #tpu.memory_space<vmem_shared>> -> memref<128x32xf32, #tpu.memory_space<vmem_shared>>
        %dma_start3A_95 = arith.constant 0 : i32
        %dma_start3A_96 = tpu.memref_slice %arg11[%add3A_87, %dma_start3A_95] : memref<51200x32xf32, #tpu.memory_space<vmem_shared>> -> memref<128x32xf32, #tpu.memory_space<vmem_shared>>
        tpu.enqueue_dma source(%dma_start3A_96 : memref<128x32xf32, #tpu.memory_space<vmem_shared>>) target(%arg18 : memref<128x32xf32, #tpu.memory_space<vmem>>) target_semaphore(%run_scoped3A : memref<!tpu.dma_semaphore, #tpu.memory_space<semaphore_mem>>)
        %dma_wait3A = arith.constant 0 : i32
        %dma_wait3A_97 = tpu.memref_slice %arg11[%add3A_87, %dma_wait3A] : memref<51200x32xf32, #tpu.memory_space<vmem_shared>> -> memref<128x32xf32, #tpu.memory_space<vmem_shared>>
        %dma_wait3A_98 = arith.constant 0 : i32
        %dma_wait3A_99 = tpu.memref_slice %arg11[%add3A_87, %dma_wait3A_98] : memref<51200x32xf32, #tpu.memory_space<vmem_shared>> -> memref<128x32xf32, #tpu.memory_space<vmem_shared>>
        tpu.wait_dma2 semaphore(%run_scoped3A : memref<!tpu.dma_semaphore, #tpu.memory_space<semaphore_mem>>) src(%dma_wait3A_99 : memref<128x32xf32, #tpu.memory_space<vmem_shared>>) dst(%arg18 : memref<128x32xf32, #tpu.memory_space<vmem>>)
        tpu.yield
      }) : () -> ()
      %add3A_88 = arith.addi %mul3A_54, %add3A_87 : i32
      "tpu.region"() ({
        %run_scoped3A = tpu.sem_alloc : memref<!tpu.dma_semaphore, #tpu.memory_space<semaphore_mem>>
        %dma_start3A = arith.constant 0 : i32
        %dma_start3A_94 = tpu.memref_slice %arg10[%add3A_88, %dma_start3A] : memref<102400x32xf32, #tpu.memory_space<hbm>> -> memref<128x32xf32, #tpu.memory_space<hbm>>
        %dma_start3A_95 = arith.constant 0 : i32
        %dma_start3A_96 = tpu.memref_slice %arg10[%add3A_88, %dma_start3A_95] : memref<102400x32xf32, #tpu.memory_space<hbm>> -> memref<128x32xf32, #tpu.memory_space<hbm>>
        tpu.enqueue_dma source(%arg18 : memref<128x32xf32, #tpu.memory_space<vmem>>) target(%dma_start3A_96 : memref<128x32xf32, #tpu.memory_space<hbm>>) target_semaphore(%run_scoped3A : memref<!tpu.dma_semaphore, #tpu.memory_space<semaphore_mem>>)
        %dma_wait3A = arith.constant 0 : i32
        %dma_wait3A_97 = tpu.memref_slice %arg10[%add3A_88, %dma_wait3A] : memref<102400x32xf32, #tpu.memory_space<hbm>> -> memref<128x32xf32, #tpu.memory_space<hbm>>
        %dma_wait3A_98 = arith.constant 0 : i32
        %dma_wait3A_99 = tpu.memref_slice %arg10[%add3A_88, %dma_wait3A_98] : memref<102400x32xf32, #tpu.memory_space<hbm>> -> memref<128x32xf32, #tpu.memory_space<hbm>>
        tpu.wait_dma2 semaphore(%run_scoped3A : memref<!tpu.dma_semaphore, #tpu.memory_space<semaphore_mem>>) src(%arg18 : memref<128x32xf32, #tpu.memory_space<vmem>>) dst(%dma_wait3A_99 : memref<128x32xf32, #tpu.memory_space<hbm>>)
        tpu.yield
      }) : () -> ()
      %scan3A_89 = arith.constant 0 : i32
      %scan3A_90 = arith.constant 128 : i32
      %scan3A_91 = arith.addi %scan3A_89, %scan3A_90 : i32
      %scan3A_92 = arith.constant 1 : i32
      scf.for %scan3A_94 = %scan3A_89 to %scan3A_91 step %scan3A_92  : i32 {
        %mul3A_95 = arith.constant 1 : i32
        %mul3A_96 = arith.muli %scan3A_94, %mul3A_95 : i32
        %add3A_97 = arith.constant 0 : i32
        %add3A_98 = arith.addi %add3A_97, %mul3A_96 : i32
        %get3A_99 = arith.index_cast %add3A_98 : i32 to index
        %get3A_100 = arith.constant 0 : index
        %get3A_101 = tpu.vector_load %arg18[%get3A_99, %get3A_100] {strides = array<i32>} : memref<128x32xf32, #tpu.memory_space<vmem>>, vector<16xf32>,
        %mul3A_102 = arith.constant 1.500000e+00 : f32
        %mul3A_103 = vector.broadcast %mul3A_102 : f32 to vector<16xf32>
        %mul3A_104 = arith.mulf %get3A_101, %mul3A_103 : vector<16xf32>
        %swap3A = arith.index_cast %add3A_98 : i32 to index
        %swap3A_105 = arith.constant 0 : index
        %swap3A_106 = tpu.vector_load %arg18[%swap3A, %swap3A_105] {strides = array<i32>} : memref<128x32xf32, #tpu.memory_space<vmem>>, vector<16xf32>,
        tpu.vector_store %arg18[%swap3A, %swap3A_105], %mul3A_104 {strides = array<i32>} : memref<128x32xf32, #tpu.memory_space<vmem>>, vector<16xf32>,
        %get3A_107 = arith.index_cast %add3A_98 : i32 to index
        %get3A_108 = arith.constant 16 : index
        %get3A_109 = tpu.vector_load %arg18[%get3A_107, %get3A_108] {strides = array<i32>} : memref<128x32xf32, #tpu.memory_space<vmem>>, vector<16xf32>,
        %mul3A_110 = arith.constant 1.500000e+00 : f32
        %mul3A_111 = vector.broadcast %mul3A_110 : f32 to vector<16xf32>
        %mul3A_112 = arith.mulf %get3A_109, %mul3A_111 : vector<16xf32>
        %swap3A_113 = arith.index_cast %add3A_98 : i32 to index
        %swap3A_114 = arith.constant 16 : index
        %swap3A_115 = tpu.vector_load %arg18[%swap3A_113, %swap3A_114] {strides = array<i32>} : memref<128x32xf32, #tpu.memory_space<vmem>>, vector<16xf32>,
        tpu.vector_store %arg18[%swap3A_113, %swap3A_114], %mul3A_112 {strides = array<i32>} : memref<128x32xf32, #tpu.memory_space<vmem>>, vector<16xf32>,
      }
      %scan3A_93 = arith.constant 128 : i32
      "tpu.region"() ({
        %run_scoped3A = tpu.sem_alloc : memref<!tpu.dma_semaphore, #tpu.memory_space<semaphore_mem>>
        %dma_start3A = arith.constant 0 : i32
        %dma_start3A_94 = tpu.memref_slice %arg11[%add3A_87, %dma_start3A] : memref<51200x32xf32, #tpu.memory_space<vmem_shared>> -> memref<128x32xf32, #tpu.memory_space<vmem_shared>>
        %dma_start3A_95 = arith.constant 0 : i32
        %dma_start3A_96 = tpu.memref_slice %arg11[%add3A_87, %dma_start3A_95] : memref<51200x32xf32, #tpu.memory_space<vmem_shared>> -> memref<128x32xf32, #tpu.memory_space<vmem_shared>>
        tpu.enqueue_dma source(%arg18 : memref<128x32xf32, #tpu.memory_space<vmem>>) target(%dma_start3A_96 : memref<128x32xf32, #tpu.memory_space<vmem_shared>>) target_semaphore(%run_scoped3A : memref<!tpu.dma_semaphore, #tpu.memory_space<semaphore_mem>>)
        %dma_wait3A = arith.constant 0 : i32
        %dma_wait3A_97 = tpu.memref_slice %arg11[%add3A_87, %dma_wait3A] : memref<51200x32xf32, #tpu.memory_space<vmem_shared>> -> memref<128x32xf32, #tpu.memory_space<vmem_shared>>
        %dma_wait3A_98 = arith.constant 0 : i32
        %dma_wait3A_99 = tpu.memref_slice %arg11[%add3A_87, %dma_wait3A_98] : memref<51200x32xf32, #tpu.memory_space<vmem_shared>> -> memref<128x32xf32, #tpu.memory_space<vmem_shared>>
        tpu.wait_dma2 semaphore(%run_scoped3A : memref<!tpu.dma_semaphore, #tpu.memory_space<semaphore_mem>>) src(%arg18 : memref<128x32xf32, #tpu.memory_space<vmem>>) dst(%dma_wait3A_99 : memref<128x32xf32, #tpu.memory_space<vmem_shared>>)
        tpu.yield
      }) : () -> ()
    }
    %scan3A_59 = arith.constant 25 : i32
    %barrier3A_60 = arith.constant 0 : index
    tpu.barrier barrier_id(%barrier3A_60)
    %get3A_61 = arith.constant 3 : i32
    %get3A_62 = arith.index_cast %get3A_61 : i32 to index
    %get3A_63 = arith.constant 0 : index
    %get3A_64 = tpu.vector_load %arg19[%get3A_62, %get3A_63] {strides = array<i32>} : memref<4x16xf32, #tpu.memory_space<vmem>>, vector<16xf32>,
    %mul3A_65 = arith.constant 51200 : i32
    %mul3A_66 = arith.muli %arg0, %mul3A_65 : i32
    %broadcast_in_dim3A_67 = vector.broadcast %mul3A_66 : i32 to vector<16xi32>
    %mul3A_68 = arith.constant 391 : i32
    %mul3A_69 = arith.muli %arg1, %mul3A_68 : i32
    %scan3A_70 = arith.constant 0 : i32
    %scan3A_71 = arith.constant 391 : i32
    %scan3A_72 = arith.addi %scan3A_70, %scan3A_71 : i32
    %scan3A_73 = arith.constant 1 : i32
    scf.for %scan3A_81 = %scan3A_70 to %scan3A_72 step %scan3A_73  : i32 {
      %mul3A_82 = arith.constant 1 : i32
      %mul3A_83 = arith.muli %scan3A_81, %mul3A_82 : i32
      %add3A = arith.constant 0 : i32
      %add3A_84 = arith.addi %add3A, %mul3A_83 : i32
      %add3A_85 = arith.addi %mul3A_69, %add3A_84 : i32
      %mul3A_86 = arith.constant 384 : i32
      %mul3A_87 = arith.muli %add3A_85, %mul3A_86 : i32
      "tpu.region"() ({
        %run_scoped3A = tpu.sem_alloc : memref<!tpu.dma_semaphore, #tpu.memory_space<semaphore_mem>>
        %dma_start3A_140 = tpu.memref_slice %arg2[%mul3A_87] : memref<2402688xi32, #tpu.memory_space<hbm>> -> memref<384xi32, #tpu.memory_space<hbm>>
        %dma_start3A_141 = tpu.memref_slice %arg2[%mul3A_87] : memref<2402688xi32, #tpu.memory_space<hbm>> -> memref<384xi32, #tpu.memory_space<hbm>>
        tpu.enqueue_dma source(%dma_start3A_141 : memref<384xi32, #tpu.memory_space<hbm>>) target(%arg12 : memref<384xi32, #tpu.memory_space<vmem>>) target_semaphore(%run_scoped3A : memref<!tpu.dma_semaphore, #tpu.memory_space<semaphore_mem>>)
        %dma_wait3A_142 = tpu.memref_slice %arg2[%mul3A_87] : memref<2402688xi32, #tpu.memory_space<hbm>> -> memref<384xi32, #tpu.memory_space<hbm>>
        %dma_wait3A_143 = tpu.memref_slice %arg2[%mul3A_87] : memref<2402688xi32, #tpu.memory_space<hbm>> -> memref<384xi32, #tpu.memory_space<hbm>>
        tpu.wait_dma2 semaphore(%run_scoped3A : memref<!tpu.dma_semaphore, #tpu.memory_space<semaphore_mem>>) src(%dma_wait3A_143 : memref<384xi32, #tpu.memory_space<hbm>>) dst(%arg12 : memref<384xi32, #tpu.memory_space<vmem>>)
        tpu.yield
      }) : () -> ()
      %get3A_88 = arith.constant 0 : index
      %get3A_89 = tpu.vector_load %arg12[%get3A_88] {strides = array<i32>} : memref<384xi32, #tpu.memory_space<vmem>>, vector<16xi32>,
      %add3A_90 = arith.addi %get3A_89, %broadcast_in_dim3A_67 : vector<16xi32>
      %swap3A = arith.constant 0 : index
      %swap3A_91 = tpu.vector_load %arg12[%swap3A] {strides = array<i32>} : memref<384xi32, #tpu.memory_space<vmem>>, vector<16xi32>,
      tpu.vector_store %arg12[%swap3A], %add3A_90 {strides = array<i32>} : memref<384xi32, #tpu.memory_space<vmem>>, vector<16xi32>,
      %get3A_92 = arith.constant 16 : index
      %get3A_93 = tpu.vector_load %arg12[%get3A_92] {strides = array<i32>} : memref<384xi32, #tpu.memory_space<vmem>>, vector<16xi32>,
      %add3A_94 = arith.addi %get3A_93, %broadcast_in_dim3A_67 : vector<16xi32>
      %swap3A_95 = arith.constant 16 : index
      %swap3A_96 = tpu.vector_load %arg12[%swap3A_95] {strides = array<i32>} : memref<384xi32, #tpu.memory_space<vmem>>, vector<16xi32>,
      tpu.vector_store %arg12[%swap3A_95], %add3A_94 {strides = array<i32>} : memref<384xi32, #tpu.memory_space<vmem>>, vector<16xi32>,
      %get3A_97 = arith.constant 32 : index
      %get3A_98 = tpu.vector_load %arg12[%get3A_97] {strides = array<i32>} : memref<384xi32, #tpu.memory_space<vmem>>, vector<16xi32>,
      %add3A_99 = arith.addi %get3A_98, %broadcast_in_dim3A_67 : vector<16xi32>
      %swap3A_100 = arith.constant 32 : index
      %swap3A_101 = tpu.vector_load %arg12[%swap3A_100] {strides = array<i32>} : memref<384xi32, #tpu.memory_space<vmem>>, vector<16xi32>,
      tpu.vector_store %arg12[%swap3A_100], %add3A_99 {strides = array<i32>} : memref<384xi32, #tpu.memory_space<vmem>>, vector<16xi32>,
      %get3A_102 = arith.constant 48 : index
      %get3A_103 = tpu.vector_load %arg12[%get3A_102] {strides = array<i32>} : memref<384xi32, #tpu.memory_space<vmem>>, vector<16xi32>,
      %add3A_104 = arith.addi %get3A_103, %broadcast_in_dim3A_67 : vector<16xi32>
      %swap3A_105 = arith.constant 48 : index
      %swap3A_106 = tpu.vector_load %arg12[%swap3A_105] {strides = array<i32>} : memref<384xi32, #tpu.memory_space<vmem>>, vector<16xi32>,
      tpu.vector_store %arg12[%swap3A_105], %add3A_104 {strides = array<i32>} : memref<384xi32, #tpu.memory_space<vmem>>, vector<16xi32>,
      %get3A_107 = arith.constant 64 : index
      %get3A_108 = tpu.vector_load %arg12[%get3A_107] {strides = array<i32>} : memref<384xi32, #tpu.memory_space<vmem>>, vector<16xi32>,
      %add3A_109 = arith.addi %get3A_108, %broadcast_in_dim3A_67 : vector<16xi32>
      %swap3A_110 = arith.constant 64 : index
      %swap3A_111 = tpu.vector_load %arg12[%swap3A_110] {strides = array<i32>} : memref<384xi32, #tpu.memory_space<vmem>>, vector<16xi32>,
      tpu.vector_store %arg12[%swap3A_110], %add3A_109 {strides = array<i32>} : memref<384xi32, #tpu.memory_space<vmem>>, vector<16xi32>,
      %get3A_112 = arith.constant 80 : index
      %get3A_113 = tpu.vector_load %arg12[%get3A_112] {strides = array<i32>} : memref<384xi32, #tpu.memory_space<vmem>>, vector<16xi32>,
      %add3A_114 = arith.addi %get3A_113, %broadcast_in_dim3A_67 : vector<16xi32>
      %swap3A_115 = arith.constant 80 : index
      %swap3A_116 = tpu.vector_load %arg12[%swap3A_115] {strides = array<i32>} : memref<384xi32, #tpu.memory_space<vmem>>, vector<16xi32>,
      tpu.vector_store %arg12[%swap3A_115], %add3A_114 {strides = array<i32>} : memref<384xi32, #tpu.memory_space<vmem>>, vector<16xi32>,
      %get3A_117 = arith.constant 96 : index
      %get3A_118 = tpu.vector_load %arg12[%get3A_117] {strides = array<i32>} : memref<384xi32, #tpu.memory_space<vmem>>, vector<16xi32>,
      %add3A_119 = arith.addi %get3A_118, %broadcast_in_dim3A_67 : vector<16xi32>
      %swap3A_120 = arith.constant 96 : index
      %swap3A_121 = tpu.vector_load %arg12[%swap3A_120] {strides = array<i32>} : memref<384xi32, #tpu.memory_space<vmem>>, vector<16xi32>,
      tpu.vector_store %arg12[%swap3A_120], %add3A_119 {strides = array<i32>} : memref<384xi32, #tpu.memory_space<vmem>>, vector<16xi32>,
      %get3A_122 = arith.constant 112 : index
      %get3A_123 = tpu.vector_load %arg12[%get3A_122] {strides = array<i32>} : memref<384xi32, #tpu.memory_space<vmem>>, vector<16xi32>,
      %add3A_124 = arith.addi %get3A_123, %broadcast_in_dim3A_67 : vector<16xi32>
      %swap3A_125 = arith.constant 112 : index
      %swap3A_126 = tpu.vector_load %arg12[%swap3A_125] {strides = array<i32>} : memref<384xi32, #tpu.memory_space<vmem>>, vector<16xi32>,
      tpu.vector_store %arg12[%swap3A_125], %add3A_124 {strides = array<i32>} : memref<384xi32, #tpu.memory_space<vmem>>, vector<16xi32>,
      %dma_start3A = arith.constant 0 : i32
      %dma_start3A_127 = tpu.memref_slice %arg12[%dma_start3A] : memref<384xi32, #tpu.memory_space<vmem>> -> memref<128xi32, #tpu.memory_space<vmem>>
      %dma_start3A_128 = arith.constant 0 : i32
      %dma_start3A_129 = arith.constant 0 : i32
      %dma_start3A_130 = tpu.memref_slice %arg10[%dma_start3A_128, %dma_start3A_129] : memref<102400x32xf32, #tpu.memory_space<hbm>> -> memref<102400x32xf32, #tpu.memory_space<hbm>>
      tpu.enqueue_indirect_dma source(%dma_start3A_130 : memref<102400x32xf32, #tpu.memory_space<hbm>>) target(%arg16 : memref<128x32xf32, #tpu.memory_space<vmem>>) offsets(%dma_start3A_127 : memref<128xi32, #tpu.memory_space<vmem>>) semaphore(%arg20 : memref<!tpu.dma_semaphore, #tpu.memory_space<semaphore_mem>>)
      %dma_wait3A = arith.constant 0 : i32
      %dma_wait3A_131 = tpu.memref_slice %arg12[%dma_wait3A] : memref<384xi32, #tpu.memory_space<vmem>> -> memref<128xi32, #tpu.memory_space<vmem>>
      %dma_wait3A_132 = arith.constant 0 : i32
      %dma_wait3A_133 = arith.constant 0 : i32
      %dma_wait3A_134 = tpu.memref_slice %arg10[%dma_wait3A_132, %dma_wait3A_133] : memref<102400x32xf32, #tpu.memory_space<hbm>> -> memref<102400x32xf32, #tpu.memory_space<hbm>>
      tpu.wait_indirect_dma semaphore(%arg20 : memref<!tpu.dma_semaphore, #tpu.memory_space<semaphore_mem>>) src(%dma_wait3A_134 : memref<102400x32xf32, #tpu.memory_space<hbm>>) dst(%arg16 : memref<128x32xf32, #tpu.memory_space<vmem>>)
      %scan3A_135 = arith.constant 0 : i32
      %scan3A_136 = arith.constant 8 : i32
      %scan3A_137 = arith.addi %scan3A_135, %scan3A_136 : i32
      %scan3A_138 = arith.constant 1 : i32
      scf.for %scan3A_140 = %scan3A_135 to %scan3A_137 step %scan3A_138  : i32 {
        %mul3A_141 = arith.constant 1 : i32
        %mul3A_142 = arith.muli %scan3A_140, %mul3A_141 : i32
        %add3A_143 = arith.constant 0 : i32
        %add3A_144 = arith.addi %add3A_143, %mul3A_142 : i32
        %mul3A_145 = arith.constant 16 : i32
        %mul3A_146 = arith.muli %add3A_144, %mul3A_145 : i32
        %add3A_147 = arith.constant 256 : i32
        %add3A_148 = arith.addi %add3A_147, %mul3A_146 : i32
        %get3A_149 = arith.index_cast %add3A_148 : i32 to index
        %get3A_150 = tpu.vector_load %arg12[%get3A_149] {strides = array<i32>} : memref<384xi32, #tpu.memory_space<vmem>>, vector<16xi32>,
        %bitcast3A = vector.bitcast %get3A_150 : vector<16xi32> to vector<16xf32>
        %mul3A_151 = arith.mulf %bitcast3A, %get3A_64 : vector<16xf32>
        %swap3A_152 = arith.index_cast %mul3A_146 : i32 to index
        %swap3A_153 = tpu.vector_load %arg15[%swap3A_152] {strides = array<i32>} : memref<128xf32, #tpu.memory_space<vmem>>, vector<16xf32>,
        tpu.vector_store %arg15[%swap3A_152], %mul3A_151 {strides = array<i32>} : memref<128xf32, #tpu.memory_space<vmem>>, vector<16xf32>,
        %add3A_154 = arith.constant 128 : i32
        %add3A_155 = arith.addi %add3A_154, %mul3A_146 : i32
        %get3A_156 = arith.index_cast %add3A_155 : i32 to index
        %get3A_157 = tpu.vector_load %arg12[%get3A_156] {strides = array<i32>} : memref<384xi32, #tpu.memory_space<vmem>>, vector<16xi32>,
        %swap3A_158 = arith.index_cast %mul3A_146 : i32 to index
        %swap3A_159 = tpu.vector_load %arg14[%swap3A_158] {strides = array<i32>} : memref<128xi32, #tpu.memory_space<vmem>>, vector<16xi32>,
        tpu.vector_store %arg14[%swap3A_158], %get3A_157 {strides = array<i32>} : memref<128xi32, #tpu.memory_space<vmem>>, vector<16xi32>,
        %add3A_160 = arith.constant 0 : i32
        %add3A_161 = arith.addi %mul3A_146, %add3A_160 : i32
        %broadcast_in_dim3A_162 = vector.broadcast %add3A_161 : i32 to vector<16xi32>
        %gather3A = tpu.vector_load_idx %arg15[%broadcast_in_dim3A_162] : memref<128xf32, #tpu.memory_space<vmem>>[vector<16xi32>], vector<16xf32>,
        %get3A_163 = arith.index_cast %add3A_161 : i32 to index
        %get3A_164 = arith.constant 0 : index
        %get3A_165 = tpu.vector_load %arg16[%get3A_163, %get3A_164] {strides = array<i32>} : memref<128x32xf32, #tpu.memory_space<vmem>>, vector<16xf32>,
        %mul3A_166 = arith.mulf %get3A_165, %gather3A : vector<16xf32>
        %swap3A_167 = arith.index_cast %add3A_161 : i32 to index
        %swap3A_168 = arith.constant 0 : index
        %swap3A_169 = tpu.vector_load %arg16[%swap3A_167, %swap3A_168] {strides = array<i32>} : memref<128x32xf32, #tpu.memory_space<vmem>>, vector<16xf32>,
        tpu.vector_store %arg16[%swap3A_167, %swap3A_168], %mul3A_166 {strides = array<i32>} : memref<128x32xf32, #tpu.memory_space<vmem>>, vector<16xf32>,
        %get3A_170 = arith.index_cast %add3A_161 : i32 to index
        %get3A_171 = arith.constant 16 : index
        %get3A_172 = tpu.vector_load %arg16[%get3A_170, %get3A_171] {strides = array<i32>} : memref<128x32xf32, #tpu.memory_space<vmem>>, vector<16xf32>,
        %mul3A_173 = arith.mulf %get3A_172, %gather3A : vector<16xf32>
        %swap3A_174 = arith.index_cast %add3A_161 : i32 to index
        %swap3A_175 = arith.constant 16 : index
        %swap3A_176 = tpu.vector_load %arg16[%swap3A_174, %swap3A_175] {strides = array<i32>} : memref<128x32xf32, #tpu.memory_space<vmem>>, vector<16xf32>,
        tpu.vector_store %arg16[%swap3A_174, %swap3A_175], %mul3A_173 {strides = array<i32>} : memref<128x32xf32, #tpu.memory_space<vmem>>, vector<16xf32>,
        %add3A_177 = arith.constant 1 : i32
        %add3A_178 = arith.addi %mul3A_146, %add3A_177 : i32
        %broadcast_in_dim3A_179 = vector.broadcast %add3A_178 : i32 to vector<16xi32>
        %gather3A_180 = tpu.vector_load_idx %arg15[%broadcast_in_dim3A_179] : memref<128xf32, #tpu.memory_space<vmem>>[vector<16xi32>], vector<16xf32>,
        %get3A_181 = arith.index_cast %add3A_178 : i32 to index
        %get3A_182 = arith.constant 0 : index
        %get3A_183 = tpu.vector_load %arg16[%get3A_181, %get3A_182] {strides = array<i32>} : memref<128x32xf32, #tpu.memory_space<vmem>>, vector<16xf32>,
        %mul3A_184 = arith.mulf %get3A_183, %gather3A_180 : vector<16xf32>
        %swap3A_185 = arith.index_cast %add3A_178 : i32 to index
        %swap3A_186 = arith.constant 0 : index
        %swap3A_187 = tpu.vector_load %arg16[%swap3A_185, %swap3A_186] {strides = array<i32>} : memref<128x32xf32, #tpu.memory_space<vmem>>, vector<16xf32>,
        tpu.vector_store %arg16[%swap3A_185, %swap3A_186], %mul3A_184 {strides = array<i32>} : memref<128x32xf32, #tpu.memory_space<vmem>>, vector<16xf32>,
        %get3A_188 = arith.index_cast %add3A_178 : i32 to index
        %get3A_189 = arith.constant 16 : index
        %get3A_190 = tpu.vector_load %arg16[%get3A_188, %get3A_189] {strides = array<i32>} : memref<128x32xf32, #tpu.memory_space<vmem>>, vector<16xf32>,
        %mul3A_191 = arith.mulf %get3A_190, %gather3A_180 : vector<16xf32>
        %swap3A_192 = arith.index_cast %add3A_178 : i32 to index
        %swap3A_193 = arith.constant 16 : index
        %swap3A_194 = tpu.vector_load %arg16[%swap3A_192, %swap3A_193] {strides = array<i32>} : memref<128x32xf32, #tpu.memory_space<vmem>>, vector<16xf32>,
        tpu.vector_store %arg16[%swap3A_192, %swap3A_193], %mul3A_191 {strides = array<i32>} : memref<128x32xf32, #tpu.memory_space<vmem>>, vector<16xf32>,
        %add3A_195 = arith.constant 2 : i32
        %add3A_196 = arith.addi %mul3A_146, %add3A_195 : i32
        %broadcast_in_dim3A_197 = vector.broadcast %add3A_196 : i32 to vector<16xi32>
        %gather3A_198 = tpu.vector_load_idx %arg15[%broadcast_in_dim3A_197] : memref<128xf32, #tpu.memory_space<vmem>>[vector<16xi32>], vector<16xf32>,
        %get3A_199 = arith.index_cast %add3A_196 : i32 to index
        %get3A_200 = arith.constant 0 : index
        %get3A_201 = tpu.vector_load %arg16[%get3A_199, %get3A_200] {strides = array<i32>} : memref<128x32xf32, #tpu.memory_space<vmem>>, vector<16xf32>,
        %mul3A_202 = arith.mulf %get3A_201, %gather3A_198 : vector<16xf32>
        %swap3A_203 = arith.index_cast %add3A_196 : i32 to index
        %swap3A_204 = arith.constant 0 : index
        %swap3A_205 = tpu.vector_load %arg16[%swap3A_203, %swap3A_204] {strides = array<i32>} : memref<128x32xf32, #tpu.memory_space<vmem>>, vector<16xf32>,
        tpu.vector_store %arg16[%swap3A_203, %swap3A_204], %mul3A_202 {strides = array<i32>} : memref<128x32xf32, #tpu.memory_space<vmem>>, vector<16xf32>,
        %get3A_206 = arith.index_cast %add3A_196 : i32 to index
        %get3A_207 = arith.constant 16 : index
        %get3A_208 = tpu.vector_load %arg16[%get3A_206, %get3A_207] {strides = array<i32>} : memref<128x32xf32, #tpu.memory_space<vmem>>, vector<16xf32>,
        %mul3A_209 = arith.mulf %get3A_208, %gather3A_198 : vector<16xf32>
        %swap3A_210 = arith.index_cast %add3A_196 : i32 to index
        %swap3A_211 = arith.constant 16 : index
        %swap3A_212 = tpu.vector_load %arg16[%swap3A_210, %swap3A_211] {strides = array<i32>} : memref<128x32xf32, #tpu.memory_space<vmem>>, vector<16xf32>,
        tpu.vector_store %arg16[%swap3A_210, %swap3A_211], %mul3A_209 {strides = array<i32>} : memref<128x32xf32, #tpu.memory_space<vmem>>, vector<16xf32>,
        %add3A_213 = arith.constant 3 : i32
        %add3A_214 = arith.addi %mul3A_146, %add3A_213 : i32
        %broadcast_in_dim3A_215 = vector.broadcast %add3A_214 : i32 to vector<16xi32>
        %gather3A_216 = tpu.vector_load_idx %arg15[%broadcast_in_dim3A_215] : memref<128xf32, #tpu.memory_space<vmem>>[vector<16xi32>], vector<16xf32>,
        %get3A_217 = arith.index_cast %add3A_214 : i32 to index
        %get3A_218 = arith.constant 0 : index
        %get3A_219 = tpu.vector_load %arg16[%get3A_217, %get3A_218] {strides = array<i32>} : memref<128x32xf32, #tpu.memory_space<vmem>>, vector<16xf32>,
        %mul3A_220 = arith.mulf %get3A_219, %gather3A_216 : vector<16xf32>
        %swap3A_221 = arith.index_cast %add3A_214 : i32 to index
        %swap3A_222 = arith.constant 0 : index
        %swap3A_223 = tpu.vector_load %arg16[%swap3A_221, %swap3A_222] {strides = array<i32>} : memref<128x32xf32, #tpu.memory_space<vmem>>, vector<16xf32>,
        tpu.vector_store %arg16[%swap3A_221, %swap3A_222], %mul3A_220 {strides = array<i32>} : memref<128x32xf32, #tpu.memory_space<vmem>>, vector<16xf32>,
        %get3A_224 = arith.index_cast %add3A_214 : i32 to index
        %get3A_225 = arith.constant 16 : index
        %get3A_226 = tpu.vector_load %arg16[%get3A_224, %get3A_225] {strides = array<i32>} : memref<128x32xf32, #tpu.memory_space<vmem>>, vector<16xf32>,
        %mul3A_227 = arith.mulf %get3A_226, %gather3A_216 : vector<16xf32>
        %swap3A_228 = arith.index_cast %add3A_214 : i32 to index
        %swap3A_229 = arith.constant 16 : index
        %swap3A_230 = tpu.vector_load %arg16[%swap3A_228, %swap3A_229] {strides = array<i32>} : memref<128x32xf32, #tpu.memory_space<vmem>>, vector<16xf32>,
        tpu.vector_store %arg16[%swap3A_228, %swap3A_229], %mul3A_227 {strides = array<i32>} : memref<128x32xf32, #tpu.memory_space<vmem>>, vector<16xf32>,
        %add3A_231 = arith.constant 4 : i32
        %add3A_232 = arith.addi %mul3A_146, %add3A_231 : i32
        %broadcast_in_dim3A_233 = vector.broadcast %add3A_232 : i32 to vector<16xi32>
        %gather3A_234 = tpu.vector_load_idx %arg15[%broadcast_in_dim3A_233] : memref<128xf32, #tpu.memory_space<vmem>>[vector<16xi32>], vector<16xf32>,
        %get3A_235 = arith.index_cast %add3A_232 : i32 to index
        %get3A_236 = arith.constant 0 : index
        %get3A_237 = tpu.vector_load %arg16[%get3A_235, %get3A_236] {strides = array<i32>} : memref<128x32xf32, #tpu.memory_space<vmem>>, vector<16xf32>,
        %mul3A_238 = arith.mulf %get3A_237, %gather3A_234 : vector<16xf32>
        %swap3A_239 = arith.index_cast %add3A_232 : i32 to index
        %swap3A_240 = arith.constant 0 : index
        %swap3A_241 = tpu.vector_load %arg16[%swap3A_239, %swap3A_240] {strides = array<i32>} : memref<128x32xf32, #tpu.memory_space<vmem>>, vector<16xf32>,
        tpu.vector_store %arg16[%swap3A_239, %swap3A_240], %mul3A_238 {strides = array<i32>} : memref<128x32xf32, #tpu.memory_space<vmem>>, vector<16xf32>,
        %get3A_242 = arith.index_cast %add3A_232 : i32 to index
        %get3A_243 = arith.constant 16 : index
        %get3A_244 = tpu.vector_load %arg16[%get3A_242, %get3A_243] {strides = array<i32>} : memref<128x32xf32, #tpu.memory_space<vmem>>, vector<16xf32>,
        %mul3A_245 = arith.mulf %get3A_244, %gather3A_234 : vector<16xf32>
        %swap3A_246 = arith.index_cast %add3A_232 : i32 to index
        %swap3A_247 = arith.constant 16 : index
        %swap3A_248 = tpu.vector_load %arg16[%swap3A_246, %swap3A_247] {strides = array<i32>} : memref<128x32xf32, #tpu.memory_space<vmem>>, vector<16xf32>,
        tpu.vector_store %arg16[%swap3A_246, %swap3A_247], %mul3A_245 {strides = array<i32>} : memref<128x32xf32, #tpu.memory_space<vmem>>, vector<16xf32>,
        %add3A_249 = arith.constant 5 : i32
        %add3A_250 = arith.addi %mul3A_146, %add3A_249 : i32
        %broadcast_in_dim3A_251 = vector.broadcast %add3A_250 : i32 to vector<16xi32>
        %gather3A_252 = tpu.vector_load_idx %arg15[%broadcast_in_dim3A_251] : memref<128xf32, #tpu.memory_space<vmem>>[vector<16xi32>], vector<16xf32>,
        %get3A_253 = arith.index_cast %add3A_250 : i32 to index
        %get3A_254 = arith.constant 0 : index
        %get3A_255 = tpu.vector_load %arg16[%get3A_253, %get3A_254] {strides = array<i32>} : memref<128x32xf32, #tpu.memory_space<vmem>>, vector<16xf32>,
        %mul3A_256 = arith.mulf %get3A_255, %gather3A_252 : vector<16xf32>
        %swap3A_257 = arith.index_cast %add3A_250 : i32 to index
        %swap3A_258 = arith.constant 0 : index
        %swap3A_259 = tpu.vector_load %arg16[%swap3A_257, %swap3A_258] {strides = array<i32>} : memref<128x32xf32, #tpu.memory_space<vmem>>, vector<16xf32>,
        tpu.vector_store %arg16[%swap3A_257, %swap3A_258], %mul3A_256 {strides = array<i32>} : memref<128x32xf32, #tpu.memory_space<vmem>>, vector<16xf32>,
        %get3A_260 = arith.index_cast %add3A_250 : i32 to index
        %get3A_261 = arith.constant 16 : index
        %get3A_262 = tpu.vector_load %arg16[%get3A_260, %get3A_261] {strides = array<i32>} : memref<128x32xf32, #tpu.memory_space<vmem>>, vector<16xf32>,
        %mul3A_263 = arith.mulf %get3A_262, %gather3A_252 : vector<16xf32>
        %swap3A_264 = arith.index_cast %add3A_250 : i32 to index
        %swap3A_265 = arith.constant 16 : index
        %swap3A_266 = tpu.vector_load %arg16[%swap3A_264, %swap3A_265] {strides = array<i32>} : memref<128x32xf32, #tpu.memory_space<vmem>>, vector<16xf32>,
        tpu.vector_store %arg16[%swap3A_264, %swap3A_265], %mul3A_263 {strides = array<i32>} : memref<128x32xf32, #tpu.memory_space<vmem>>, vector<16xf32>,
        %add3A_267 = arith.constant 6 : i32
        %add3A_268 = arith.addi %mul3A_146, %add3A_267 : i32
        %broadcast_in_dim3A_269 = vector.broadcast %add3A_268 : i32 to vector<16xi32>
        %gather3A_270 = tpu.vector_load_idx %arg15[%broadcast_in_dim3A_269] : memref<128xf32, #tpu.memory_space<vmem>>[vector<16xi32>], vector<16xf32>,
        %get3A_271 = arith.index_cast %add3A_268 : i32 to index
        %get3A_272 = arith.constant 0 : index
        %get3A_273 = tpu.vector_load %arg16[%get3A_271, %get3A_272] {strides = array<i32>} : memref<128x32xf32, #tpu.memory_space<vmem>>, vector<16xf32>,
        %mul3A_274 = arith.mulf %get3A_273, %gather3A_270 : vector<16xf32>
        %swap3A_275 = arith.index_cast %add3A_268 : i32 to index
        %swap3A_276 = arith.constant 0 : index
        %swap3A_277 = tpu.vector_load %arg16[%swap3A_275, %swap3A_276] {strides = array<i32>} : memref<128x32xf32, #tpu.memory_space<vmem>>, vector<16xf32>,
        tpu.vector_store %arg16[%swap3A_275, %swap3A_276], %mul3A_274 {strides = array<i32>} : memref<128x32xf32, #tpu.memory_space<vmem>>, vector<16xf32>,
        %get3A_278 = arith.index_cast %add3A_268 : i32 to index
        %get3A_279 = arith.constant 16 : index
        %get3A_280 = tpu.vector_load %arg16[%get3A_278, %get3A_279] {strides = array<i32>} : memref<128x32xf32, #tpu.memory_space<vmem>>, vector<16xf32>,
        %mul3A_281 = arith.mulf %get3A_280, %gather3A_270 : vector<16xf32>
        %swap3A_282 = arith.index_cast %add3A_268 : i32 to index
        %swap3A_283 = arith.constant 16 : index
        %swap3A_284 = tpu.vector_load %arg16[%swap3A_282, %swap3A_283] {strides = array<i32>} : memref<128x32xf32, #tpu.memory_space<vmem>>, vector<16xf32>,
        tpu.vector_store %arg16[%swap3A_282, %swap3A_283], %mul3A_281 {strides = array<i32>} : memref<128x32xf32, #tpu.memory_space<vmem>>, vector<16xf32>,
        %add3A_285 = arith.constant 7 : i32
        %add3A_286 = arith.addi %mul3A_146, %add3A_285 : i32
        %broadcast_in_dim3A_287 = vector.broadcast %add3A_286 : i32 to vector<16xi32>
        %gather3A_288 = tpu.vector_load_idx %arg15[%broadcast_in_dim3A_287] : memref<128xf32, #tpu.memory_space<vmem>>[vector<16xi32>], vector<16xf32>,
        %get3A_289 = arith.index_cast %add3A_286 : i32 to index
        %get3A_290 = arith.constant 0 : index
        %get3A_291 = tpu.vector_load %arg16[%get3A_289, %get3A_290] {strides = array<i32>} : memref<128x32xf32, #tpu.memory_space<vmem>>, vector<16xf32>,
        %mul3A_292 = arith.mulf %get3A_291, %gather3A_288 : vector<16xf32>
        %swap3A_293 = arith.index_cast %add3A_286 : i32 to index
        %swap3A_294 = arith.constant 0 : index
        %swap3A_295 = tpu.vector_load %arg16[%swap3A_293, %swap3A_294] {strides = array<i32>} : memref<128x32xf32, #tpu.memory_space<vmem>>, vector<16xf32>,
        tpu.vector_store %arg16[%swap3A_293, %swap3A_294], %mul3A_292 {strides = array<i32>} : memref<128x32xf32, #tpu.memory_space<vmem>>, vector<16xf32>,
        %get3A_296 = arith.index_cast %add3A_286 : i32 to index
        %get3A_297 = arith.constant 16 : index
        %get3A_298 = tpu.vector_load %arg16[%get3A_296, %get3A_297] {strides = array<i32>} : memref<128x32xf32, #tpu.memory_space<vmem>>, vector<16xf32>,
        %mul3A_299 = arith.mulf %get3A_298, %gather3A_288 : vector<16xf32>
        %swap3A_300 = arith.index_cast %add3A_286 : i32 to index
        %swap3A_301 = arith.constant 16 : index
        %swap3A_302 = tpu.vector_load %arg16[%swap3A_300, %swap3A_301] {strides = array<i32>} : memref<128x32xf32, #tpu.memory_space<vmem>>, vector<16xf32>,
        tpu.vector_store %arg16[%swap3A_300, %swap3A_301], %mul3A_299 {strides = array<i32>} : memref<128x32xf32, #tpu.memory_space<vmem>>, vector<16xf32>,
        %add3A_303 = arith.constant 8 : i32
        %add3A_304 = arith.addi %mul3A_146, %add3A_303 : i32
        %broadcast_in_dim3A_305 = vector.broadcast %add3A_304 : i32 to vector<16xi32>
        %gather3A_306 = tpu.vector_load_idx %arg15[%broadcast_in_dim3A_305] : memref<128xf32, #tpu.memory_space<vmem>>[vector<16xi32>], vector<16xf32>,
        %get3A_307 = arith.index_cast %add3A_304 : i32 to index
        %get3A_308 = arith.constant 0 : index
        %get3A_309 = tpu.vector_load %arg16[%get3A_307, %get3A_308] {strides = array<i32>} : memref<128x32xf32, #tpu.memory_space<vmem>>, vector<16xf32>,
        %mul3A_310 = arith.mulf %get3A_309, %gather3A_306 : vector<16xf32>
        %swap3A_311 = arith.index_cast %add3A_304 : i32 to index
        %swap3A_312 = arith.constant 0 : index
        %swap3A_313 = tpu.vector_load %arg16[%swap3A_311, %swap3A_312] {strides = array<i32>} : memref<128x32xf32, #tpu.memory_space<vmem>>, vector<16xf32>,
        tpu.vector_store %arg16[%swap3A_311, %swap3A_312], %mul3A_310 {strides = array<i32>} : memref<128x32xf32, #tpu.memory_space<vmem>>, vector<16xf32>,
        %get3A_314 = arith.index_cast %add3A_304 : i32 to index
        %get3A_315 = arith.constant 16 : index
        %get3A_316 = tpu.vector_load %arg16[%get3A_314, %get3A_315] {strides = array<i32>} : memref<128x32xf32, #tpu.memory_space<vmem>>, vector<16xf32>,
        %mul3A_317 = arith.mulf %get3A_316, %gather3A_306 : vector<16xf32>
        %swap3A_318 = arith.index_cast %add3A_304 : i32 to index
        %swap3A_319 = arith.constant 16 : index
        %swap3A_320 = tpu.vector_load %arg16[%swap3A_318, %swap3A_319] {strides = array<i32>} : memref<128x32xf32, #tpu.memory_space<vmem>>, vector<16xf32>,
        tpu.vector_store %arg16[%swap3A_318, %swap3A_319], %mul3A_317 {strides = array<i32>} : memref<128x32xf32, #tpu.memory_space<vmem>>, vector<16xf32>,
        %add3A_321 = arith.constant 9 : i32
        %add3A_322 = arith.addi %mul3A_146, %add3A_321 : i32
        %broadcast_in_dim3A_323 = vector.broadcast %add3A_322 : i32 to vector<16xi32>
        %gather3A_324 = tpu.vector_load_idx %arg15[%broadcast_in_dim3A_323] : memref<128xf32, #tpu.memory_space<vmem>>[vector<16xi32>], vector<16xf32>,
        %get3A_325 = arith.index_cast %add3A_322 : i32 to index
        %get3A_326 = arith.constant 0 : index
        %get3A_327 = tpu.vector_load %arg16[%get3A_325, %get3A_326] {strides = array<i32>} : memref<128x32xf32, #tpu.memory_space<vmem>>, vector<16xf32>,
        %mul3A_328 = arith.mulf %get3A_327, %gather3A_324 : vector<16xf32>
        %swap3A_329 = arith.index_cast %add3A_322 : i32 to index
        %swap3A_330 = arith.constant 0 : index
        %swap3A_331 = tpu.vector_load %arg16[%swap3A_329, %swap3A_330] {strides = array<i32>} : memref<128x32xf32, #tpu.memory_space<vmem>>, vector<16xf32>,
        tpu.vector_store %arg16[%swap3A_329, %swap3A_330], %mul3A_328 {strides = array<i32>} : memref<128x32xf32, #tpu.memory_space<vmem>>, vector<16xf32>,
        %get3A_332 = arith.index_cast %add3A_322 : i32 to index
        %get3A_333 = arith.constant 16 : index
        %get3A_334 = tpu.vector_load %arg16[%get3A_332, %get3A_333] {strides = array<i32>} : memref<128x32xf32, #tpu.memory_space<vmem>>, vector<16xf32>,
        %mul3A_335 = arith.mulf %get3A_334, %gather3A_324 : vector<16xf32>
        %swap3A_336 = arith.index_cast %add3A_322 : i32 to index
        %swap3A_337 = arith.constant 16 : index
        %swap3A_338 = tpu.vector_load %arg16[%swap3A_336, %swap3A_337] {strides = array<i32>} : memref<128x32xf32, #tpu.memory_space<vmem>>, vector<16xf32>,
        tpu.vector_store %arg16[%swap3A_336, %swap3A_337], %mul3A_335 {strides = array<i32>} : memref<128x32xf32, #tpu.memory_space<vmem>>, vector<16xf32>,
        %add3A_339 = arith.constant 10 : i32
        %add3A_340 = arith.addi %mul3A_146, %add3A_339 : i32
        %broadcast_in_dim3A_341 = vector.broadcast %add3A_340 : i32 to vector<16xi32>
        %gather3A_342 = tpu.vector_load_idx %arg15[%broadcast_in_dim3A_341] : memref<128xf32, #tpu.memory_space<vmem>>[vector<16xi32>], vector<16xf32>,
        %get3A_343 = arith.index_cast %add3A_340 : i32 to index
        %get3A_344 = arith.constant 0 : index
        %get3A_345 = tpu.vector_load %arg16[%get3A_343, %get3A_344] {strides = array<i32>} : memref<128x32xf32, #tpu.memory_space<vmem>>, vector<16xf32>,
        %mul3A_346 = arith.mulf %get3A_345, %gather3A_342 : vector<16xf32>
        %swap3A_347 = arith.index_cast %add3A_340 : i32 to index
        %swap3A_348 = arith.constant 0 : index
        %swap3A_349 = tpu.vector_load %arg16[%swap3A_347, %swap3A_348] {strides = array<i32>} : memref<128x32xf32, #tpu.memory_space<vmem>>, vector<16xf32>,
        tpu.vector_store %arg16[%swap3A_347, %swap3A_348], %mul3A_346 {strides = array<i32>} : memref<128x32xf32, #tpu.memory_space<vmem>>, vector<16xf32>,
        %get3A_350 = arith.index_cast %add3A_340 : i32 to index
        %get3A_351 = arith.constant 16 : index
        %get3A_352 = tpu.vector_load %arg16[%get3A_350, %get3A_351] {strides = array<i32>} : memref<128x32xf32, #tpu.memory_space<vmem>>, vector<16xf32>,
        %mul3A_353 = arith.mulf %get3A_352, %gather3A_342 : vector<16xf32>
        %swap3A_354 = arith.index_cast %add3A_340 : i32 to index
        %swap3A_355 = arith.constant 16 : index
        %swap3A_356 = tpu.vector_load %arg16[%swap3A_354, %swap3A_355] {strides = array<i32>} : memref<128x32xf32, #tpu.memory_space<vmem>>, vector<16xf32>,
        tpu.vector_store %arg16[%swap3A_354, %swap3A_355], %mul3A_353 {strides = array<i32>} : memref<128x32xf32, #tpu.memory_space<vmem>>, vector<16xf32>,
        %add3A_357 = arith.constant 11 : i32
        %add3A_358 = arith.addi %mul3A_146, %add3A_357 : i32
        %broadcast_in_dim3A_359 = vector.broadcast %add3A_358 : i32 to vector<16xi32>
        %gather3A_360 = tpu.vector_load_idx %arg15[%broadcast_in_dim3A_359] : memref<128xf32, #tpu.memory_space<vmem>>[vector<16xi32>], vector<16xf32>,
        %get3A_361 = arith.index_cast %add3A_358 : i32 to index
        %get3A_362 = arith.constant 0 : index
        %get3A_363 = tpu.vector_load %arg16[%get3A_361, %get3A_362] {strides = array<i32>} : memref<128x32xf32, #tpu.memory_space<vmem>>, vector<16xf32>,
        %mul3A_364 = arith.mulf %get3A_363, %gather3A_360 : vector<16xf32>
        %swap3A_365 = arith.index_cast %add3A_358 : i32 to index
        %swap3A_366 = arith.constant 0 : index
        %swap3A_367 = tpu.vector_load %arg16[%swap3A_365, %swap3A_366] {strides = array<i32>} : memref<128x32xf32, #tpu.memory_space<vmem>>, vector<16xf32>,
        tpu.vector_store %arg16[%swap3A_365, %swap3A_366], %mul3A_364 {strides = array<i32>} : memref<128x32xf32, #tpu.memory_space<vmem>>, vector<16xf32>,
        %get3A_368 = arith.index_cast %add3A_358 : i32 to index
        %get3A_369 = arith.constant 16 : index
        %get3A_370 = tpu.vector_load %arg16[%get3A_368, %get3A_369] {strides = array<i32>} : memref<128x32xf32, #tpu.memory_space<vmem>>, vector<16xf32>,
        %mul3A_371 = arith.mulf %get3A_370, %gather3A_360 : vector<16xf32>
        %swap3A_372 = arith.index_cast %add3A_358 : i32 to index
        %swap3A_373 = arith.constant 16 : index
        %swap3A_374 = tpu.vector_load %arg16[%swap3A_372, %swap3A_373] {strides = array<i32>} : memref<128x32xf32, #tpu.memory_space<vmem>>, vector<16xf32>,
        tpu.vector_store %arg16[%swap3A_372, %swap3A_373], %mul3A_371 {strides = array<i32>} : memref<128x32xf32, #tpu.memory_space<vmem>>, vector<16xf32>,
        %add3A_375 = arith.constant 12 : i32
        %add3A_376 = arith.addi %mul3A_146, %add3A_375 : i32
        %broadcast_in_dim3A_377 = vector.broadcast %add3A_376 : i32 to vector<16xi32>
        %gather3A_378 = tpu.vector_load_idx %arg15[%broadcast_in_dim3A_377] : memref<128xf32, #tpu.memory_space<vmem>>[vector<16xi32>], vector<16xf32>,
        %get3A_379 = arith.index_cast %add3A_376 : i32 to index
        %get3A_380 = arith.constant 0 : index
        %get3A_381 = tpu.vector_load %arg16[%get3A_379, %get3A_380] {strides = array<i32>} : memref<128x32xf32, #tpu.memory_space<vmem>>, vector<16xf32>,
        %mul3A_382 = arith.mulf %get3A_381, %gather3A_378 : vector<16xf32>
        %swap3A_383 = arith.index_cast %add3A_376 : i32 to index
        %swap3A_384 = arith.constant 0 : index
        %swap3A_385 = tpu.vector_load %arg16[%swap3A_383, %swap3A_384] {strides = array<i32>} : memref<128x32xf32, #tpu.memory_space<vmem>>, vector<16xf32>,
        tpu.vector_store %arg16[%swap3A_383, %swap3A_384], %mul3A_382 {strides = array<i32>} : memref<128x32xf32, #tpu.memory_space<vmem>>, vector<16xf32>,
        %get3A_386 = arith.index_cast %add3A_376 : i32 to index
        %get3A_387 = arith.constant 16 : index
        %get3A_388 = tpu.vector_load %arg16[%get3A_386, %get3A_387] {strides = array<i32>} : memref<128x32xf32, #tpu.memory_space<vmem>>, vector<16xf32>,
        %mul3A_389 = arith.mulf %get3A_388, %gather3A_378 : vector<16xf32>
        %swap3A_390 = arith.index_cast %add3A_376 : i32 to index
        %swap3A_391 = arith.constant 16 : index
        %swap3A_392 = tpu.vector_load %arg16[%swap3A_390, %swap3A_391] {strides = array<i32>} : memref<128x32xf32, #tpu.memory_space<vmem>>, vector<16xf32>,
        tpu.vector_store %arg16[%swap3A_390, %swap3A_391], %mul3A_389 {strides = array<i32>} : memref<128x32xf32, #tpu.memory_space<vmem>>, vector<16xf32>,
        %add3A_393 = arith.constant 13 : i32
        %add3A_394 = arith.addi %mul3A_146, %add3A_393 : i32
        %broadcast_in_dim3A_395 = vector.broadcast %add3A_394 : i32 to vector<16xi32>
        %gather3A_396 = tpu.vector_load_idx %arg15[%broadcast_in_dim3A_395] : memref<128xf32, #tpu.memory_space<vmem>>[vector<16xi32>], vector<16xf32>,
        %get3A_397 = arith.index_cast %add3A_394 : i32 to index
        %get3A_398 = arith.constant 0 : index
        %get3A_399 = tpu.vector_load %arg16[%get3A_397, %get3A_398] {strides = array<i32>} : memref<128x32xf32, #tpu.memory_space<vmem>>, vector<16xf32>,
        %mul3A_400 = arith.mulf %get3A_399, %gather3A_396 : vector<16xf32>
        %swap3A_401 = arith.index_cast %add3A_394 : i32 to index
        %swap3A_402 = arith.constant 0 : index
        %swap3A_403 = tpu.vector_load %arg16[%swap3A_401, %swap3A_402] {strides = array<i32>} : memref<128x32xf32, #tpu.memory_space<vmem>>, vector<16xf32>,
        tpu.vector_store %arg16[%swap3A_401, %swap3A_402], %mul3A_400 {strides = array<i32>} : memref<128x32xf32, #tpu.memory_space<vmem>>, vector<16xf32>,
        %get3A_404 = arith.index_cast %add3A_394 : i32 to index
        %get3A_405 = arith.constant 16 : index
        %get3A_406 = tpu.vector_load %arg16[%get3A_404, %get3A_405] {strides = array<i32>} : memref<128x32xf32, #tpu.memory_space<vmem>>, vector<16xf32>,
        %mul3A_407 = arith.mulf %get3A_406, %gather3A_396 : vector<16xf32>
        %swap3A_408 = arith.index_cast %add3A_394 : i32 to index
        %swap3A_409 = arith.constant 16 : index
        %swap3A_410 = tpu.vector_load %arg16[%swap3A_408, %swap3A_409] {strides = array<i32>} : memref<128x32xf32, #tpu.memory_space<vmem>>, vector<16xf32>,
        tpu.vector_store %arg16[%swap3A_408, %swap3A_409], %mul3A_407 {strides = array<i32>} : memref<128x32xf32, #tpu.memory_space<vmem>>, vector<16xf32>,
        %add3A_411 = arith.constant 14 : i32
        %add3A_412 = arith.addi %mul3A_146, %add3A_411 : i32
        %broadcast_in_dim3A_413 = vector.broadcast %add3A_412 : i32 to vector<16xi32>
        %gather3A_414 = tpu.vector_load_idx %arg15[%broadcast_in_dim3A_413] : memref<128xf32, #tpu.memory_space<vmem>>[vector<16xi32>], vector<16xf32>,
        %get3A_415 = arith.index_cast %add3A_412 : i32 to index
        %get3A_416 = arith.constant 0 : index
        %get3A_417 = tpu.vector_load %arg16[%get3A_415, %get3A_416] {strides = array<i32>} : memref<128x32xf32, #tpu.memory_space<vmem>>, vector<16xf32>,
        %mul3A_418 = arith.mulf %get3A_417, %gather3A_414 : vector<16xf32>
        %swap3A_419 = arith.index_cast %add3A_412 : i32 to index
        %swap3A_420 = arith.constant 0 : index
        %swap3A_421 = tpu.vector_load %arg16[%swap3A_419, %swap3A_420] {strides = array<i32>} : memref<128x32xf32, #tpu.memory_space<vmem>>, vector<16xf32>,
        tpu.vector_store %arg16[%swap3A_419, %swap3A_420], %mul3A_418 {strides = array<i32>} : memref<128x32xf32, #tpu.memory_space<vmem>>, vector<16xf32>,
        %get3A_422 = arith.index_cast %add3A_412 : i32 to index
        %get3A_423 = arith.constant 16 : index
        %get3A_424 = tpu.vector_load %arg16[%get3A_422, %get3A_423] {strides = array<i32>} : memref<128x32xf32, #tpu.memory_space<vmem>>, vector<16xf32>,
        %mul3A_425 = arith.mulf %get3A_424, %gather3A_414 : vector<16xf32>
        %swap3A_426 = arith.index_cast %add3A_412 : i32 to index
        %swap3A_427 = arith.constant 16 : index
        %swap3A_428 = tpu.vector_load %arg16[%swap3A_426, %swap3A_427] {strides = array<i32>} : memref<128x32xf32, #tpu.memory_space<vmem>>, vector<16xf32>,
        tpu.vector_store %arg16[%swap3A_426, %swap3A_427], %mul3A_425 {strides = array<i32>} : memref<128x32xf32, #tpu.memory_space<vmem>>, vector<16xf32>,
        %add3A_429 = arith.constant 15 : i32
        %add3A_430 = arith.addi %mul3A_146, %add3A_429 : i32
        %broadcast_in_dim3A_431 = vector.broadcast %add3A_430 : i32 to vector<16xi32>
        %gather3A_432 = tpu.vector_load_idx %arg15[%broadcast_in_dim3A_431] : memref<128xf32, #tpu.memory_space<vmem>>[vector<16xi32>], vector<16xf32>,
        %get3A_433 = arith.index_cast %add3A_430 : i32 to index
        %get3A_434 = arith.constant 0 : index
        %get3A_435 = tpu.vector_load %arg16[%get3A_433, %get3A_434] {strides = array<i32>} : memref<128x32xf32, #tpu.memory_space<vmem>>, vector<16xf32>,
        %mul3A_436 = arith.mulf %get3A_435, %gather3A_432 : vector<16xf32>
        %swap3A_437 = arith.index_cast %add3A_430 : i32 to index
        %swap3A_438 = arith.constant 0 : index
        %swap3A_439 = tpu.vector_load %arg16[%swap3A_437, %swap3A_438] {strides = array<i32>} : memref<128x32xf32, #tpu.memory_space<vmem>>, vector<16xf32>,
        tpu.vector_store %arg16[%swap3A_437, %swap3A_438], %mul3A_436 {strides = array<i32>} : memref<128x32xf32, #tpu.memory_space<vmem>>, vector<16xf32>,
        %get3A_440 = arith.index_cast %add3A_430 : i32 to index
        %get3A_441 = arith.constant 16 : index
        %get3A_442 = tpu.vector_load %arg16[%get3A_440, %get3A_441] {strides = array<i32>} : memref<128x32xf32, #tpu.memory_space<vmem>>, vector<16xf32>,
        %mul3A_443 = arith.mulf %get3A_442, %gather3A_432 : vector<16xf32>
        %swap3A_444 = arith.index_cast %add3A_430 : i32 to index
        %swap3A_445 = arith.constant 16 : index
        %swap3A_446 = tpu.vector_load %arg16[%swap3A_444, %swap3A_445] {strides = array<i32>} : memref<128x32xf32, #tpu.memory_space<vmem>>, vector<16xf32>,
        tpu.vector_store %arg16[%swap3A_444, %swap3A_445], %mul3A_443 {strides = array<i32>} : memref<128x32xf32, #tpu.memory_space<vmem>>, vector<16xf32>,
      }
      %scan3A_139 = arith.constant 8 : i32
      "tpu.region"() ({
        %run_scoped3A = tpu.sem_alloc : memref<!tpu.dma_semaphore, #tpu.memory_space<semaphore_mem>>
        %dma_start3A_140 = arith.constant 0 : i32
        %dma_start3A_141 = arith.constant 0 : i32
        %dma_start3A_142 = tpu.memref_slice %arg11[%dma_start3A_140, %dma_start3A_141] : memref<51200x32xf32, #tpu.memory_space<vmem_shared>> -> memref<51200x32xf32, #tpu.memory_space<vmem_shared>>
        tpu.enqueue_indirect_dma source(%arg16 : memref<128x32xf32, #tpu.memory_space<vmem>>) target(%dma_start3A_142 : memref<51200x32xf32, #tpu.memory_space<vmem_shared>>) offsets(%arg14 : memref<128xi32, #tpu.memory_space<vmem>>) semaphore(%run_scoped3A : memref<!tpu.dma_semaphore, #tpu.memory_space<semaphore_mem>>) {add = true}
        %dma_wait3A_143 = arith.constant 0 : i32
        %dma_wait3A_144 = arith.constant 0 : i32
        %dma_wait3A_145 = tpu.memref_slice %arg11[%dma_wait3A_143, %dma_wait3A_144] : memref<51200x32xf32, #tpu.memory_space<vmem_shared>> -> memref<51200x32xf32, #tpu.memory_space<vmem_shared>>
        tpu.wait_indirect_dma semaphore(%run_scoped3A : memref<!tpu.dma_semaphore, #tpu.memory_space<semaphore_mem>>) src(%arg16 : memref<128x32xf32, #tpu.memory_space<vmem>>) dst(%dma_wait3A_145 : memref<51200x32xf32, #tpu.memory_space<vmem_shared>>)
        tpu.yield
      }) : () -> ()
    }
    %scan3A_74 = arith.constant 391 : i32
    %barrier3A_75 = arith.constant 0 : index
    tpu.barrier barrier_id(%barrier3A_75)
    %scan3A_76 = arith.constant 0 : i32
    %scan3A_77 = arith.constant 25 : i32
    %scan3A_78 = arith.addi %scan3A_76, %scan3A_77 : i32
    %scan3A_79 = arith.constant 1 : i32
    scf.for %scan3A_81 = %scan3A_76 to %scan3A_78 step %scan3A_79  : i32 {
      %mul3A_82 = arith.constant 1 : i32
      %mul3A_83 = arith.muli %scan3A_81, %mul3A_82 : i32
      %add3A = arith.constant 0 : i32
      %add3A_84 = arith.addi %add3A, %mul3A_83 : i32
      %mul3A_85 = arith.constant 128 : i32
      %mul3A_86 = arith.muli %add3A_84, %mul3A_85 : i32
      %add3A_87 = arith.addi %mul3A_0, %mul3A_86 : i32
      "tpu.region"() ({
        %run_scoped3A = tpu.sem_alloc : memref<!tpu.dma_semaphore, #tpu.memory_space<semaphore_mem>>
        %dma_start3A = arith.constant 0 : i32
        %dma_start3A_88 = tpu.memref_slice %arg11[%add3A_87, %dma_start3A] : memref<51200x32xf32, #tpu.memory_space<vmem_shared>> -> memref<128x32xf32, #tpu.memory_space<vmem_shared>>
        %dma_start3A_89 = arith.constant 0 : i32
        %dma_start3A_90 = tpu.memref_slice %arg11[%add3A_87, %dma_start3A_89] : memref<51200x32xf32, #tpu.memory_space<vmem_shared>> -> memref<128x32xf32, #tpu.memory_space<vmem_shared>>
        tpu.enqueue_dma source(%dma_start3A_90 : memref<128x32xf32, #tpu.memory_space<vmem_shared>>) target(%arg18 : memref<128x32xf32, #tpu.memory_space<vmem>>) target_semaphore(%run_scoped3A : memref<!tpu.dma_semaphore, #tpu.memory_space<semaphore_mem>>)
        %dma_wait3A = arith.constant 0 : i32
        %dma_wait3A_91 = tpu.memref_slice %arg11[%add3A_87, %dma_wait3A] : memref<51200x32xf32, #tpu.memory_space<vmem_shared>> -> memref<128x32xf32, #tpu.memory_space<vmem_shared>>
        %dma_wait3A_92 = arith.constant 0 : i32
        %dma_wait3A_93 = tpu.memref_slice %arg11[%add3A_87, %dma_wait3A_92] : memref<51200x32xf32, #tpu.memory_space<vmem_shared>> -> memref<128x32xf32, #tpu.memory_space<vmem_shared>>
        tpu.wait_dma2 semaphore(%run_scoped3A : memref<!tpu.dma_semaphore, #tpu.memory_space<semaphore_mem>>) src(%dma_wait3A_93 : memref<128x32xf32, #tpu.memory_space<vmem_shared>>) dst(%arg18 : memref<128x32xf32, #tpu.memory_space<vmem>>)
        tpu.yield
      }) : () -> ()
      "tpu.region"() ({
        %run_scoped3A = tpu.sem_alloc : memref<!tpu.dma_semaphore, #tpu.memory_space<semaphore_mem>>
        %dma_start3A = arith.constant 0 : i32
        %dma_start3A_88 = tpu.memref_slice %arg9[%arg0, %add3A_87, %dma_start3A] : memref<2x51200x32xf32, #tpu.memory_space<hbm>> -> memref<1x128x32xf32, #tpu.memory_space<hbm>>
        %dma_start3A_89 = tpu.memref_squeeze %dma_start3A_88 : memref<1x128x32xf32, #tpu.memory_space<hbm>> -> memref<128x32xf32, #tpu.memory_space<hbm>>
        %dma_start3A_90 = arith.constant 0 : i32
        %dma_start3A_91 = tpu.memref_slice %arg9[%arg0, %add3A_87, %dma_start3A_90] : memref<2x51200x32xf32, #tpu.memory_space<hbm>> -> memref<1x128x32xf32, #tpu.memory_space<hbm>>
        %dma_start3A_92 = tpu.memref_squeeze %dma_start3A_91 : memref<1x128x32xf32, #tpu.memory_space<hbm>> -> memref<128x32xf32, #tpu.memory_space<hbm>>
        tpu.enqueue_dma source(%arg18 : memref<128x32xf32, #tpu.memory_space<vmem>>) target(%dma_start3A_92 : memref<128x32xf32, #tpu.memory_space<hbm>>) target_semaphore(%run_scoped3A : memref<!tpu.dma_semaphore, #tpu.memory_space<semaphore_mem>>)
        %dma_wait3A = arith.constant 0 : i32
        %dma_wait3A_93 = tpu.memref_slice %arg9[%arg0, %add3A_87, %dma_wait3A] : memref<2x51200x32xf32, #tpu.memory_space<hbm>> -> memref<1x128x32xf32, #tpu.memory_space<hbm>>
        %dma_wait3A_94 = tpu.memref_squeeze %dma_wait3A_93 : memref<1x128x32xf32, #tpu.memory_space<hbm>> -> memref<128x32xf32, #tpu.memory_space<hbm>>
        %dma_wait3A_95 = arith.constant 0 : i32
        %dma_wait3A_96 = tpu.memref_slice %arg9[%arg0, %add3A_87, %dma_wait3A_95] : memref<2x51200x32xf32, #tpu.memory_space<hbm>> -> memref<1x128x32xf32, #tpu.memory_space<hbm>>
        %dma_wait3A_97 = tpu.memref_squeeze %dma_wait3A_96 : memref<1x128x32xf32, #tpu.memory_space<hbm>> -> memref<128x32xf32, #tpu.memory_space<hbm>>
        tpu.wait_dma2 semaphore(%run_scoped3A : memref<!tpu.dma_semaphore, #tpu.memory_space<semaphore_mem>>) src(%arg18 : memref<128x32xf32, #tpu.memory_space<vmem>>) dst(%dma_wait3A_97 : memref<128x32xf32, #tpu.memory_space<hbm>>)
        tpu.yield
      }) : () -> ()
    }
    %scan3A_80 = arith.constant 25 : i32
    return
  }
}

module attributes {stable_mosaic.version = 14 : i64} {
  func.func @_proj_body(%arg0: i32, %arg1: memref<400x768xf32, #tpu.memory_space<vmem>>, %arg2: memref<768x64xf32, #tpu.memory_space<vmem>>, %arg3: memref<1x64xf32, #tpu.memory_space<vmem>>, %arg4: memref<400x64xf32, #tpu.memory_space<vmem>>) attributes {dimension_semantics = [#tpu.dimension_semantics<arbitrary>], iteration_bounds = array<i64: 50>, scalar_prefetch = 0 : i64, scratch_operands = 0 : i64, tpu.core_type = #tpu.core_type<tc>, window_params = [{transform_indices = @transform_0, window_bounds = array<i64: 400, 768>}, {pipeline_mode = #tpu.pipeline_mode<synchronous>, transform_indices = @transform_1, window_bounds = array<i64: 768, 64>}, {pipeline_mode = #tpu.pipeline_mode<synchronous>, transform_indices = @transform_2, window_bounds = array<i64: 1, 64>}, {transform_indices = @transform_3, window_bounds = array<i64: 400, 64>}]} {
    %get3A = arith.constant 0 : index
    %get3A_0 = arith.constant 0 : index
    %get3A_1 = vector.load %arg1[%get3A, %get3A_0] : memref<400x768xf32, #tpu.memory_space<vmem>>, vector<400x768xf32>
    %get3A_2 = arith.constant 0 : index
    %get3A_3 = arith.constant 0 : index
    %get3A_4 = vector.load %arg2[%get3A_2, %get3A_3] : memref<768x64xf32, #tpu.memory_space<vmem>>, vector<768x64xf32>
    %dot_general3A = arith.constant dense<0.000000e+00> : vector<400x64xf32>
    %dot_general3A_5 = tpu.matmul %get3A_1, %get3A_4, %dot_general3A {dimension_numbers = #tpu.dot_dimension_numbers<[1], [0], [0], [1], [0, 0, 1, 1], [], []>, transpose_lhs_hint = false} : vector<400x768xf32>, vector<768x64xf32>, vector<400x64xf32> -> vector<400x64xf32>
    %get3A_6 = arith.constant 0 : index
    %get3A_7 = arith.constant 0 : index
    %get3A_8 = vector.load %arg3[%get3A_6, %get3A_7] : memref<1x64xf32, #tpu.memory_space<vmem>>, vector<1x64xf32>
    %add3A = vector.broadcast %get3A_8 : vector<1x64xf32> to vector<400x64xf32>
    %add3A_9 = arith.addf %dot_general3A_5, %add3A : vector<400x64xf32>
    %mul3A = arith.mulf %add3A_9, %add3A_9 : vector<400x64xf32>
    %reduce_sum3A = arith.constant dense<0.000000e+00> : vector<400xf32>
    %reduce_sum3A_10 = vector.multi_reduction <add>, %mul3A, %reduce_sum3A [1] : vector<400x64xf32> to vector<400xf32>
    %broadcast_in_dim3A = vector.shape_cast %reduce_sum3A_10 : vector<400xf32> to vector<400x1xf32>
    %sqrt3A = math.sqrt %broadcast_in_dim3A : vector<400x1xf32>
    %max3A = arith.constant 9.99999996E-13 : f32
    %max3A_11 = vector.broadcast %max3A : f32 to vector<400x1xf32>
    %max3A_12 = arith.maximumf %sqrt3A, %max3A_11 : vector<400x1xf32>
    %div3A = vector.broadcast %max3A_12 : vector<400x1xf32> to vector<400x64xf32>
    %div3A_13 = arith.divf %add3A_9, %div3A : vector<400x64xf32>
    %swap3A = arith.constant 0 : index
    %swap3A_14 = arith.constant 0 : index
    %swap3A_15 = vector.load %arg4[%swap3A, %swap3A_14] : memref<400x64xf32, #tpu.memory_space<vmem>>, vector<400x64xf32>
    tpu.vector_store %arg4[%swap3A, %swap3A_14], %div3A_13 {strides = array<i32>} : memref<400x64xf32, #tpu.memory_space<vmem>>, vector<400x64xf32>,
    return
  }
  func.func @transform_0(%arg0: i32) -> (i32, i32) {
    %c0_i32 = arith.constant 0 : i32
    %c0_i32_0 = arith.constant 0 : i32
    return %arg0, %c0_i32 : i32, i32
  }
  func.func @transform_1(%arg0: i32) -> (i32, i32) {
    %c0_i32 = arith.constant 0 : i32
    %c0_i32_0 = arith.constant 0 : i32
    %c0_i32_1 = arith.constant 0 : i32
    return %c0_i32, %c0_i32_0 : i32, i32
  }
  func.func @transform_2(%arg0: i32) -> (i32, i32) {
    %c0_i32 = arith.constant 0 : i32
    %c0_i32_0 = arith.constant 0 : i32
    %c0_i32_1 = arith.constant 0 : i32
    return %c0_i32, %c0_i32_0 : i32, i32
  }
  func.func @transform_3(%arg0: i32) -> (i32, i32) {
    %c0_i32 = arith.constant 0 : i32
    %c0_i32_0 = arith.constant 0 : i32
    return %arg0, %c0_i32 : i32, i32
  }
}

module attributes {stable_mosaic.version = 14 : i64} {
  func.func @_proj_body(%arg0: i32, %arg1: memref<400x512xf32, #tpu.memory_space<vmem>>, %arg2: memref<512x64xf32, #tpu.memory_space<vmem>>, %arg3: memref<1x64xf32, #tpu.memory_space<vmem>>, %arg4: memref<400x64xf32, #tpu.memory_space<vmem>>) attributes {dimension_semantics = [#tpu.dimension_semantics<arbitrary>], iteration_bounds = array<i64: 50>, scalar_prefetch = 0 : i64, scratch_operands = 0 : i64, tpu.core_type = #tpu.core_type<tc>, window_params = [{transform_indices = @transform_0, window_bounds = array<i64: 400, 512>}, {pipeline_mode = #tpu.pipeline_mode<synchronous>, transform_indices = @transform_1, window_bounds = array<i64: 512, 64>}, {pipeline_mode = #tpu.pipeline_mode<synchronous>, transform_indices = @transform_2, window_bounds = array<i64: 1, 64>}, {transform_indices = @transform_3, window_bounds = array<i64: 400, 64>}]} {
    %get3A = arith.constant 0 : index
    %get3A_0 = arith.constant 0 : index
    %get3A_1 = vector.load %arg1[%get3A, %get3A_0] : memref<400x512xf32, #tpu.memory_space<vmem>>, vector<400x512xf32>
    %get3A_2 = arith.constant 0 : index
    %get3A_3 = arith.constant 0 : index
    %get3A_4 = vector.load %arg2[%get3A_2, %get3A_3] : memref<512x64xf32, #tpu.memory_space<vmem>>, vector<512x64xf32>
    %dot_general3A = arith.constant dense<0.000000e+00> : vector<400x64xf32>
    %dot_general3A_5 = tpu.matmul %get3A_1, %get3A_4, %dot_general3A {dimension_numbers = #tpu.dot_dimension_numbers<[1], [0], [0], [1], [0, 0, 1, 1], [], []>, transpose_lhs_hint = false} : vector<400x512xf32>, vector<512x64xf32>, vector<400x64xf32> -> vector<400x64xf32>
    %get3A_6 = arith.constant 0 : index
    %get3A_7 = arith.constant 0 : index
    %get3A_8 = vector.load %arg3[%get3A_6, %get3A_7] : memref<1x64xf32, #tpu.memory_space<vmem>>, vector<1x64xf32>
    %add3A = vector.broadcast %get3A_8 : vector<1x64xf32> to vector<400x64xf32>
    %add3A_9 = arith.addf %dot_general3A_5, %add3A : vector<400x64xf32>
    %mul3A = arith.mulf %add3A_9, %add3A_9 : vector<400x64xf32>
    %reduce_sum3A = arith.constant dense<0.000000e+00> : vector<400xf32>
    %reduce_sum3A_10 = vector.multi_reduction <add>, %mul3A, %reduce_sum3A [1] : vector<400x64xf32> to vector<400xf32>
    %broadcast_in_dim3A = vector.shape_cast %reduce_sum3A_10 : vector<400xf32> to vector<400x1xf32>
    %sqrt3A = math.sqrt %broadcast_in_dim3A : vector<400x1xf32>
    %max3A = arith.constant 9.99999996E-13 : f32
    %max3A_11 = vector.broadcast %max3A : f32 to vector<400x1xf32>
    %max3A_12 = arith.maximumf %sqrt3A, %max3A_11 : vector<400x1xf32>
    %div3A = vector.broadcast %max3A_12 : vector<400x1xf32> to vector<400x64xf32>
    %div3A_13 = arith.divf %add3A_9, %div3A : vector<400x64xf32>
    %swap3A = arith.constant 0 : index
    %swap3A_14 = arith.constant 0 : index
    %swap3A_15 = vector.load %arg4[%swap3A, %swap3A_14] : memref<400x64xf32, #tpu.memory_space<vmem>>, vector<400x64xf32>
    tpu.vector_store %arg4[%swap3A, %swap3A_14], %div3A_13 {strides = array<i32>} : memref<400x64xf32, #tpu.memory_space<vmem>>, vector<400x64xf32>,
    return
  }
  func.func @transform_0(%arg0: i32) -> (i32, i32) {
    %c0_i32 = arith.constant 0 : i32
    %c0_i32_0 = arith.constant 0 : i32
    return %arg0, %c0_i32 : i32, i32
  }
  func.func @transform_1(%arg0: i32) -> (i32, i32) {
    %c0_i32 = arith.constant 0 : i32
    %c0_i32_0 = arith.constant 0 : i32
    %c0_i32_1 = arith.constant 0 : i32
    return %c0_i32, %c0_i32_0 : i32, i32
  }
  func.func @transform_2(%arg0: i32) -> (i32, i32) {
    %c0_i32 = arith.constant 0 : i32
    %c0_i32_0 = arith.constant 0 : i32
    %c0_i32_1 = arith.constant 0 : i32
    return %c0_i32, %c0_i32_0 : i32, i32
  }
  func.func @transform_3(%arg0: i32) -> (i32, i32) {
    %c0_i32 = arith.constant 0 : i32
    %c0_i32_0 = arith.constant 0 : i32
    return %arg0, %c0_i32 : i32, i32
  }
}

</mosaic_0001>

<sc_bundles>
// kernel: kernel.5.cloned.1.call-start
scs
__scs_entry_jumppad:
0x0: {  	(pc) =	sbr.rel $0x88, $3  }
0x1: {  	(tag) =	ssettag $0x0;
	lr =	simm.s32 $0x1  }
0x2: {  	[smem:$0x3F92] =	sst lr;
	_ =	strace $0xD0000000  }
0x3: {  	_ = 	snop  }
0x4: {  	_ = 	snop  }
0x5: {  	_ = 	snop  }
0x6: {  	_ = 	snop  }
0x7: {  	_ = 	snop  }
__scs_overlays_trampoline_lowered:
0x8: {  	[smem:$0x3FA1] =	sst s0  }
0x9: {  	[smem:$0x3FA2] =	sst s1  }
0xa: {  	[smem:$0x3FA3] =	sst s2  }
0xb: {  	[smem:$0x3FA4] =	sst s3  }
0xc: {  	[smem:$0x3FA5] =	sst s4  }
0xd: {  	[smem:$0x3FA6] =	sst s5  }
0xe: {  	[smem:$0x3FA7] =	sst s6  }
0xf: {  	[smem:$0x3FA8] =	sst s7  }
0x10: {  	[smem:$0x3FA9] =	sst s8  }
0x11: {  	[smem:$0x3FAA] =	sst s9;
	s0 =	simm.s32 @!p0 $0x0  }
0x12: {  	s1 =	sld [smem:$0x3F90];
	s0 =	simm.s32 @p0 $0x1  }
0x13: {  	[smem:$0x3FAB] =	sst s0;
	s0 =	simm.s32 @!p1 $0x0  }
0x14: {  	s2 =	sld [smem:$0x3F8F];
	s0 =	simm.s32 @p1 $0x1  }
0x15: {  	[smem:$0x3FAC] =	sst s0;
	s0 =	simm.s32 @!p2 $0x0  }
0x16: {  	s3 =	sld [smem:$0x3FDB];
	s0 =	simm.s32 @p2 $0x1  }
0x17: {  	s4 =	simm.s32 $0x1BF5;
	[smem:$0x3FAE] =	sst s0  }
0x18: {  	s0 =	sld [smem:$0x3F91];
	_ =	swait.ge [sflag:s4], $0x0  }
0x19: {  	s7 =	sld [smem:$0x3F92]  }
0x1a: {  	s8 =	sadd.s32 $0xFFFFE003, lr  }
0x1b: {  	s9 =	sadd.s32 $0xFFFFFEF7, lr;
	s5 =	simm.s32 $0xFFFFFFFF;
	p2 =	slt.u32 s8, $0xFFFFF086  }
0x1c: {  	p1 =	slt.u32 s9, $0xF7A;
	s5 =	simm.s32 @!p2 $0x0  }
0x1d: {  	s5 =	simm.s32 @p1 $0x1;
	p0 =	seq.s32 s7, s2  }
0x1e: {  	s7 =	smul.u32 @!p0 $0xF7A, s2;
	p2 =	seq.s32 @!p0 s5, $0x0  }
0x1f: {  	s9 =	smul.u32 $0xF7A, s1;
	s8 =	simm.s32 @!p0 $0x1BF5;
	p2 =	por !p2, p0  }
0x20: {  	[sflag:s8] =	ssyncset.s32 @!p0 $0xFFFFF086;
	s6 =	sadd.s32 @!p0 s3, s7;
	s7 =	simm.s32 @!p0 $0x108  }
0x21: {  	s3 =	sadd.s32 s3, s9;
	s6 =	sadd.s32 @!p0 $0x88, s6;
	s7 =	simm.s32 @p2 $0x1082  }
0x22: {  	[simem:s7], [sflag:s8] =	dma.local @!p0 [hbm:s6], $0xF7A  }
0x23: {  	s9 =	sor.u32 $0xD0000000, s2;
	s6 =	simm.s32 $0x108;
	_ =	swait.ge @!p0 [sflag:s8], $0x0  }
0x24: {  	s3 =	sadd.s32 $0x88, s3;
	s6 =	simm.s32 @!p1 $0x1082;
	[sflag:s4] =	ssyncset.s32 $0xFFFFF086  }
0x25: {  	[simem:s6], [sflag:s4] =	dma.local [hbm:s3], $0xF7A  }
0x26: {  	[smem:$0x3F92] =	sst s1;
	(tag) =	ssettag s2;
	_ =	strace s9  }
0x27: {  	s1 =	sld [smem:$0x3FA2]  }
0x28: {  	s2 =	sld [smem:$0x3FA3]  }
0x29: {  	s4 =	sld [smem:$0x3FA5]  }
0x2a: {  	p0 =	seq.s32 s5, $0x0;
	s5 =	sld [smem:$0x3FA6]  }
0x2b: {  	s6 =	sld [smem:$0x3FA7]  }
0x2c: {  	s7 =	sld [smem:$0x3FA8]  }
0x2d: {  	s3 =	simm.s32 $0x108;
	s8 =	sld [smem:$0x3FA9]  }
0x2e: {  	s3 =	simm.s32 @!p0 $0x1082;
	s9 =	sld [smem:$0x3FAA]  }
0x2f: {  	lr =	sadd.s32 s0, s3;
	s0 =	sld [smem:$0x3FA1]  }
0x30: {  	s3 =	sld [smem:$0x3FA4]  }
0x31: {  	[smem:$0x3FAD] =	sst s10  }
0x32: {  	s10 =	sld [smem:$0x3FAB];
	_ =	sdelay $0x3  }
0x33: {  	p0 =	seq.s32 s10, $0x1;
	s10 =	sld [smem:$0x3FAD];
	_ =	sdelay $0x3  }
0x34: {  	[smem:$0x3FAD] =	sst s10  }
0x35: {  	s10 =	sld [smem:$0x3FAC];
	_ =	sdelay $0x3  }
0x36: {  	p1 =	seq.s32 s10, $0x1;
	s10 =	sld [smem:$0x3FAD];
	_ =	sdelay $0x3  }
0x37: {  	[smem:$0x3FAD] =	sst s10  }
0x38: {  	s10 =	sld [smem:$0x3FAE]  }
0x39: {  	_ = 	snop;
	(pc) =	sbr.ind lr, $3  }
0x3a: {  	_ = 	snop  }
0x3b: {  	_ = 	snop  }
0x3c: {  	p2 =	seq.s32 s10, $0x1;
	s10 =	sld [smem:$0x3FAD]  }
0x3d: {  	_ =	shalt  }
0x3e: {  	_ =	shalt  }
0x3f: {  	_ =	shalt  }
0x40: {  	_ =	shalt  }
0x41: {  	_ =	shalt  }
0x42: {  	_ =	shalt  }
0x43: {  	_ =	shalt  }
0x44: {  	_ =	shalt  }
0x45: {  	_ =	shalt  }
0x46: {  	_ =	shalt  }
0x47: {  	_ =	shalt  }
0x48: {  	_ =	shalt  }
0x49: {  	_ =	shalt  }
0x4a: {  	_ =	shalt  }
0x4b: {  	_ =	shalt  }
0x4c: {  	_ =	shalt  }
0x4d: {  	_ =	shalt  }
0x4e: {  	_ =	shalt  }
0x4f: {  	_ =	shalt  }
0x50: {  	_ =	shalt  }
0x51: {  	_ =	shalt  }
0x52: {  	_ =	shalt  }
0x53: {  	_ =	shalt  }
0x54: {  	_ =	shalt  }
0x55: {  	_ =	shalt  }
0x56: {  	_ =	shalt  }
0x57: {  	_ =	shalt  }
0x58: {  	_ =	shalt  }
0x59: {  	_ =	shalt  }
0x5a: {  	_ =	shalt  }
0x5b: {  	_ =	shalt  }
0x5c: {  	_ =	shalt  }
0x5d: {  	_ =	shalt  }
0x5e: {  	_ =	shalt  }
0x5f: {  	_ =	shalt  }
0x60: {  	_ =	shalt  }
0x61: {  	_ =	shalt  }
0x62: {  	_ =	shalt  }
0x63: {  	_ =	shalt  }
0x64: {  	_ =	shalt  }
0x65: {  	_ =	shalt  }
0x66: {  	_ =	shalt  }
0x67: {  	_ =	shalt  }
0x68: {  	_ =	shalt  }
0x69: {  	_ =	shalt  }
0x6a: {  	_ =	shalt  }
0x6b: {  	_ =	shalt  }
0x6c: {  	_ =	shalt  }
0x6d: {  	_ =	shalt  }
0x6e: {  	_ =	shalt  }
0x6f: {  	_ =	shalt  }
0x70: {  	_ =	shalt  }
0x71: {  	_ =	shalt  }
0x72: {  	_ =	shalt  }
0x73: {  	_ =	shalt  }
0x74: {  	_ =	shalt  }
0x75: {  	_ =	shalt  }
0x76: {  	_ =	shalt  }
0x77: {  	_ =	shalt  }
0x78: {  	_ =	shalt  }
0x79: {  	_ =	shalt  }
0x7a: {  	_ =	shalt  }
0x7b: {  	_ =	shalt  }
0x7c: {  	_ =	shalt  }
0x7d: {  	_ =	shalt  }
0x7e: {  	_ =	shalt  }
0x7f: {  	_ =	shalt  }
0x80: {  	_ =	shalt  }
0x81: {  	_ =	shalt  }
0x82: {  	_ =	shalt  }
0x83: {  	_ =	shalt  }
0x84: {  	_ =	shalt  }
0x85: {  	_ =	shalt  }
0x86: {  	_ =	shalt  }
0x87: {  	_ =	shalt  }
.Lfunc_end0:
.L_simem_size_0:
called_computation_lowered:
.L_overlay_start_0:
0x88: {  	s2 =	sld [smem:$0x3FD9]  }
0x89: {  	s3 =	sld [smem:$0x3FFE];
	_ =	sdelay $0x1  }
0x8a: {  	s1 =	srdreg.scid  }
0x8b: {  	s0 =	sand.u32 $0x1, s1  }
0x8c: {  	s14 =	sshll.u32 s0, $0xA;
	s2 =	sadd.s32 s3, s2  }
0x8d: {  	s2 =	sadd.s32 s2, s14  }
0x8e: {  	[smem:$0x3FB9] =	sst s2  }
0x8f: {  	_ = 	snop  }
0x90: {  	s2 =	sld [smem:$0x3FD0];
	_ =	sdelay $0x2  }
0x91: {  	s15 =	simm.s32 $0xA;
	s4 =	simm.s32 $0x10  }
0x92: {  	[smem:s4], [sflag:s15] =	dma.local [hbm:s2], $0x1  }
0x93: {  	_ =	swait.eq [sflag:s15], $0x1  }
0x94: {  	[sflag:s15] =	ssyncset.done $0x0  }
0x95: {  	[sflag:s15] =	ssyncadd.s32 $0xFFFFFFFF  }
0x96: {  	s16 =	sld [smem:$0x11];
	(tm) =	ssettm $0x1  }
0x97: {  	s17 =	sld [smem:$0x3FFB];
	_ =	sdelay $0x3  }
0x98: {  	_ =	strace s17  }
0x99: {  	s3 =	sld [smem:$0x3FFC];
	_ =	sdelay $0x3  }
0x9a: {  	_ =	strace s3  }
0x9b: {  	s3 =	sld [smem:$0x3FFD];
	_ =	sdelay $0x3  }
0x9c: {  	_ =	strace s3  }
0x9d: {  	_ =	strace $0x8FFFFFFF  }
0x9e: {  	s18 =	sld [smem:$0x3FDB];
	_ =	sdelay $0x1  }
0x9f: {  	s19 =	simm.s32 $_scs_section_size  }
0xa0: {  	s5 =	simm.s32 $_size__tile_overlayer_lowered;
	s6 =	simm.s32 $_tile_overlayer_lowered  }
0xa1: {  	s22 =	simm.s32 $0x1BFF;
	s21 =	sshll.u32 s6, $0x1;
	s3 =	sadd.s32 s19, s18  }
0xa2: {  	s7 =	simm.s32 $0x0;
	s20 =	sshll.u32 s5, $0x1;
	s5 =	sadd.s32 s21, s3  }
0xa3: {  	[timem:s7], [sflag:s22] =	dma.local [hbm:s5], s20  }
0xa4: {  	_ =	swait.ge [sflag:s22], s20  }
0xa5: {  	s4 =	ssub.s32 $0x0, s20;
	[sflag:s22] =	ssyncset.done $0x0  }
0xa6: {  	[sflag:s22] =	ssyncadd.s32 s4;
	_ =	sdelay $0x1  }
0xa7: {  	s23 =	simm.s32 $0x1B8B  }
0xa8: {  	_ =	swait.ge [sflag:s23], $0x1  }
0xa9: {  	[sflag:s23] =	ssyncset.done $0x0  }
0xaa: {  	s25 =	simm.s32 $0x1B8E;
	s24 =	sld [smem:$0x3FFE];
	[sflag:s23] =	ssyncadd.s32 $0xFFFFFFFF  }
0xab: {  	s26 =	simm.s32 $execute0_lowered;
	[smem:$0x3FD2] =	sst s25  }
0xac: {  	s5 =	sshll.u32 s26, $0x1;
	_ =	strace $0x80000046;
	[dreg:$0x1] =	wrdreg $0xFFFFFFFF  }
0xad: {  	s28 =	simm.s32 $_size_execute0_lowered;
	s3 =	sadd.s32 s3, s5;
	[dreg:$0x0] =	wrdreg $0x0  }
0xae: {  	s5 =	sshll.u32 s28, $0x1;
	[dreg:$0x2] =	wrdreg s3  }
0xaf: {  	[dreg:$0x3] =	wrdreg s5  }
0xb0: {  	[dreg:$0x4] =	wrdreg $0xC0  }
0xb1: {  	_ =	task [dreg:s7], $0x5FFFF  }
0xb2: {  	[dreg:$0x1] =	wrdreg $0xFFFFFFFF  }
0xb3: {  	[dreg:$0x0] =	wrdreg $0x60  }
0xb4: {  	[dreg:$0x2] =	wrdreg s24  }
0xb5: {  	[dreg:$0x3] =	wrdreg s16  }
0xb6: {  	[dreg:$0x4] =	wrdreg $0x0  }
0xb7: {  	[dreg:$0x5] =	wrdreg $0x9  }
0xb8: {  	_ =	task.clear_ibuf [dreg:s7], $0x6FFFF;
	_ =	strace $0x90000046  }
0xb9: {  	s29 =	simm.s32 $0x9;
	_ =	strace $0x80000048  }
0xba: {  	_ =	swait.ge [sflag:s29], $0x1  }
0xbb: {  	[sflag:s29] =	ssyncadd.s32 $0xFFFFFFFF  }
0xbc: {  	_ =	strace $0x90000048  }
0xbd: {  	_ =	sfence  }
0xbe: {  	s30 =	sld [smem:$0x0];
	_ =	sdelay $0x2  }
0xbf: {  	s31 =	sshll.u32 s1, $0xD;
	s1 =	sshrl.u32 s1, $0x2  }
0xc0: {  	s3 =	sand.u32 $0x4000, s31;
	s1 =	sadd.s32 s1, s30  }
0xc1: {  	s0 =	sor.u32 s3, s0;
	s1 =	sshll.u32 s1, $0x11  }
0xc2: {  	s0 =	sor.u32 s1, s0  }
0xc3: {  	s0 =	sadd.s32 $0x8F2B, s0  }
0xc4: {  	[sflag:s0] =	ssyncadd.remote.s32 $0x1  }
0xc5: {  	_ =	sfence.sel $0xFFFF  }
0xc6: {  	[dreg:$0x0] =	wrdreg $0xFFFFFFFF;
	(pc) =	sbr.abs _section_cstart, $3  }
0xc7: {  	[dreg:$0x1] =	wrdreg $0xFFFFFFFF  }
0xc8: {  	_ =	task.clear_ibuf [dreg:s7], $0x2FFFF;
	_ =	strace $0x9FFFFFFF  }
0xc9: {  	(tm) =	ssettm $0x7FFFFFFF  }
tec
execute0_lowered:
.L_overlay_start_1:
0x0: {  	(tag) =	ssettag $0x1  }
0x1: {  	s0 =	rddreg [dreg:$0x0]  }
0x2: {  	s3 =	rddreg [dreg:$0x2];
	s4 =	simm.s32 $0x0  }
0x3: {  	s1 =	srdreg.scid;
	s17 =	stileid.u32;
	s19 =	simm.s32 $0x2  }
0x4: {  	s20 =	simm.s32 $0x1A280;
	s21 =	simm.s32 $0x19000;
	s22 =	simm.s32 $0x80  }
0x5: {  	s23 =	simm.s32 $0x19280;
	s24 =	simm.s32 $0x1;
	s25 =	simm.s32 $0x19200  }
0x6: {  	s26 =	simm.s32 $0x19180;
	s2 =	smul.u32 $0x19000, s17;
	s5 =	sadd.s32 $0x1B9A00, s0  }
0x7: {  	s1 =	sand.u32 $0x1, s1;
	s6 =	sadd.s32 $0x170400, s0;
	s10 =	smul.u32 $0xC80, s17  }
0x8: {  	[smem:$0x7FF] =	sst s4;
	s7 =	sadd.s32 $0x126E00, s0;
	s9 =	smul.u32 $0x190000, s1  }
0x9: {  	s8 =	sadd.s32 $0xC5200, s0;
	s11 =	sadd.s32 $0x1A00, s0;
	s13 =	smul.u32 $0x64000, s17  }
0xa: {  	s12 =	sadd.s32 $0x203000, s0;
	s31 =	ssub.s32 $0x2, s1;
	s2 =	sadd.s32 s2, s9  }
0xb: {  	s16 =	smul.u32 $0xC350, s1;
	s14 =	sshrl.u32 s31, $0x1;
	s2 =	sshrl.u32 s2, $0x3  }
0xc: {  	s15 =	sshrl.u32 s13, $0x2;
	s9 =	sadd.s32 $0x63600, s0;
	s2 =	sadd.s32 s2, s0  }
0xd: {  	s0 =	ssub.s32 s31, s14;
	s14 =	sadd.s32 s15, s3;
	s15 =	smul.u32 $0xC800, s1  }
0xe: {  	v3 =	vimm.s32 $0x0;
	vm0 =	vcmask $0x300;
	v2 =	vimm.f32 $0.0e+00;
	_ =	strace $0x80000047;
	s13 =	smul.u32 $0x187, s17;
	s0 =	smax.u32 s0, $0x1  }
0xf: {  	v3 =	vsel vm0, $0x3, v3;
	v0 =	vmov s16;
	s1 =	simm.s32 $0x0;
	s17 =	sadd.s32 $0x267000, s2;
	[dreg:$0x4] =	wrdreg s0;
	v1 =	vmov s15  }
.LBB2_1:
0x10: {  	[dreg:$0x5] =	wrdreg s1  }
0x11: {  	s0 =	rddreg [dreg:$0x1];
	s31 =	simm.s32 $0x1B280  }
0x12: {  	[tilespmem:s31], [sflag:$0x2] =	stream.linear.gather [hbm4b:s0+s4], $0x40, $0x38;
	[tilespmem:$0x1B2C0] =	vst v63  }
0x13: {  	_ =	swait.ge [sflag:s19], $0x40  }
0x14: {  	[sflag:s19] =	ssyncset.done $0x0  }
0x15: {  	s0 =	simm.s32 $0x0;
	[sflag:s19] =	ssyncadd.s32 $0xFFFFFFC0  }
.LBB2_2:
0x16: {  	p0 =	sne.s32 s0, $0x3F80  }
.Ltmp0:
0x17: {  	_ = 	snop;
	(pc) =	sbr.rel @p0 .LBB2_2-.Ltmp0, $4  }
0x18: {  	_ = 	snop  }
0x19: {  	s1 =	sshra.s32 s0, $0x2  }
0x1a: {  	[tilespmem:s1+$0x1A280] =	vst v2  }
0x1b: {  	s0 =	sadd.s32 $0x80, s0;
	[tilespmem:s1+$0x1A290] =	vst v2  }
0x1c: {  	s0 =	sadd.s32 $0x0, s14  }
0x1d: {  	[spmem:s0] =	stream.linear.scatter [tilespmem:s20], [sflag:$0x2], $0x1000, $0x38;
	[tilespmem:$0x1B2C0] =	vst v63  }
0x1e: {  	s0 =	simm.s32 $0x4000;
	_ =	swait.ge [sflag:s19], $0x1000  }
.LBB2_4:
0x1f: {  	s1 =	sshra.s32 s0, $0x2;
	[sflag:s19] =	ssyncset.done $0x0;
	p0 =	sne.s32 s0, $0x60000  }
.Ltmp1:
0x20: {  	s1 =	sadd.s32 s1, s14;
	[sflag:s19] =	ssyncadd.s32 $0xFFFFF000;
	(pc) =	sbr.rel @p0 .LBB2_4-.Ltmp1, $3  }
0x21: {  	[spmem:s1] =	stream.linear.scatter [tilespmem:s20], [sflag:$0x2], $0x1000, $0x38;
	[tilespmem:$0x1B2C0] =	vst v63  }
0x22: {  	s0 =	sadd.s32 $0x4000, s0;
	_ =	sdelay $0x1  }
0x23: {  	_ =	swait.ge [sflag:s19], $0x1000  }
0x24: {  	[sflag:s19] =	ssyncset.done $0x0  }
0x25: {  	[sflag:s19] =	ssyncadd.s32 $0xFFFFF000  }
0x26: {  	[bflag:$0x0] =	sbarrier.arrive $0xFFFF  }
0x27: {  	s29 =	simm.s32 $0x0;
	v4 =	vld [tilespmem:$0x1B280]  }
.LBB2_6:
0x28: {  	s0 =	sadd.s32 s13, s29  }
0x29: {  	s0 =	smul.u32 $0x30, s0;
	_ =	sdelay $0x1  }
0x2a: {  	s0 =	sadd.s32 s5, s0  }
0x2b: {  	[tilespmem:s21], [sflag:$0x2] =	stream.linear.gather [hbm4b:s0+s4], $0x180, $0x38;
	[tilespmem:$0x1B2C0] =	vst v63  }
0x2c: {  	_ =	swait.ge [sflag:s19], $0x180  }
0x2d: {  	[sflag:s19] =	ssyncset.done $0x0  }
0x2e: {  	[sflag:s19] =	ssyncadd.s32 $0xFFFFFE80  }
0x2f: {  	v5 =	vld [tilespmem:$0x19000]  }
0x30: {  	v6 =	vld [tilespmem:$0x19010]  }
0x31: {  	v7 =	vld [tilespmem:$0x19020]  }
0x32: {  	v8 =	vld [tilespmem:$0x19030]  }
0x33: {  	v9 =	vld [tilespmem:$0x19040]  }
0x34: {  	v10 =	vld [tilespmem:$0x19050];
	v5 =	vadd.s32 v0, v5  }
0x35: {  	[tilespmem:$0x19000] =	vst v5;
	v5 =	vadd.s32 v0, v6;
	v6 =	vld [tilespmem:$0x19060]  }
0x36: {  	[tilespmem:$0x19010] =	vst v5;
	v5 =	vadd.s32 v0, v7;
	v7 =	vld [tilespmem:$0x19070]  }
0x37: {  	[tilespmem:$0x19020] =	vst v5;
	v5 =	vadd.s32 v0, v8  }
0x38: {  	[tilespmem:$0x19030] =	vst v5;
	v5 =	vadd.s32 v0, v9  }
0x39: {  	[tilespmem:$0x19040] =	vst v5;
	v5 =	vadd.s32 v0, v10  }
0x3a: {  	[tilespmem:$0x19050] =	vst v5;
	v5 =	vadd.s32 v0, v6  }
0x3b: {  	[tilespmem:$0x19060] =	vst v5;
	v5 =	vadd.s32 v0, v7  }
0x3c: {  	[tilespmem:$0x19070] =	vst v5  }
0x3d: {  	[tilespmem:s23], [sflag:$0x1] =	stream.indirect.gather [hbm4b:s8+s22], $0x20, s21, s22, $0xb8;
	[tilespmem:$0x1B2C0] =	vst v63  }
0x3e: {  	_ =	swait.ge [sflag:s24], $0x1000  }
0x3f: {  	[sflag:s24] =	ssyncset.done $0x0  }
0x40: {  	s31 =	simm.s32 $0x19100;
	[sflag:s24] =	ssyncadd.s32 $0xFFFFF000  }
0x41: {  	v5 =	vld [tilespmem:s31+$0x0];
	_ =	sdelay $0x4  }
0x42: {  	s1 =	simm.s32 $0x0;
	v5 =	vmul.f32 v5, v4  }
0x43: {  	s0 =	simm.s32 $0x19200;
	v6 =	vmov s1  }
0x44: {  	[tilespmem:s0+$0x0] =	vst v5;
	v5 =	vshrl.u32 v6, $0x3  }
0x45: {  	v6 =	vld [tilespmem:s31+$0xFFFFFF80];
	v5 =	vshll.u32 v5, v3  }
0x46: {  	v5 =	vbroadcast v5, $0x0;
	_ =	sdelay $0x2  }
0x47: {  	s2 =	simm.s32 $0x19180  }
0x48: {  	s30 =	simm.s32 $0x19380;
	s16 =	simm.s32 $0x1;
	[tilespmem:s2+$0x0] =	vst v6  }
0x49: {  	v7 =	vmov s16;
	v6 =	vld [tilespmem:s30+$0xFFFFFF00]  }
0x4a: {  	v7 =	vshrl.u32 v7, $0x3;
	v5 =	vld.idx.msk [tilespmem:v5+s25+$0x0], $0xffff  }
0x4b: {  	v7 =	vshll.u32 v7, v3;
	v8 =	vld [tilespmem:s30+$0xFFFFFF10]  }
0x4c: {  	v7 =	vadd.s32 $0x1, v7  }
0x4d: {  	v7 =	vbroadcast v7, $0x0;
	_ =	sdelay $0x1  }
0x4e: {  	v6 =	vmul.f32 v6, v5  }
0x4f: {  	v5 =	vmul.f32 v8, v5  }
0x50: {  	[tilespmem:s30+$0xFFFFFF00] =	vst v6  }
0x51: {  	s18 =	simm.s32 $0x2;
	[tilespmem:s30+$0xFFFFFF10] =	vst v5  }
0x52: {  	v6 =	vmov s18;
	v5 =	vld.idx.msk [tilespmem:v7+s25+$0x0], $0xffff  }
0x53: {  	v7 =	vld [tilespmem:s30+$0xFFFFFF20];
	v6 =	vshrl.u32 v6, $0x3  }
0x54: {  	v8 =	vld [tilespmem:s30+$0xFFFFFF30];
	v6 =	vshll.u32 v6, v3  }
0x55: {  	v6 =	vadd.s32 $0x2, v6  }
0x56: {  	v6 =	vbroadcast v6, $0x0;
	_ =	sdelay $0x1  }
0x57: {  	v7 =	vmul.f32 v7, v5  }
0x58: {  	v5 =	vmul.f32 v8, v5  }
0x59: {  	[tilespmem:s30+$0xFFFFFF20] =	vst v7  }
0x5a: {  	s28 =	simm.s32 $0x3;
	[tilespmem:s30+$0xFFFFFF30] =	vst v5  }
0x5b: {  	v5 =	vld.idx.msk [tilespmem:v6+s25+$0x0], $0xffff;
	v6 =	vmov s28  }
0x5c: {  	v7 =	vld [tilespmem:s30+$0xFFFFFF40];
	v6 =	vshrl.u32 v6, $0x3  }
0x5d: {  	v8 =	vld [tilespmem:s30+$0xFFFFFF50];
	v6 =	vshll.u32 v6, v3  }
0x5e: {  	v6 =	vadd.s32 $0x3, v6  }
0x5f: {  	v6 =	vbroadcast v6, $0x0;
	_ =	sdelay $0x1  }
0x60: {  	v7 =	vmul.f32 v7, v5  }
0x61: {  	v5 =	vmul.f32 v8, v5  }
0x62: {  	[tilespmem:s30+$0xFFFFFF40] =	vst v7  }
0x63: {  	s16 =	simm.s32 $0x4;
	[tilespmem:s30+$0xFFFFFF50] =	vst v5  }
0x64: {  	v5 =	vld.idx.msk [tilespmem:v6+s25+$0x0], $0xffff;
	v6 =	vmov s16  }
0x65: {  	v7 =	vld [tilespmem:s30+$0xFFFFFF60];
	v6 =	vshrl.u32 v6, $0x3  }
0x66: {  	v8 =	vld [tilespmem:s30+$0xFFFFFF70];
	v6 =	vshll.u32 v6, v3  }
0x67: {  	v6 =	vadd.s32 $0x4, v6  }
0x68: {  	v6 =	vbroadcast v6, $0x0;
	_ =	sdelay $0x1  }
0x69: {  	v7 =	vmul.f32 v7, v5  }
0x6a: {  	v5 =	vmul.f32 v8, v5  }
0x6b: {  	[tilespmem:s30+$0xFFFFFF60] =	vst v7  }
0x6c: {  	s18 =	simm.s32 $0x5;
	[tilespmem:s30+$0xFFFFFF70] =	vst v5  }
0x6d: {  	v5 =	vld.idx.msk [tilespmem:v6+s25+$0x0], $0xffff;
	v6 =	vmov s18  }
0x6e: {  	v7 =	vld [tilespmem:s30+$0xFFFFFF80];
	v6 =	vshrl.u32 v6, $0x3  }
0x6f: {  	v8 =	vld [tilespmem:s30+$0xFFFFFF90];
	v6 =	vshll.u32 v6, v3  }
0x70: {  	v6 =	vadd.s32 $0x5, v6  }
0x71: {  	v6 =	vbroadcast v6, $0x0;
	_ =	sdelay $0x1  }
0x72: {  	v7 =	vmul.f32 v7, v5  }
0x73: {  	v5 =	vmul.f32 v8, v5  }
0x74: {  	[tilespmem:s30+$0xFFFFFF80] =	vst v7  }
0x75: {  	s28 =	simm.s32 $0x6;
	[tilespmem:s30+$0xFFFFFF90] =	vst v5  }
0x76: {  	v5 =	vld.idx.msk [tilespmem:v6+s25+$0x0], $0xffff;
	v6 =	vmov s28  }
0x77: {  	v7 =	vld [tilespmem:s30+$0xFFFFFFA0];
	v6 =	vshrl.u32 v6, $0x3  }
0x78: {  	v8 =	vld [tilespmem:s30+$0xFFFFFFB0];
	v6 =	vshll.u32 v6, v3  }
0x79: {  	v6 =	vadd.s32 $0x6, v6  }
0x7a: {  	v6 =	vbroadcast v6, $0x0;
	_ =	sdelay $0x1  }
0x7b: {  	v7 =	vmul.f32 v7, v5  }
0x7c: {  	v5 =	vmul.f32 v8, v5  }
0x7d: {  	[tilespmem:s30+$0xFFFFFFA0] =	vst v7  }
0x7e: {  	s16 =	simm.s32 $0x7;
	[tilespmem:s30+$0xFFFFFFB0] =	vst v5  }
0x7f: {  	v5 =	vld.idx.msk [tilespmem:v6+s25+$0x0], $0xffff;
	v6 =	vmov s16  }
0x80: {  	v7 =	vld [tilespmem:s30+$0xFFFFFFC0];
	v6 =	vshrl.u32 v6, $0x3  }
0x81: {  	v8 =	vld [tilespmem:s30+$0xFFFFFFD0];
	v6 =	vshll.u32 v6, v3  }
0x82: {  	v6 =	vadd.s32 $0x7, v6  }
0x83: {  	v6 =	vbroadcast v6, $0x0;
	_ =	sdelay $0x1  }
0x84: {  	v7 =	vmul.f32 v7, v5  }
0x85: {  	v5 =	vmul.f32 v8, v5  }
0x86: {  	[tilespmem:s30+$0xFFFFFFC0] =	vst v7  }
0x87: {  	[tilespmem:s30+$0xFFFFFFD0] =	vst v5  }
0x88: {  	s18 =	simm.s32 $0x8;
	v5 =	vld.idx.msk [tilespmem:v6+s25+$0x0], $0xffff  }
0x89: {  	v7 =	vmov s18;
	v6 =	vld [tilespmem:s30+$0xFFFFFFE0]  }
0x8a: {  	v9 =	vld [tilespmem:s30+$0xFFFFFFF0];
	v7 =	vshrl.u32 v7, $0x3  }
0x8b: {  	v7 =	vshll.u32 v7, v3  }
0x8c: {  	v7 =	vbroadcast v7, $0x0;
	_ =	sdelay $0x1  }
0x8d: {  	v6 =	vmul.f32 v6, v5  }
0x8e: {  	v5 =	vmul.f32 v9, v5  }
0x8f: {  	[tilespmem:s30+$0xFFFFFFE0] =	vst v6  }
0x90: {  	s28 =	simm.s32 $0x9;
	[tilespmem:s30+$0xFFFFFFF0] =	vst v5  }
0x91: {  	v6 =	vmov s28;
	v5 =	vld.idx.msk [tilespmem:v7+s25+$0x0], $0xffff  }
0x92: {  	v7 =	vld [tilespmem:s30+$0x0];
	v6 =	vshrl.u32 v6, $0x3  }
0x93: {  	v8 =	vld [tilespmem:s30+$0x10];
	v6 =	vshll.u32 v6, v3  }
0x94: {  	v6 =	vadd.s32 $0x1, v6  }
0x95: {  	v6 =	vbroadcast v6, $0x0;
	_ =	sdelay $0x1  }
0x96: {  	v7 =	vmul.f32 v7, v5  }
0x97: {  	v5 =	vmul.f32 v8, v5  }
0x98: {  	[tilespmem:s30+$0x0] =	vst v7  }
0x99: {  	s16 =	simm.s32 $0xA;
	[tilespmem:s30+$0x10] =	vst v5  }
0x9a: {  	v5 =	vld.idx.msk [tilespmem:v6+s25+$0x0], $0xffff;
	v6 =	vmov s16  }
0x9b: {  	v7 =	vld [tilespmem:s30+$0x20];
	v6 =	vshrl.u32 v6, $0x3  }
0x9c: {  	v8 =	vld [tilespmem:s30+$0x30];
	v6 =	vshll.u32 v6, v3  }
0x9d: {  	v6 =	vadd.s32 $0x2, v6  }
0x9e: {  	v6 =	vbroadcast v6, $0x0;
	_ =	sdelay $0x1  }
0x9f: {  	v7 =	vmul.f32 v7, v5  }
0xa0: {  	v5 =	vmul.f32 v8, v5  }
0xa1: {  	[tilespmem:s30+$0x20] =	vst v7  }
0xa2: {  	s18 =	simm.s32 $0xB;
	[tilespmem:s30+$0x30] =	vst v5  }
0xa3: {  	v5 =	vld.idx.msk [tilespmem:v6+s25+$0x0], $0xffff;
	v6 =	vmov s18  }
0xa4: {  	v7 =	vld [tilespmem:s30+$0x40];
	v6 =	vshrl.u32 v6, $0x3  }
0xa5: {  	v8 =	vld [tilespmem:s30+$0x50];
	v6 =	vshll.u32 v6, v3  }
0xa6: {  	v6 =	vadd.s32 $0x3, v6  }
0xa7: {  	v6 =	vbroadcast v6, $0x0;
	_ =	sdelay $0x1  }
0xa8: {  	v7 =	vmul.f32 v7, v5  }
0xa9: {  	v5 =	vmul.f32 v8, v5  }
0xaa: {  	[tilespmem:s30+$0x40] =	vst v7  }
0xab: {  	s28 =	simm.s32 $0xC;
	[tilespmem:s30+$0x50] =	vst v5  }
0xac: {  	v5 =	vld.idx.msk [tilespmem:v6+s25+$0x0], $0xffff;
	v6 =	vmov s28  }
0xad: {  	v7 =	vld [tilespmem:s30+$0x60];
	v6 =	vshrl.u32 v6, $0x3  }
0xae: {  	v8 =	vld [tilespmem:s30+$0x70];
	v6 =	vshll.u32 v6, v3  }
0xaf: {  	v6 =	vadd.s32 $0x4, v6  }
0xb0: {  	v6 =	vbroadcast v6, $0x0;
	_ =	sdelay $0x1  }
0xb1: {  	v7 =	vmul.f32 v7, v5  }
0xb2: {  	v5 =	vmul.f32 v8, v5  }
0xb3: {  	[tilespmem:s30+$0x60] =	vst v7  }
0xb4: {  	s16 =	simm.s32 $0xD;
	[tilespmem:s30+$0x70] =	vst v5  }
0xb5: {  	v5 =	vld.idx.msk [tilespmem:v6+s25+$0x0], $0xffff;
	v6 =	vmov s16  }
0xb6: {  	v7 =	vld [tilespmem:s30+$0x80];
	v6 =	vshrl.u32 v6, $0x3  }
0xb7: {  	v8 =	vld [tilespmem:s30+$0x90];
	v6 =	vshll.u32 v6, v3  }
0xb8: {  	v6 =	vadd.s32 $0x5, v6  }
0xb9: {  	v6 =	vbroadcast v6, $0x0;
	_ =	sdelay $0x1  }
0xba: {  	v7 =	vmul.f32 v7, v5  }
0xbb: {  	v5 =	vmul.f32 v8, v5  }
0xbc: {  	[tilespmem:s30+$0x80] =	vst v7  }
0xbd: {  	s18 =	simm.s32 $0xE;
	v8 =	vld [tilespmem:s30+$0xB0];
	[tilespmem:s30+$0x90] =	vst v5  }
0xbe: {  	v5 =	vld.idx.msk [tilespmem:v6+s25+$0x0], $0xffff;
	v6 =	vmov s18  }
0xbf: {  	v7 =	vld [tilespmem:s30+$0xA0];
	v6 =	vshrl.u32 v6, $0x3  }
0xc0: {  	v6 =	vshll.u32 v6, v3  }
0xc1: {  	v6 =	vadd.s32 $0x6, v6  }
0xc2: {  	v6 =	vbroadcast v6, $0x0;
	_ =	sdelay $0x1  }
0xc3: {  	v7 =	vmul.f32 v7, v5;
	v5 =	vmul.f32 v8, v5;
	_ =	sdelay $0x1  }
0xc4: {  	s28 =	simm.s32 $0xF;
	[tilespmem:s30+$0xB0] =	vst v5;
	v5 =	vld [tilespmem:s30+$0xD0]  }
0xc5: {  	v8 =	vmov s28;
	[tilespmem:s30+$0xA0] =	vst v7;
	v7 =	vld [tilespmem:s30+$0xC0]  }
0xc6: {  	s1 =	simm.s32 $0x1F;
	s18 =	simm.s32 $0x19580;
	v8 =	vshrl.u32 v8, $0x3;
	v6 =	vld.idx.msk [tilespmem:v6+s25+$0x0], $0xffff  }
.LBB2_7:
0xc7: {  	v8 =	vshll.u32 v8, v3;
	s31 =	sadd.s32 $0x10, s31;
	s2 =	sadd.s32 $0x10, s2;
	s0 =	sadd.s32 $0x10, s0  }
0xc8: {  	p0 =	sne.s32 s1, $0x7F;
	s16 =	smov.u32 s1;
	s1 =	sadd.s32 $0x10, s1;
	v8 =	vadd.s32 $0x7, v8  }
0xc9: {  	v8 =	vbroadcast v8, $0x0;
	_ =	sdelay $0x1  }
0xca: {  	v5 =	vmul.f32 v5, v6;
	v7 =	vmul.f32 v7, v6;
	_ =	sdelay $0x1  }
0xcb: {  	[tilespmem:s30+$0xC0] =	vst v7  }
0xcc: {  	[tilespmem:s30+$0xD0] =	vst v5;
	v5 =	vld [tilespmem:s30+$0xF0]  }
0xcd: {  	v6 =	vld.idx.msk [tilespmem:v8+s25+$0x0], $0xffff  }
0xce: {  	v7 =	vld [tilespmem:s30+$0xE0];
	_ =	sdelay $0x4  }
0xcf: {  	v5 =	vmul.f32 v5, v6;
	v7 =	vmul.f32 v7, v6;
	_ =	sdelay $0x1  }
0xd0: {  	[tilespmem:s30+$0xE0] =	vst v7  }
0xd1: {  	[tilespmem:s30+$0xF0] =	vst v5;
	s30 =	smov.u32 s18  }
0xd2: {  	v5 =	vld [tilespmem:s31+$0x0];
	_ =	sdelay $0x4  }
0xd3: {  	s28 =	sadd.s32 $0xFFFFFFF1, s16;
	v5 =	vmul.f32 v5, v4  }
0xd4: {  	v6 =	vmov s28  }
0xd5: {  	[tilespmem:s0+$0x0] =	vst v5;
	v5 =	vshrl.u32 v6, $0x3  }
0xd6: {  	v6 =	vld [tilespmem:s31+$0xFFFFFF80];
	v5 =	vshll.u32 v5, v3  }
0xd7: {  	v5 =	vbroadcast v5, $0x0;
	_ =	sdelay $0x3  }
0xd8: {  	[tilespmem:s2+$0x0] =	vst v6  }
0xd9: {  	s28 =	sadd.s32 $0xFFFFFFF2, s16;
	v6 =	vld [tilespmem:s18+$0xFFFFFF00]  }
0xda: {  	v7 =	vld.idx.msk [tilespmem:v5+s25+$0x0], $0xffff;
	v5 =	vmov s28  }
0xdb: {  	v8 =	vld [tilespmem:s18+$0xFFFFFF10];
	v5 =	vshrl.u32 v5, $0x3  }
0xdc: {  	v9 =	vshll.u32 v5, v3;
	v5 =	vld [tilespmem:s18+$0xFFFFFFF0]  }
0xdd: {  	v9 =	vadd.s32 $0x1, v9  }
0xde: {  	v9 =	vbroadcast v9, $0x0;
	_ =	sdelay $0x1  }
0xdf: {  	v6 =	vmul.f32 v6, v7;
	v7 =	vmul.f32 v8, v7;
	_ =	sdelay $0x1  }
0xe0: {  	[tilespmem:s18+$0xFFFFFF00] =	vst v6  }
0xe1: {  	s28 =	sadd.s32 $0xFFFFFFF3, s16;
	[tilespmem:s18+$0xFFFFFF10] =	vst v7;
	v6 =	vld [tilespmem:s18+$0xFFFFFF30]  }
0xe2: {  	v8 =	vmov s28;
	v7 =	vld.idx.msk [tilespmem:v9+s25+$0x0], $0xffff  }
0xe3: {  	v8 =	vshrl.u32 v8, $0x3;
	v9 =	vld [tilespmem:s18+$0xFFFFFF20]  }
0xe4: {  	v8 =	vshll.u32 v8, v3  }
0xe5: {  	v8 =	vadd.s32 $0x2, v8  }
0xe6: {  	v8 =	vbroadcast v8, $0x0;
	_ =	sdelay $0x1  }
0xe7: {  	v6 =	vmul.f32 v6, v7;
	v9 =	vmul.f32 v9, v7;
	_ =	sdelay $0x1  }
0xe8: {  	[tilespmem:s18+$0xFFFFFF20] =	vst v9  }
0xe9: {  	s28 =	sadd.s32 $0xFFFFFFF4, s16;
	[tilespmem:s18+$0xFFFFFF30] =	vst v6;
	v6 =	vld [tilespmem:s18+$0xFFFFFF50]  }
0xea: {  	v7 =	vld.idx.msk [tilespmem:v8+s25+$0x0], $0xffff;
	v8 =	vmov s28  }
0xeb: {  	v9 =	vld [tilespmem:s18+$0xFFFFFF40];
	v8 =	vshrl.u32 v8, $0x3  }
0xec: {  	v8 =	vshll.u32 v8, v3  }
0xed: {  	v8 =	vadd.s32 $0x3, v8  }
0xee: {  	v8 =	vbroadcast v8, $0x0;
	_ =	sdelay $0x1  }
0xef: {  	v6 =	vmul.f32 v6, v7;
	v9 =	vmul.f32 v9, v7;
	_ =	sdelay $0x1  }
0xf0: {  	[tilespmem:s18+$0xFFFFFF40] =	vst v9  }
0xf1: {  	s28 =	sadd.s32 $0xFFFFFFF5, s16;
	[tilespmem:s18+$0xFFFFFF50] =	vst v6;
	v6 =	vld [tilespmem:s18+$0xFFFFFF70]  }
0xf2: {  	v7 =	vld.idx.msk [tilespmem:v8+s25+$0x0], $0xffff;
	v8 =	vmov s28  }
0xf3: {  	v9 =	vld [tilespmem:s18+$0xFFFFFF60];
	v8 =	vshrl.u32 v8, $0x3  }
0xf4: {  	v8 =	vshll.u32 v8, v3  }
0xf5: {  	v8 =	vadd.s32 $0x4, v8  }
0xf6: {  	v8 =	vbroadcast v8, $0x0;
	_ =	sdelay $0x1  }
0xf7: {  	v6 =	vmul.f32 v6, v7;
	v9 =	vmul.f32 v9, v7;
	_ =	sdelay $0x1  }
0xf8: {  	[tilespmem:s18+$0xFFFFFF60] =	vst v9  }
0xf9: {  	s28 =	sadd.s32 $0xFFFFFFF6, s16;
	[tilespmem:s18+$0xFFFFFF70] =	vst v6;
	v6 =	vld [tilespmem:s18+$0xFFFFFF90]  }
0xfa: {  	v7 =	vld.idx.msk [tilespmem:v8+s25+$0x0], $0xffff;
	v8 =	vmov s28  }
0xfb: {  	v9 =	vld [tilespmem:s18+$0xFFFFFF80];
	v8 =	vshrl.u32 v8, $0x3  }
0xfc: {  	v8 =	vshll.u32 v8, v3  }
0xfd: {  	v8 =	vadd.s32 $0x5, v8  }
0xfe: {  	v8 =	vbroadcast v8, $0x0;
	_ =	sdelay $0x1  }
0xff: {  	v6 =	vmul.f32 v6, v7;
	v9 =	vmul.f32 v9, v7;
	_ =	sdelay $0x1  }
0x100: {  	[tilespmem:s18+$0xFFFFFF80] =	vst v9  }
0x101: {  	s28 =	sadd.s32 $0xFFFFFFF7, s16;
	[tilespmem:s18+$0xFFFFFF90] =	vst v6;
	v6 =	vld [tilespmem:s18+$0xFFFFFFB0]  }
0x102: {  	v7 =	vld.idx.msk [tilespmem:v8+s25+$0x0], $0xffff;
	v8 =	vmov s28  }
0x103: {  	v9 =	vld [tilespmem:s18+$0xFFFFFFA0];
	v8 =	vshrl.u32 v8, $0x3  }
0x104: {  	v8 =	vshll.u32 v8, v3  }
0x105: {  	v8 =	vadd.s32 $0x6, v8  }
0x106: {  	v8 =	vbroadcast v8, $0x0;
	_ =	sdelay $0x1  }
0x107: {  	v6 =	vmul.f32 v6, v7;
	v9 =	vmul.f32 v9, v7;
	_ =	sdelay $0x1  }
0x108: {  	[tilespmem:s18+$0xFFFFFFA0] =	vst v9  }
0x109: {  	s28 =	sadd.s32 $0xFFFFFFF8, s16;
	[tilespmem:s18+$0xFFFFFFB0] =	vst v6;
	v6 =	vld [tilespmem:s18+$0xFFFFFFD0]  }
0x10a: {  	v7 =	vld.idx.msk [tilespmem:v8+s25+$0x0], $0xffff;
	v8 =	vmov s28  }
0x10b: {  	v9 =	vld [tilespmem:s18+$0xFFFFFFC0];
	v8 =	vshrl.u32 v8, $0x3  }
0x10c: {  	v8 =	vshll.u32 v8, v3  }
0x10d: {  	v8 =	vadd.s32 $0x7, v8  }
0x10e: {  	v8 =	vbroadcast v8, $0x0;
	_ =	sdelay $0x1  }
0x10f: {  	v6 =	vmul.f32 v6, v7;
	v9 =	vmul.f32 v9, v7;
	_ =	sdelay $0x1  }
0x110: {  	[tilespmem:s18+$0xFFFFFFC0] =	vst v9  }
0x111: {  	[tilespmem:s18+$0xFFFFFFD0] =	vst v6  }
0x112: {  	s28 =	sadd.s32 $0xFFFFFFF9, s16;
	v6 =	vld.idx.msk [tilespmem:v8+s25+$0x0], $0xffff  }
0x113: {  	v8 =	vmov s28;
	v7 =	vld [tilespmem:s18+$0xFFFFFFE0]  }
0x114: {  	v8 =	vshrl.u32 v8, $0x3  }
0x115: {  	v8 =	vshll.u32 v8, v3  }
0x116: {  	v8 =	vbroadcast v8, $0x0;
	_ =	sdelay $0x1  }
0x117: {  	v5 =	vmul.f32 v5, v6;
	v7 =	vmul.f32 v7, v6;
	_ =	sdelay $0x1  }
0x118: {  	[tilespmem:s18+$0xFFFFFFE0] =	vst v7  }
0x119: {  	s28 =	sadd.s32 $0xFFFFFFFA, s16;
	[tilespmem:s18+$0xFFFFFFF0] =	vst v5;
	v5 =	vld [tilespmem:s18+$0x10]  }
0x11a: {  	v7 =	vmov s28;
	v6 =	vld.idx.msk [tilespmem:v8+s25+$0x0], $0xffff  }
0x11b: {  	v7 =	vshrl.u32 v7, $0x3;
	v8 =	vld [tilespmem:s18+$0x0]  }
0x11c: {  	v7 =	vshll.u32 v7, v3  }
0x11d: {  	v7 =	vadd.s32 $0x1, v7  }
0x11e: {  	v7 =	vbroadcast v7, $0x0;
	_ =	sdelay $0x1  }
0x11f: {  	v5 =	vmul.f32 v5, v6;
	v8 =	vmul.f32 v8, v6;
	_ =	sdelay $0x1  }
0x120: {  	[tilespmem:s18+$0x0] =	vst v8  }
0x121: {  	s28 =	sadd.s32 $0xFFFFFFFB, s16;
	[tilespmem:s18+$0x10] =	vst v5;
	v5 =	vld [tilespmem:s18+$0x30]  }
0x122: {  	v6 =	vld.idx.msk [tilespmem:v7+s25+$0x0], $0xffff;
	v7 =	vmov s28  }
0x123: {  	v8 =	vld [tilespmem:s18+$0x20];
	v7 =	vshrl.u32 v7, $0x3  }
0x124: {  	v7 =	vshll.u32 v7, v3  }
0x125: {  	v7 =	vadd.s32 $0x2, v7  }
0x126: {  	v7 =	vbroadcast v7, $0x0;
	_ =	sdelay $0x1  }
0x127: {  	v5 =	vmul.f32 v5, v6;
	v8 =	vmul.f32 v8, v6;
	_ =	sdelay $0x1  }
0x128: {  	[tilespmem:s18+$0x20] =	vst v8  }
0x129: {  	s28 =	sadd.s32 $0xFFFFFFFC, s16;
	[tilespmem:s18+$0x30] =	vst v5;
	v5 =	vld [tilespmem:s18+$0x50]  }
0x12a: {  	v6 =	vld.idx.msk [tilespmem:v7+s25+$0x0], $0xffff;
	v7 =	vmov s28  }
0x12b: {  	v8 =	vld [tilespmem:s18+$0x40];
	v7 =	vshrl.u32 v7, $0x3  }
0x12c: {  	v7 =	vshll.u32 v7, v3  }
0x12d: {  	v7 =	vadd.s32 $0x3, v7  }
0x12e: {  	v7 =	vbroadcast v7, $0x0;
	_ =	sdelay $0x1  }
0x12f: {  	v5 =	vmul.f32 v5, v6;
	v8 =	vmul.f32 v8, v6;
	_ =	sdelay $0x1  }
0x130: {  	[tilespmem:s18+$0x40] =	vst v8  }
0x131: {  	s28 =	sadd.s32 $0xFFFFFFFD, s16;
	[tilespmem:s18+$0x50] =	vst v5;
	v5 =	vld [tilespmem:s18+$0x70]  }
0x132: {  	v6 =	vld.idx.msk [tilespmem:v7+s25+$0x0], $0xffff;
	v7 =	vmov s28  }
0x133: {  	v8 =	vld [tilespmem:s18+$0x60];
	v7 =	vshrl.u32 v7, $0x3  }
0x134: {  	v7 =	vshll.u32 v7, v3  }
0x135: {  	v7 =	vadd.s32 $0x4, v7  }
0x136: {  	v7 =	vbroadcast v7, $0x0;
	_ =	sdelay $0x1  }
0x137: {  	v5 =	vmul.f32 v5, v6;
	v8 =	vmul.f32 v8, v6;
	_ =	sdelay $0x1  }
0x138: {  	[tilespmem:s18+$0x60] =	vst v8  }
0x139: {  	s28 =	sadd.s32 $0xFFFFFFFE, s16;
	[tilespmem:s18+$0x70] =	vst v5;
	v5 =	vld [tilespmem:s18+$0x90]  }
0x13a: {  	v6 =	vld.idx.msk [tilespmem:v7+s25+$0x0], $0xffff;
	v7 =	vmov s28  }
0x13b: {  	v8 =	vld [tilespmem:s18+$0x80];
	v7 =	vshrl.u32 v7, $0x3  }
0x13c: {  	v7 =	vshll.u32 v7, v3  }
0x13d: {  	v7 =	vadd.s32 $0x5, v7  }
0x13e: {  	v7 =	vbroadcast v7, $0x0;
	_ =	sdelay $0x1  }
0x13f: {  	v5 =	vmul.f32 v5, v6;
	v8 =	vmul.f32 v8, v6;
	_ =	sdelay $0x1  }
0x140: {  	[tilespmem:s18+$0x80] =	vst v8  }
0x141: {  	s28 =	sadd.s32 $0xFFFFFFFF, s16;
	[tilespmem:s18+$0x90] =	vst v5;
	v5 =	vld [tilespmem:s18+$0xB0]  }
0x142: {  	v6 =	vld.idx.msk [tilespmem:v7+s25+$0x0], $0xffff;
	v7 =	vmov s28  }
0x143: {  	v8 =	vld [tilespmem:s18+$0xA0];
	v7 =	vshrl.u32 v7, $0x3  }
0x144: {  	v7 =	vshll.u32 v7, v3  }
0x145: {  	v7 =	vadd.s32 $0x6, v7  }
0x146: {  	v7 =	vbroadcast v7, $0x0;
	_ =	sdelay $0x1  }
0x147: {  	v5 =	vmul.f32 v5, v6;
	v8 =	vmul.f32 v8, v6  }
.Ltmp2:
0x148: {  	(pc) =	sbr.rel @p0 .LBB2_7-.Ltmp2, $4  }
0x149: {  	[tilespmem:s18+$0xA0] =	vst v8  }
0x14a: {  	[tilespmem:s18+$0xB0] =	vst v5;
	v5 =	vld [tilespmem:s18+$0xD0]  }
0x14b: {  	v8 =	vmov s16;
	v6 =	vld.idx.msk [tilespmem:v7+s25+$0x0], $0xffff  }
0x14c: {  	v8 =	vshrl.u32 v8, $0x3;
	s18 =	sadd.s32 $0x200, s18;
	v7 =	vld [tilespmem:s30+$0xC0]  }
0x14d: {  	v8 =	vshll.u32 v8, v3  }
0x14e: {  	v8 =	vadd.s32 $0x7, v8  }
0x14f: {  	v8 =	vbroadcast v8, $0x0;
	_ =	sdelay $0x1  }
0x150: {  	v5 =	vmul.f32 v5, v6  }
0x151: {  	v7 =	vmul.f32 v7, v6  }
0x152: {  	[tilespmem:s30+$0xD0] =	vst v5  }
0x153: {  	v6 =	vld [tilespmem:s30+$0xE0];
	[tilespmem:s30+$0xC0] =	vst v7  }
0x154: {  	v5 =	vld.idx.msk [tilespmem:v8+s25+$0x0], $0xffff  }
0x155: {  	v7 =	vld [tilespmem:s30+$0xF0];
	_ =	sdelay $0x3  }
0x156: {  	v6 =	vmul.f32 v6, v5  }
0x157: {  	s29 =	sadd.s32 $0x1, s29;
	v5 =	vmul.f32 v7, v5  }
0x158: {  	p0 =	sne.s32 s29, $0x187;
	[tilespmem:s30+$0xE0] =	vst v6  }
.Ltmp3:
0x159: {  	[tilespmem:s30+$0xF0] =	vst v5;
	(pc) =	sbr.rel @p0 .LBB2_6-.Ltmp3, $4  }
0x15a: {  	[spmem:s3] =	stream.indirect.scatter.add.f32 [tilespmem:s23], [sflag:$0x2], $0x20, s26, s22, $0xb8;
	[tilespmem:$0x1B2C0] =	vst v63  }
0x15b: {  	_ =	swait.ge [sflag:s19], $0x1000  }
0x15c: {  	[sflag:s19] =	ssyncset.done $0x0  }
0x15d: {  	[sflag:s19] =	ssyncadd.s32 $0xFFFFF000  }
0x15e: {  	s29 =	simm.s32 $0x0;
	v4 =	vld [tilespmem:$0x1B290]  }
.LBB2_10:
0x15f: {  	s0 =	sadd.s32 s13, s29  }
0x160: {  	s0 =	smul.u32 $0x30, s0;
	_ =	sdelay $0x1  }
0x161: {  	s0 =	sadd.s32 s6, s0  }
0x162: {  	[tilespmem:s21], [sflag:$0x2] =	stream.linear.gather [hbm4b:s0+s4], $0x180, $0x38;
	[tilespmem:$0x1B2C0] =	vst v63  }
0x163: {  	_ =	swait.ge [sflag:s19], $0x180  }
0x164: {  	[sflag:s19] =	ssyncset.done $0x0  }
0x165: {  	[sflag:s19] =	ssyncadd.s32 $0xFFFFFE80  }
0x166: {  	v5 =	vld [tilespmem:$0x19000]  }
0x167: {  	v6 =	vld [tilespmem:$0x19010]  }
0x168: {  	v7 =	vld [tilespmem:$0x19020]  }
0x169: {  	v8 =	vld [tilespmem:$0x19030]  }
0x16a: {  	v9 =	vld [tilespmem:$0x19040]  }
0x16b: {  	v10 =	vld [tilespmem:$0x19050];
	v5 =	vadd.s32 v0, v5  }
0x16c: {  	[tilespmem:$0x19000] =	vst v5;
	v5 =	vadd.s32 v0, v6;
	v6 =	vld [tilespmem:$0x19060]  }
0x16d: {  	[tilespmem:$0x19010] =	vst v5;
	v5 =	vadd.s32 v0, v7;
	v7 =	vld [tilespmem:$0x19070]  }
0x16e: {  	[tilespmem:$0x19020] =	vst v5;
	v5 =	vadd.s32 v0, v8  }
0x16f: {  	[tilespmem:$0x19030] =	vst v5;
	v5 =	vadd.s32 v0, v9  }
0x170: {  	[tilespmem:$0x19040] =	vst v5;
	v5 =	vadd.s32 v0, v10  }
0x171: {  	[tilespmem:$0x19050] =	vst v5;
	v5 =	vadd.s32 v0, v6  }
0x172: {  	[tilespmem:$0x19060] =	vst v5;
	v5 =	vadd.s32 v0, v7  }
0x173: {  	[tilespmem:$0x19070] =	vst v5  }
0x174: {  	[tilespmem:s23], [sflag:$0x1] =	stream.indirect.gather [hbm4b:s9+s22], $0x20, s21, s22, $0xb8;
	[tilespmem:$0x1B2C0] =	vst v63  }
0x175: {  	_ =	swait.ge [sflag:s24], $0x1000  }
0x176: {  	[sflag:s24] =	ssyncset.done $0x0  }
0x177: {  	s31 =	simm.s32 $0x19100;
	[sflag:s24] =	ssyncadd.s32 $0xFFFFF000  }
0x178: {  	v5 =	vld [tilespmem:s31+$0x0];
	_ =	sdelay $0x4  }
0x179: {  	s1 =	simm.s32 $0x0;
	v5 =	vmul.f32 v5, v4  }
0x17a: {  	s0 =	simm.s32 $0x19200;
	v6 =	vmov s1  }
0x17b: {  	[tilespmem:s0+$0x0] =	vst v5;
	v5 =	vshrl.u32 v6, $0x3  }
0x17c: {  	v6 =	vld [tilespmem:s31+$0xFFFFFF80];
	v5 =	vshll.u32 v5, v3  }
0x17d: {  	v5 =	vbroadcast v5, $0x0;
	_ =	sdelay $0x2  }
0x17e: {  	s2 =	simm.s32 $0x19180  }
0x17f: {  	s30 =	simm.s32 $0x19380;
	s16 =	simm.s32 $0x1;
	[tilespmem:s2+$0x0] =	vst v6  }
0x180: {  	v7 =	vmov s16;
	v6 =	vld [tilespmem:s30+$0xFFFFFF00]  }
0x181: {  	v7 =	vshrl.u32 v7, $0x3;
	v5 =	vld.idx.msk [tilespmem:v5+s25+$0x0], $0xffff  }
0x182: {  	v7 =	vshll.u32 v7, v3;
	v8 =	vld [tilespmem:s30+$0xFFFFFF10]  }
0x183: {  	v7 =	vadd.s32 $0x1, v7  }
0x184: {  	v7 =	vbroadcast v7, $0x0;
	_ =	sdelay $0x1  }
0x185: {  	v6 =	vmul.f32 v6, v5  }
0x186: {  	v5 =	vmul.f32 v8, v5  }
0x187: {  	[tilespmem:s30+$0xFFFFFF00] =	vst v6  }
0x188: {  	s18 =	simm.s32 $0x2;
	[tilespmem:s30+$0xFFFFFF10] =	vst v5  }
0x189: {  	v6 =	vmov s18;
	v5 =	vld.idx.msk [tilespmem:v7+s25+$0x0], $0xffff  }
0x18a: {  	v7 =	vld [tilespmem:s30+$0xFFFFFF20];
	v6 =	vshrl.u32 v6, $0x3  }
0x18b: {  	v8 =	vld [tilespmem:s30+$0xFFFFFF30];
	v6 =	vshll.u32 v6, v3  }
0x18c: {  	v6 =	vadd.s32 $0x2, v6  }
0x18d: {  	v6 =	vbroadcast v6, $0x0;
	_ =	sdelay $0x1  }
0x18e: {  	v7 =	vmul.f32 v7, v5  }
0x18f: {  	v5 =	vmul.f32 v8, v5  }
0x190: {  	[tilespmem:s30+$0xFFFFFF20] =	vst v7  }
0x191: {  	s28 =	simm.s32 $0x3;
	[tilespmem:s30+$0xFFFFFF30] =	vst v5  }
0x192: {  	v5 =	vld.idx.msk [tilespmem:v6+s25+$0x0], $0xffff;
	v6 =	vmov s28  }
0x193: {  	v7 =	vld [tilespmem:s30+$0xFFFFFF40];
	v6 =	vshrl.u32 v6, $0x3  }
0x194: {  	v8 =	vld [tilespmem:s30+$0xFFFFFF50];
	v6 =	vshll.u32 v6, v3  }
0x195: {  	v6 =	vadd.s32 $0x3, v6  }
0x196: {  	v6 =	vbroadcast v6, $0x0;
	_ =	sdelay $0x1  }
0x197: {  	v7 =	vmul.f32 v7, v5  }
0x198: {  	v5 =	vmul.f32 v8, v5  }
0x199: {  	[tilespmem:s30+$0xFFFFFF40] =	vst v7  }
0x19a: {  	s16 =	simm.s32 $0x4;
	[tilespmem:s30+$0xFFFFFF50] =	vst v5  }
0x19b: {  	v5 =	vld.idx.msk [tilespmem:v6+s25+$0x0], $0xffff;
	v6 =	vmov s16  }
0x19c: {  	v7 =	vld [tilespmem:s30+$0xFFFFFF60];
	v6 =	vshrl.u32 v6, $0x3  }
0x19d: {  	v8 =	vld [tilespmem:s30+$0xFFFFFF70];
	v6 =	vshll.u32 v6, v3  }
0x19e: {  	v6 =	vadd.s32 $0x4, v6  }
0x19f: {  	v6 =	vbroadcast v6, $0x0;
	_ =	sdelay $0x1  }
0x1a0: {  	v7 =	vmul.f32 v7, v5  }
0x1a1: {  	v5 =	vmul.f32 v8, v5  }
0x1a2: {  	[tilespmem:s30+$0xFFFFFF60] =	vst v7  }
0x1a3: {  	s18 =	simm.s32 $0x5;
	[tilespmem:s30+$0xFFFFFF70] =	vst v5  }
0x1a4: {  	v5 =	vld.idx.msk [tilespmem:v6+s25+$0x0], $0xffff;
	v6 =	vmov s18  }
0x1a5: {  	v7 =	vld [tilespmem:s30+$0xFFFFFF80];
	v6 =	vshrl.u32 v6, $0x3  }
0x1a6: {  	v8 =	vld [tilespmem:s30+$0xFFFFFF90];
	v6 =	vshll.u32 v6, v3  }
0x1a7: {  	v6 =	vadd.s32 $0x5, v6  }
0x1a8: {  	v6 =	vbroadcast v6, $0x0;
	_ =	sdelay $0x1  }
0x1a9: {  	v7 =	vmul.f32 v7, v5  }
0x1aa: {  	v5 =	vmul.f32 v8, v5  }
0x1ab: {  	[tilespmem:s30+$0xFFFFFF80] =	vst v7  }
0x1ac: {  	s28 =	simm.s32 $0x6;
	[tilespmem:s30+$0xFFFFFF90] =	vst v5  }
0x1ad: {  	v5 =	vld.idx.msk [tilespmem:v6+s25+$0x0], $0xffff;
	v6 =	vmov s28  }
0x1ae: {  	v7 =	vld [tilespmem:s30+$0xFFFFFFA0];
	v6 =	vshrl.u32 v6, $0x3  }
0x1af: {  	v8 =	vld [tilespmem:s30+$0xFFFFFFB0];
	v6 =	vshll.u32 v6, v3  }
0x1b0: {  	v6 =	vadd.s32 $0x6, v6  }
0x1b1: {  	v6 =	vbroadcast v6, $0x0;
	_ =	sdelay $0x1  }
0x1b2: {  	v7 =	vmul.f32 v7, v5  }
0x1b3: {  	v5 =	vmul.f32 v8, v5  }
0x1b4: {  	[tilespmem:s30+$0xFFFFFFA0] =	vst v7  }
0x1b5: {  	s16 =	simm.s32 $0x7;
	[tilespmem:s30+$0xFFFFFFB0] =	vst v5  }
0x1b6: {  	v5 =	vld.idx.msk [tilespmem:v6+s25+$0x0], $0xffff;
	v6 =	vmov s16  }
0x1b7: {  	v7 =	vld [tilespmem:s30+$0xFFFFFFC0];
	v6 =	vshrl.u32 v6, $0x3  }
0x1b8: {  	v8 =	vld [tilespmem:s30+$0xFFFFFFD0];
	v6 =	vshll.u32 v6, v3  }
0x1b9: {  	v6 =	vadd.s32 $0x7, v6  }
0x1ba: {  	v6 =	vbroadcast v6, $0x0;
	_ =	sdelay $0x1  }
0x1bb: {  	v7 =	vmul.f32 v7, v5  }
0x1bc: {  	v5 =	vmul.f32 v8, v5  }
0x1bd: {  	[tilespmem:s30+$0xFFFFFFC0] =	vst v7  }
0x1be: {  	[tilespmem:s30+$0xFFFFFFD0] =	vst v5  }
0x1bf: {  	s18 =	simm.s32 $0x8;
	v5 =	vld.idx.msk [tilespmem:v6+s25+$0x0], $0xffff  }
0x1c0: {  	v7 =	vmov s18;
	v6 =	vld [tilespmem:s30+$0xFFFFFFE0]  }
0x1c1: {  	v9 =	vld [tilespmem:s30+$0xFFFFFFF0];
	v7 =	vshrl.u32 v7, $0x3  }
0x1c2: {  	v7 =	vshll.u32 v7, v3  }
0x1c3: {  	v7 =	vbroadcast v7, $0x0;
	_ =	sdelay $0x1  }
0x1c4: {  	v6 =	vmul.f32 v6, v5  }
0x1c5: {  	v5 =	vmul.f32 v9, v5  }
0x1c6: {  	[tilespmem:s30+$0xFFFFFFE0] =	vst v6  }
0x1c7: {  	s28 =	simm.s32 $0x9;
	[tilespmem:s30+$0xFFFFFFF0] =	vst v5  }
0x1c8: {  	v6 =	vmov s28;
	v5 =	vld.idx.msk [tilespmem:v7+s25+$0x0], $0xffff  }
0x1c9: {  	v7 =	vld [tilespmem:s30+$0x0];
	v6 =	vshrl.u32 v6, $0x3  }
0x1ca: {  	v8 =	vld [tilespmem:s30+$0x10];
	v6 =	vshll.u32 v6, v3  }
0x1cb: {  	v6 =	vadd.s32 $0x1, v6  }
0x1cc: {  	v6 =	vbroadcast v6, $0x0;
	_ =	sdelay $0x1  }
0x1cd: {  	v7 =	vmul.f32 v7, v5  }
0x1ce: {  	v5 =	vmul.f32 v8, v5  }
0x1cf: {  	[tilespmem:s30+$0x0] =	vst v7  }
0x1d0: {  	s16 =	simm.s32 $0xA;
	[tilespmem:s30+$0x10] =	vst v5  }
0x1d1: {  	v5 =	vld.idx.msk [tilespmem:v6+s25+$0x0], $0xffff;
	v6 =	vmov s16  }
0x1d2: {  	v7 =	vld [tilespmem:s30+$0x20];
	v6 =	vshrl.u32 v6, $0x3  }
0x1d3: {  	v8 =	vld [tilespmem:s30+$0x30];
	v6 =	vshll.u32 v6, v3  }
0x1d4: {  	v6 =	vadd.s32 $0x2, v6  }
0x1d5: {  	v6 =	vbroadcast v6, $0x0;
	_ =	sdelay $0x1  }
0x1d6: {  	v7 =	vmul.f32 v7, v5  }
0x1d7: {  	v5 =	vmul.f32 v8, v5  }
0x1d8: {  	[tilespmem:s30+$0x20] =	vst v7  }
0x1d9: {  	s18 =	simm.s32 $0xB;
	[tilespmem:s30+$0x30] =	vst v5  }
0x1da: {  	v5 =	vld.idx.msk [tilespmem:v6+s25+$0x0], $0xffff;
	v6 =	vmov s18  }
0x1db: {  	v7 =	vld [tilespmem:s30+$0x40];
	v6 =	vshrl.u32 v6, $0x3  }
0x1dc: {  	v8 =	vld [tilespmem:s30+$0x50];
	v6 =	vshll.u32 v6, v3  }
0x1dd: {  	v6 =	vadd.s32 $0x3, v6  }
0x1de: {  	v6 =	vbroadcast v6, $0x0;
	_ =	sdelay $0x1  }
0x1df: {  	v7 =	vmul.f32 v7, v5  }
0x1e0: {  	v5 =	vmul.f32 v8, v5  }
0x1e1: {  	[tilespmem:s30+$0x40] =	vst v7  }
0x1e2: {  	s28 =	simm.s32 $0xC;
	[tilespmem:s30+$0x50] =	vst v5  }
0x1e3: {  	v5 =	vld.idx.msk [tilespmem:v6+s25+$0x0], $0xffff;
	v6 =	vmov s28  }
0x1e4: {  	v7 =	vld [tilespmem:s30+$0x60];
	v6 =	vshrl.u32 v6, $0x3  }
0x1e5: {  	v8 =	vld [tilespmem:s30+$0x70];
	v6 =	vshll.u32 v6, v3  }
0x1e6: {  	v6 =	vadd.s32 $0x4, v6  }
0x1e7: {  	v6 =	vbroadcast v6, $0x0;
	_ =	sdelay $0x1  }
0x1e8: {  	v7 =	vmul.f32 v7, v5  }
0x1e9: {  	v5 =	vmul.f32 v8, v5  }
0x1ea: {  	[tilespmem:s30+$0x60] =	vst v7  }
0x1eb: {  	s16 =	simm.s32 $0xD;
	[tilespmem:s30+$0x70] =	vst v5  }
0x1ec: {  	v5 =	vld.idx.msk [tilespmem:v6+s25+$0x0], $0xffff;
	v6 =	vmov s16  }
0x1ed: {  	v7 =	vld [tilespmem:s30+$0x80];
	v6 =	vshrl.u32 v6, $0x3  }
0x1ee: {  	v8 =	vld [tilespmem:s30+$0x90];
	v6 =	vshll.u32 v6, v3  }
0x1ef: {  	v6 =	vadd.s32 $0x5, v6  }
0x1f0: {  	v6 =	vbroadcast v6, $0x0;
	_ =	sdelay $0x1  }
0x1f1: {  	v7 =	vmul.f32 v7, v5  }
0x1f2: {  	v5 =	vmul.f32 v8, v5  }
0x1f3: {  	[tilespmem:s30+$0x80] =	vst v7  }
0x1f4: {  	s18 =	simm.s32 $0xE;
	v8 =	vld [tilespmem:s30+$0xB0];
	[tilespmem:s30+$0x90] =	vst v5  }
0x1f5: {  	v5 =	vld.idx.msk [tilespmem:v6+s25+$0x0], $0xffff;
	v6 =	vmov s18  }
0x1f6: {  	v7 =	vld [tilespmem:s30+$0xA0];
	v6 =	vshrl.u32 v6, $0x3  }
0x1f7: {  	v6 =	vshll.u32 v6, v3  }
0x1f8: {  	v6 =	vadd.s32 $0x6, v6  }
0x1f9: {  	v6 =	vbroadcast v6, $0x0;
	_ =	sdelay $0x1  }
0x1fa: {  	v7 =	vmul.f32 v7, v5;
	v5 =	vmul.f32 v8, v5;
	_ =	sdelay $0x1  }
0x1fb: {  	s28 =	simm.s32 $0xF;
	[tilespmem:s30+$0xB0] =	vst v5;
	v5 =	vld [tilespmem:s30+$0xD0]  }
0x1fc: {  	v8 =	vmov s28;
	[tilespmem:s30+$0xA0] =	vst v7;
	v7 =	vld [tilespmem:s30+$0xC0]  }
0x1fd: {  	s1 =	simm.s32 $0x1F;
	s18 =	simm.s32 $0x19580;
	v8 =	vshrl.u32 v8, $0x3;
	v6 =	vld.idx.msk [tilespmem:v6+s25+$0x0], $0xffff  }
.LBB2_11:
0x1fe: {  	v8 =	vshll.u32 v8, v3;
	s31 =	sadd.s32 $0x10, s31;
	s2 =	sadd.s32 $0x10, s2;
	s0 =	sadd.s32 $0x10, s0  }
0x1ff: {  	p0 =	sne.s32 s1, $0x7F;
	s16 =	smov.u32 s1;
	s1 =	sadd.s32 $0x10, s1;
	v8 =	vadd.s32 $0x7, v8  }
0x200: {  	v8 =	vbroadcast v8, $0x0;
	_ =	sdelay $0x1  }
0x201: {  	v5 =	vmul.f32 v5, v6;
	v7 =	vmul.f32 v7, v6;
	_ =	sdelay $0x1  }
0x202: {  	[tilespmem:s30+$0xC0] =	vst v7  }
0x203: {  	[tilespmem:s30+$0xD0] =	vst v5;
	v5 =	vld [tilespmem:s30+$0xF0]  }
0x204: {  	v6 =	vld.idx.msk [tilespmem:v8+s25+$0x0], $0xffff  }
0x205: {  	v7 =	vld [tilespmem:s30+$0xE0];
	_ =	sdelay $0x4  }
0x206: {  	v5 =	vmul.f32 v5, v6;
	v7 =	vmul.f32 v7, v6;
	_ =	sdelay $0x1  }
0x207: {  	[tilespmem:s30+$0xE0] =	vst v7  }
0x208: {  	[tilespmem:s30+$0xF0] =	vst v5;
	s30 =	smov.u32 s18  }
0x209: {  	v5 =	vld [tilespmem:s31+$0x0];
	_ =	sdelay $0x4  }
0x20a: {  	s28 =	sadd.s32 $0xFFFFFFF1, s16;
	v5 =	vmul.f32 v5, v4  }
0x20b: {  	v6 =	vmov s28  }
0x20c: {  	[tilespmem:s0+$0x0] =	vst v5;
	v5 =	vshrl.u32 v6, $0x3  }
0x20d: {  	v6 =	vld [tilespmem:s31+$0xFFFFFF80];
	v5 =	vshll.u32 v5, v3  }
0x20e: {  	v5 =	vbroadcast v5, $0x0;
	_ =	sdelay $0x3  }
0x20f: {  	[tilespmem:s2+$0x0] =	vst v6  }
0x210: {  	s28 =	sadd.s32 $0xFFFFFFF2, s16;
	v6 =	vld [tilespmem:s18+$0xFFFFFF00]  }
0x211: {  	v7 =	vld.idx.msk [tilespmem:v5+s25+$0x0], $0xffff;
	v5 =	vmov s28  }
0x212: {  	v8 =	vld [tilespmem:s18+$0xFFFFFF10];
	v5 =	vshrl.u32 v5, $0x3  }
0x213: {  	v9 =	vshll.u32 v5, v3;
	v5 =	vld [tilespmem:s18+$0xFFFFFFF0]  }
0x214: {  	v9 =	vadd.s32 $0x1, v9  }
0x215: {  	v9 =	vbroadcast v9, $0x0;
	_ =	sdelay $0x1  }
0x216: {  	v6 =	vmul.f32 v6, v7;
	v7 =	vmul.f32 v8, v7;
	_ =	sdelay $0x1  }
0x217: {  	[tilespmem:s18+$0xFFFFFF00] =	vst v6  }
0x218: {  	s28 =	sadd.s32 $0xFFFFFFF3, s16;
	[tilespmem:s18+$0xFFFFFF10] =	vst v7;
	v6 =	vld [tilespmem:s18+$0xFFFFFF30]  }
0x219: {  	v8 =	vmov s28;
	v7 =	vld.idx.msk [tilespmem:v9+s25+$0x0], $0xffff  }
0x21a: {  	v8 =	vshrl.u32 v8, $0x3;
	v9 =	vld [tilespmem:s18+$0xFFFFFF20]  }
0x21b: {  	v8 =	vshll.u32 v8, v3  }
0x21c: {  	v8 =	vadd.s32 $0x2, v8  }
0x21d: {  	v8 =	vbroadcast v8, $0x0;
	_ =	sdelay $0x1  }
0x21e: {  	v6 =	vmul.f32 v6, v7;
	v9 =	vmul.f32 v9, v7;
	_ =	sdelay $0x1  }
0x21f: {  	[tilespmem:s18+$0xFFFFFF20] =	vst v9  }
0x220: {  	s28 =	sadd.s32 $0xFFFFFFF4, s16;
	[tilespmem:s18+$0xFFFFFF30] =	vst v6;
	v6 =	vld [tilespmem:s18+$0xFFFFFF50]  }
0x221: {  	v7 =	vld.idx.msk [tilespmem:v8+s25+$0x0], $0xffff;
	v8 =	vmov s28  }
0x222: {  	v9 =	vld [tilespmem:s18+$0xFFFFFF40];
	v8 =	vshrl.u32 v8, $0x3  }
0x223: {  	v8 =	vshll.u32 v8, v3  }
0x224: {  	v8 =	vadd.s32 $0x3, v8  }
0x225: {  	v8 =	vbroadcast v8, $0x0;
	_ =	sdelay $0x1  }
0x226: {  	v6 =	vmul.f32 v6, v7;
	v9 =	vmul.f32 v9, v7;
	_ =	sdelay $0x1  }
0x227: {  	[tilespmem:s18+$0xFFFFFF40] =	vst v9  }
0x228: {  	s28 =	sadd.s32 $0xFFFFFFF5, s16;
	[tilespmem:s18+$0xFFFFFF50] =	vst v6;
	v6 =	vld [tilespmem:s18+$0xFFFFFF70]  }
0x229: {  	v7 =	vld.idx.msk [tilespmem:v8+s25+$0x0], $0xffff;
	v8 =	vmov s28  }
0x22a: {  	v9 =	vld [tilespmem:s18+$0xFFFFFF60];
	v8 =	vshrl.u32 v8, $0x3  }
0x22b: {  	v8 =	vshll.u32 v8, v3  }
0x22c: {  	v8 =	vadd.s32 $0x4, v8  }
0x22d: {  	v8 =	vbroadcast v8, $0x0;
	_ =	sdelay $0x1  }
0x22e: {  	v6 =	vmul.f32 v6, v7;
	v9 =	vmul.f32 v9, v7;
	_ =	sdelay $0x1  }
0x22f: {  	[tilespmem:s18+$0xFFFFFF60] =	vst v9  }
0x230: {  	s28 =	sadd.s32 $0xFFFFFFF6, s16;
	[tilespmem:s18+$0xFFFFFF70] =	vst v6;
	v6 =	vld [tilespmem:s18+$0xFFFFFF90]  }
0x231: {  	v7 =	vld.idx.msk [tilespmem:v8+s25+$0x0], $0xffff;
	v8 =	vmov s28  }
0x232: {  	v9 =	vld [tilespmem:s18+$0xFFFFFF80];
	v8 =	vshrl.u32 v8, $0x3  }
0x233: {  	v8 =	vshll.u32 v8, v3  }
0x234: {  	v8 =	vadd.s32 $0x5, v8  }
0x235: {  	v8 =	vbroadcast v8, $0x0;
	_ =	sdelay $0x1  }
0x236: {  	v6 =	vmul.f32 v6, v7;
	v9 =	vmul.f32 v9, v7;
	_ =	sdelay $0x1  }
0x237: {  	[tilespmem:s18+$0xFFFFFF80] =	vst v9  }
0x238: {  	s28 =	sadd.s32 $0xFFFFFFF7, s16;
	[tilespmem:s18+$0xFFFFFF90] =	vst v6;
	v6 =	vld [tilespmem:s18+$0xFFFFFFB0]  }
0x239: {  	v7 =	vld.idx.msk [tilespmem:v8+s25+$0x0], $0xffff;
	v8 =	vmov s28  }
0x23a: {  	v9 =	vld [tilespmem:s18+$0xFFFFFFA0];
	v8 =	vshrl.u32 v8, $0x3  }
0x23b: {  	v8 =	vshll.u32 v8, v3  }
0x23c: {  	v8 =	vadd.s32 $0x6, v8  }
0x23d: {  	v8 =	vbroadcast v8, $0x0;
	_ =	sdelay $0x1  }
0x23e: {  	v6 =	vmul.f32 v6, v7;
	v9 =	vmul.f32 v9, v7;
	_ =	sdelay $0x1  }
0x23f: {  	[tilespmem:s18+$0xFFFFFFA0] =	vst v9  }
0x240: {  	s28 =	sadd.s32 $0xFFFFFFF8, s16;
	[tilespmem:s18+$0xFFFFFFB0] =	vst v6;
	v6 =	vld [tilespmem:s18+$0xFFFFFFD0]  }
0x241: {  	v7 =	vld.idx.msk [tilespmem:v8+s25+$0x0], $0xffff;
	v8 =	vmov s28  }
0x242: {  	v9 =	vld [tilespmem:s18+$0xFFFFFFC0];
	v8 =	vshrl.u32 v8, $0x3  }
0x243: {  	v8 =	vshll.u32 v8, v3  }
0x244: {  	v8 =	vadd.s32 $0x7, v8  }
0x245: {  	v8 =	vbroadcast v8, $0x0;
	_ =	sdelay $0x1  }
0x246: {  	v6 =	vmul.f32 v6, v7;
	v9 =	vmul.f32 v9, v7;
	_ =	sdelay $0x1  }
0x247: {  	[tilespmem:s18+$0xFFFFFFC0] =	vst v9  }
0x248: {  	[tilespmem:s18+$0xFFFFFFD0] =	vst v6  }
0x249: {  	s28 =	sadd.s32 $0xFFFFFFF9, s16;
	v6 =	vld.idx.msk [tilespmem:v8+s25+$0x0], $0xffff  }
0x24a: {  	v8 =	vmov s28;
	v7 =	vld [tilespmem:s18+$0xFFFFFFE0]  }
0x24b: {  	v8 =	vshrl.u32 v8, $0x3  }
0x24c: {  	v8 =	vshll.u32 v8, v3  }
0x24d: {  	v8 =	vbroadcast v8, $0x0;
	_ =	sdelay $0x1  }
0x24e: {  	v5 =	vmul.f32 v5, v6;
	v7 =	vmul.f32 v7, v6;
	_ =	sdelay $0x1  }
0x24f: {  	[tilespmem:s18+$0xFFFFFFE0] =	vst v7  }
0x250: {  	s28 =	sadd.s32 $0xFFFFFFFA, s16;
	[tilespmem:s18+$0xFFFFFFF0] =	vst v5;
	v5 =	vld [tilespmem:s18+$0x10]  }
0x251: {  	v7 =	vmov s28;
	v6 =	vld.idx.msk [tilespmem:v8+s25+$0x0], $0xffff  }
0x252: {  	v7 =	vshrl.u32 v7, $0x3;
	v8 =	vld [tilespmem:s18+$0x0]  }
0x253: {  	v7 =	vshll.u32 v7, v3  }
0x254: {  	v7 =	vadd.s32 $0x1, v7  }
0x255: {  	v7 =	vbroadcast v7, $0x0;
	_ =	sdelay $0x1  }
0x256: {  	v5 =	vmul.f32 v5, v6;
	v8 =	vmul.f32 v8, v6;
	_ =	sdelay $0x1  }
0x257: {  	[tilespmem:s18+$0x0] =	vst v8  }
0x258: {  	s28 =	sadd.s32 $0xFFFFFFFB, s16;
	[tilespmem:s18+$0x10] =	vst v5;
	v5 =	vld [tilespmem:s18+$0x30]  }
0x259: {  	v6 =	vld.idx.msk [tilespmem:v7+s25+$0x0], $0xffff;
	v7 =	vmov s28  }
0x25a: {  	v8 =	vld [tilespmem:s18+$0x20];
	v7 =	vshrl.u32 v7, $0x3  }
0x25b: {  	v7 =	vshll.u32 v7, v3  }
0x25c: {  	v7 =	vadd.s32 $0x2, v7  }
0x25d: {  	v7 =	vbroadcast v7, $0x0;
	_ =	sdelay $0x1  }
0x25e: {  	v5 =	vmul.f32 v5, v6;
	v8 =	vmul.f32 v8, v6;
	_ =	sdelay $0x1  }
0x25f: {  	[tilespmem:s18+$0x20] =	vst v8  }
0x260: {  	s28 =	sadd.s32 $0xFFFFFFFC, s16;
	[tilespmem:s18+$0x30] =	vst v5;
	v5 =	vld [tilespmem:s18+$0x50]  }
0x261: {  	v6 =	vld.idx.msk [tilespmem:v7+s25+$0x0], $0xffff;
	v7 =	vmov s28  }
0x262: {  	v8 =	vld [tilespmem:s18+$0x40];
	v7 =	vshrl.u32 v7, $0x3  }
0x263: {  	v7 =	vshll.u32 v7, v3  }
0x264: {  	v7 =	vadd.s32 $0x3, v7  }
0x265: {  	v7 =	vbroadcast v7, $0x0;
	_ =	sdelay $0x1  }
0x266: {  	v5 =	vmul.f32 v5, v6;
	v8 =	vmul.f32 v8, v6;
	_ =	sdelay $0x1  }
0x267: {  	[tilespmem:s18+$0x40] =	vst v8  }
0x268: {  	s28 =	sadd.s32 $0xFFFFFFFD, s16;
	[tilespmem:s18+$0x50] =	vst v5;
	v5 =	vld [tilespmem:s18+$0x70]  }
0x269: {  	v6 =	vld.idx.msk [tilespmem:v7+s25+$0x0], $0xffff;
	v7 =	vmov s28  }
0x26a: {  	v8 =	vld [tilespmem:s18+$0x60];
	v7 =	vshrl.u32 v7, $0x3  }
0x26b: {  	v7 =	vshll.u32 v7, v3  }
0x26c: {  	v7 =	vadd.s32 $0x4, v7  }
0x26d: {  	v7 =	vbroadcast v7, $0x0;
	_ =	sdelay $0x1  }
0x26e: {  	v5 =	vmul.f32 v5, v6;
	v8 =	vmul.f32 v8, v6;
	_ =	sdelay $0x1  }
0x26f: {  	[tilespmem:s18+$0x60] =	vst v8  }
0x270: {  	s28 =	sadd.s32 $0xFFFFFFFE, s16;
	[tilespmem:s18+$0x70] =	vst v5;
	v5 =	vld [tilespmem:s18+$0x90]  }
0x271: {  	v6 =	vld.idx.msk [tilespmem:v7+s25+$0x0], $0xffff;
	v7 =	vmov s28  }
0x272: {  	v8 =	vld [tilespmem:s18+$0x80];
	v7 =	vshrl.u32 v7, $0x3  }
0x273: {  	v7 =	vshll.u32 v7, v3  }
0x274: {  	v7 =	vadd.s32 $0x5, v7  }
0x275: {  	v7 =	vbroadcast v7, $0x0;
	_ =	sdelay $0x1  }
0x276: {  	v5 =	vmul.f32 v5, v6;
	v8 =	vmul.f32 v8, v6;
	_ =	sdelay $0x1  }
0x277: {  	[tilespmem:s18+$0x80] =	vst v8  }
0x278: {  	s28 =	sadd.s32 $0xFFFFFFFF, s16;
	[tilespmem:s18+$0x90] =	vst v5;
	v5 =	vld [tilespmem:s18+$0xB0]  }
0x279: {  	v6 =	vld.idx.msk [tilespmem:v7+s25+$0x0], $0xffff;
	v7 =	vmov s28  }
0x27a: {  	v8 =	vld [tilespmem:s18+$0xA0];
	v7 =	vshrl.u32 v7, $0x3  }
0x27b: {  	v7 =	vshll.u32 v7, v3  }
0x27c: {  	v7 =	vadd.s32 $0x6, v7  }
0x27d: {  	v7 =	vbroadcast v7, $0x0;
	_ =	sdelay $0x1  }
0x27e: {  	v5 =	vmul.f32 v5, v6;
	v8 =	vmul.f32 v8, v6  }
.Ltmp4:
0x27f: {  	(pc) =	sbr.rel @p0 .LBB2_11-.Ltmp4, $4  }
0x280: {  	[tilespmem:s18+$0xA0] =	vst v8  }
0x281: {  	[tilespmem:s18+$0xB0] =	vst v5;
	v5 =	vld [tilespmem:s18+$0xD0]  }
0x282: {  	v8 =	vmov s16;
	v6 =	vld.idx.msk [tilespmem:v7+s25+$0x0], $0xffff  }
0x283: {  	v8 =	vshrl.u32 v8, $0x3;
	s18 =	sadd.s32 $0x200, s18;
	v7 =	vld [tilespmem:s30+$0xC0]  }
0x284: {  	v8 =	vshll.u32 v8, v3  }
0x285: {  	v8 =	vadd.s32 $0x7, v8  }
0x286: {  	v8 =	vbroadcast v8, $0x0;
	_ =	sdelay $0x1  }
0x287: {  	v5 =	vmul.f32 v5, v6  }
0x288: {  	v7 =	vmul.f32 v7, v6  }
0x289: {  	[tilespmem:s30+$0xD0] =	vst v5  }
0x28a: {  	v6 =	vld [tilespmem:s30+$0xE0];
	[tilespmem:s30+$0xC0] =	vst v7  }
0x28b: {  	v5 =	vld.idx.msk [tilespmem:v8+s25+$0x0], $0xffff  }
0x28c: {  	v7 =	vld [tilespmem:s30+$0xF0];
	_ =	sdelay $0x3  }
0x28d: {  	v6 =	vmul.f32 v6, v5  }
0x28e: {  	s29 =	sadd.s32 $0x1, s29;
	v5 =	vmul.f32 v7, v5  }
0x28f: {  	p0 =	sne.s32 s29, $0x187;
	[tilespmem:s30+$0xE0] =	vst v6  }
.Ltmp5:
0x290: {  	[tilespmem:s30+$0xF0] =	vst v5;
	(pc) =	sbr.rel @p0 .LBB2_10-.Ltmp5, $4  }
0x291: {  	[spmem:s3] =	stream.indirect.scatter.add.f32 [tilespmem:s23], [sflag:$0x2], $0x20, s26, s22, $0xb8;
	[tilespmem:$0x1B2C0] =	vst v63  }
0x292: {  	_ =	swait.ge [sflag:s19], $0x1000  }
0x293: {  	[sflag:s19] =	ssyncset.done $0x0  }
0x294: {  	[sflag:s19] =	ssyncadd.s32 $0xFFFFF000  }
0x295: {  	s29 =	simm.s32 $0x0;
	v4 =	vld [tilespmem:$0x1B2A0]  }
.LBB2_14:
0x296: {  	s0 =	sadd.s32 s13, s29  }
0x297: {  	s0 =	smul.u32 $0x30, s0;
	_ =	sdelay $0x1  }
0x298: {  	s0 =	sadd.s32 s7, s0  }
0x299: {  	[tilespmem:s21], [sflag:$0x2] =	stream.linear.gather [hbm4b:s0+s4], $0x180, $0x38;
	[tilespmem:$0x1B2C0] =	vst v63  }
0x29a: {  	_ =	swait.ge [sflag:s19], $0x180  }
0x29b: {  	[sflag:s19] =	ssyncset.done $0x0  }
0x29c: {  	[sflag:s19] =	ssyncadd.s32 $0xFFFFFE80  }
0x29d: {  	v5 =	vld [tilespmem:$0x19000]  }
0x29e: {  	v6 =	vld [tilespmem:$0x19010]  }
0x29f: {  	v7 =	vld [tilespmem:$0x19020]  }
0x2a0: {  	v8 =	vld [tilespmem:$0x19030]  }
0x2a1: {  	v9 =	vld [tilespmem:$0x19040]  }
0x2a2: {  	v10 =	vld [tilespmem:$0x19050];
	v5 =	vadd.s32 v0, v5  }
0x2a3: {  	[tilespmem:$0x19000] =	vst v5;
	v5 =	vadd.s32 v0, v6;
	v6 =	vld [tilespmem:$0x19060]  }
0x2a4: {  	[tilespmem:$0x19010] =	vst v5;
	v5 =	vadd.s32 v0, v7;
	v7 =	vld [tilespmem:$0x19070]  }
0x2a5: {  	[tilespmem:$0x19020] =	vst v5;
	v5 =	vadd.s32 v0, v8  }
0x2a6: {  	[tilespmem:$0x19030] =	vst v5;
	v5 =	vadd.s32 v0, v9  }
0x2a7: {  	[tilespmem:$0x19040] =	vst v5;
	v5 =	vadd.s32 v0, v10  }
0x2a8: {  	[tilespmem:$0x19050] =	vst v5;
	v5 =	vadd.s32 v0, v6  }
0x2a9: {  	[tilespmem:$0x19060] =	vst v5;
	v5 =	vadd.s32 v0, v7  }
0x2aa: {  	[tilespmem:$0x19070] =	vst v5  }
0x2ab: {  	[tilespmem:s23], [sflag:$0x1] =	stream.indirect.gather [hbm4b:s11+s22], $0x20, s21, s22, $0xb8;
	[tilespmem:$0x1B2C0] =	vst v63  }
0x2ac: {  	_ =	swait.ge [sflag:s24], $0x1000  }
0x2ad: {  	[sflag:s24] =	ssyncset.done $0x0  }
0x2ae: {  	s31 =	simm.s32 $0x19100;
	[sflag:s24] =	ssyncadd.s32 $0xFFFFF000  }
0x2af: {  	v5 =	vld [tilespmem:s31+$0x0];
	_ =	sdelay $0x4  }
0x2b0: {  	s1 =	simm.s32 $0x0;
	v5 =	vmul.f32 v5, v4  }
0x2b1: {  	s0 =	simm.s32 $0x19200;
	v6 =	vmov s1  }
0x2b2: {  	[tilespmem:s0+$0x0] =	vst v5;
	v5 =	vshrl.u32 v6, $0x3  }
0x2b3: {  	v6 =	vld [tilespmem:s31+$0xFFFFFF80];
	v5 =	vshll.u32 v5, v3  }
0x2b4: {  	v5 =	vbroadcast v5, $0x0;
	_ =	sdelay $0x2  }
0x2b5: {  	s2 =	simm.s32 $0x19180  }
0x2b6: {  	s30 =	simm.s32 $0x19380;
	s16 =	simm.s32 $0x1;
	[tilespmem:s2+$0x0] =	vst v6  }
0x2b7: {  	v7 =	vmov s16;
	v6 =	vld [tilespmem:s30+$0xFFFFFF00]  }
0x2b8: {  	v7 =	vshrl.u32 v7, $0x3;
	v5 =	vld.idx.msk [tilespmem:v5+s25+$0x0], $0xffff  }
0x2b9: {  	v7 =	vshll.u32 v7, v3;
	v8 =	vld [tilespmem:s30+$0xFFFFFF10]  }
0x2ba: {  	v7 =	vadd.s32 $0x1, v7  }
0x2bb: {  	v7 =	vbroadcast v7, $0x0;
	_ =	sdelay $0x1  }
0x2bc: {  	v6 =	vmul.f32 v6, v5  }
0x2bd: {  	v5 =	vmul.f32 v8, v5  }
0x2be: {  	[tilespmem:s30+$0xFFFFFF00] =	vst v6  }
0x2bf: {  	s18 =	simm.s32 $0x2;
	[tilespmem:s30+$0xFFFFFF10] =	vst v5  }
0x2c0: {  	v6 =	vmov s18;
	v5 =	vld.idx.msk [tilespmem:v7+s25+$0x0], $0xffff  }
0x2c1: {  	v7 =	vld [tilespmem:s30+$0xFFFFFF20];
	v6 =	vshrl.u32 v6, $0x3  }
0x2c2: {  	v8 =	vld [tilespmem:s30+$0xFFFFFF30];
	v6 =	vshll.u32 v6, v3  }
0x2c3: {  	v6 =	vadd.s32 $0x2, v6  }
0x2c4: {  	v6 =	vbroadcast v6, $0x0;
	_ =	sdelay $0x1  }
0x2c5: {  	v7 =	vmul.f32 v7, v5  }
0x2c6: {  	v5 =	vmul.f32 v8, v5  }
0x2c7: {  	[tilespmem:s30+$0xFFFFFF20] =	vst v7  }
0x2c8: {  	s28 =	simm.s32 $0x3;
	[tilespmem:s30+$0xFFFFFF30] =	vst v5  }
0x2c9: {  	v5 =	vld.idx.msk [tilespmem:v6+s25+$0x0], $0xffff;
	v6 =	vmov s28  }
0x2ca: {  	v7 =	vld [tilespmem:s30+$0xFFFFFF40];
	v6 =	vshrl.u32 v6, $0x3  }
0x2cb: {  	v8 =	vld [tilespmem:s30+$0xFFFFFF50];
	v6 =	vshll.u32 v6, v3  }
0x2cc: {  	v6 =	vadd.s32 $0x3, v6  }
0x2cd: {  	v6 =	vbroadcast v6, $0x0;
	_ =	sdelay $0x1  }
0x2ce: {  	v7 =	vmul.f32 v7, v5  }
0x2cf: {  	v5 =	vmul.f32 v8, v5  }
0x2d0: {  	[tilespmem:s30+$0xFFFFFF40] =	vst v7  }
0x2d1: {  	s16 =	simm.s32 $0x4;
	[tilespmem:s30+$0xFFFFFF50] =	vst v5  }
0x2d2: {  	v5 =	vld.idx.msk [tilespmem:v6+s25+$0x0], $0xffff;
	v6 =	vmov s16  }
0x2d3: {  	v7 =	vld [tilespmem:s30+$0xFFFFFF60];
	v6 =	vshrl.u32 v6, $0x3  }
0x2d4: {  	v8 =	vld [tilespmem:s30+$0xFFFFFF70];
	v6 =	vshll.u32 v6, v3  }
0x2d5: {  	v6 =	vadd.s32 $0x4, v6  }
0x2d6: {  	v6 =	vbroadcast v6, $0x0;
	_ =	sdelay $0x1  }
0x2d7: {  	v7 =	vmul.f32 v7, v5  }
0x2d8: {  	v5 =	vmul.f32 v8, v5  }
0x2d9: {  	[tilespmem:s30+$0xFFFFFF60] =	vst v7  }
0x2da: {  	s18 =	simm.s32 $0x5;
	[tilespmem:s30+$0xFFFFFF70] =	vst v5  }
0x2db: {  	v5 =	vld.idx.msk [tilespmem:v6+s25+$0x0], $0xffff;
	v6 =	vmov s18  }
0x2dc: {  	v7 =	vld [tilespmem:s30+$0xFFFFFF80];
	v6 =	vshrl.u32 v6, $0x3  }
0x2dd: {  	v8 =	vld [tilespmem:s30+$0xFFFFFF90];
	v6 =	vshll.u32 v6, v3  }
0x2de: {  	v6 =	vadd.s32 $0x5, v6  }
0x2df: {  	v6 =	vbroadcast v6, $0x0;
	_ =	sdelay $0x1  }
0x2e0: {  	v7 =	vmul.f32 v7, v5  }
0x2e1: {  	v5 =	vmul.f32 v8, v5  }
0x2e2: {  	[tilespmem:s30+$0xFFFFFF80] =	vst v7  }
0x2e3: {  	s28 =	simm.s32 $0x6;
	[tilespmem:s30+$0xFFFFFF90] =	vst v5  }
0x2e4: {  	v5 =	vld.idx.msk [tilespmem:v6+s25+$0x0], $0xffff;
	v6 =	vmov s28  }
0x2e5: {  	v7 =	vld [tilespmem:s30+$0xFFFFFFA0];
	v6 =	vshrl.u32 v6, $0x3  }
0x2e6: {  	v8 =	vld [tilespmem:s30+$0xFFFFFFB0];
	v6 =	vshll.u32 v6, v3  }
0x2e7: {  	v6 =	vadd.s32 $0x6, v6  }
0x2e8: {  	v6 =	vbroadcast v6, $0x0;
	_ =	sdelay $0x1  }
0x2e9: {  	v7 =	vmul.f32 v7, v5  }
0x2ea: {  	v5 =	vmul.f32 v8, v5  }
0x2eb: {  	[tilespmem:s30+$0xFFFFFFA0] =	vst v7  }
0x2ec: {  	s16 =	simm.s32 $0x7;
	[tilespmem:s30+$0xFFFFFFB0] =	vst v5  }
0x2ed: {  	v5 =	vld.idx.msk [tilespmem:v6+s25+$0x0], $0xffff;
	v6 =	vmov s16  }
0x2ee: {  	v7 =	vld [tilespmem:s30+$0xFFFFFFC0];
	v6 =	vshrl.u32 v6, $0x3  }
0x2ef: {  	v8 =	vld [tilespmem:s30+$0xFFFFFFD0];
	v6 =	vshll.u32 v6, v3  }
0x2f0: {  	v6 =	vadd.s32 $0x7, v6  }
0x2f1: {  	v6 =	vbroadcast v6, $0x0;
	_ =	sdelay $0x1  }
0x2f2: {  	v7 =	vmul.f32 v7, v5  }
0x2f3: {  	v5 =	vmul.f32 v8, v5  }
0x2f4: {  	[tilespmem:s30+$0xFFFFFFC0] =	vst v7  }
0x2f5: {  	[tilespmem:s30+$0xFFFFFFD0] =	vst v5  }
0x2f6: {  	s18 =	simm.s32 $0x8;
	v5 =	vld.idx.msk [tilespmem:v6+s25+$0x0], $0xffff  }
0x2f7: {  	v7 =	vmov s18;
	v6 =	vld [tilespmem:s30+$0xFFFFFFE0]  }
0x2f8: {  	v9 =	vld [tilespmem:s30+$0xFFFFFFF0];
	v7 =	vshrl.u32 v7, $0x3  }
0x2f9: {  	v7 =	vshll.u32 v7, v3  }
0x2fa: {  	v7 =	vbroadcast v7, $0x0;
	_ =	sdelay $0x1  }
0x2fb: {  	v6 =	vmul.f32 v6, v5  }
0x2fc: {  	v5 =	vmul.f32 v9, v5  }
0x2fd: {  	[tilespmem:s30+$0xFFFFFFE0] =	vst v6  }
0x2fe: {  	s28 =	simm.s32 $0x9;
	[tilespmem:s30+$0xFFFFFFF0] =	vst v5  }
0x2ff: {  	v6 =	vmov s28;
	v5 =	vld.idx.msk [tilespmem:v7+s25+$0x0], $0xffff  }
0x300: {  	v7 =	vld [tilespmem:s30+$0x0];
	v6 =	vshrl.u32 v6, $0x3  }
0x301: {  	v8 =	vld [tilespmem:s30+$0x10];
	v6 =	vshll.u32 v6, v3  }
0x302: {  	v6 =	vadd.s32 $0x1, v6  }
0x303: {  	v6 =	vbroadcast v6, $0x0;
	_ =	sdelay $0x1  }
0x304: {  	v7 =	vmul.f32 v7, v5  }
0x305: {  	v5 =	vmul.f32 v8, v5  }
0x306: {  	[tilespmem:s30+$0x0] =	vst v7  }
0x307: {  	s16 =	simm.s32 $0xA;
	[tilespmem:s30+$0x10] =	vst v5  }
0x308: {  	v5 =	vld.idx.msk [tilespmem:v6+s25+$0x0], $0xffff;
	v6 =	vmov s16  }
0x309: {  	v7 =	vld [tilespmem:s30+$0x20];
	v6 =	vshrl.u32 v6, $0x3  }
0x30a: {  	v8 =	vld [tilespmem:s30+$0x30];
	v6 =	vshll.u32 v6, v3  }
0x30b: {  	v6 =	vadd.s32 $0x2, v6  }
0x30c: {  	v6 =	vbroadcast v6, $0x0;
	_ =	sdelay $0x1  }
0x30d: {  	v7 =	vmul.f32 v7, v5  }
0x30e: {  	v5 =	vmul.f32 v8, v5  }
0x30f: {  	[tilespmem:s30+$0x20] =	vst v7  }
0x310: {  	s18 =	simm.s32 $0xB;
	[tilespmem:s30+$0x30] =	vst v5  }
0x311: {  	v5 =	vld.idx.msk [tilespmem:v6+s25+$0x0], $0xffff;
	v6 =	vmov s18  }
0x312: {  	v7 =	vld [tilespmem:s30+$0x40];
	v6 =	vshrl.u32 v6, $0x3  }
0x313: {  	v8 =	vld [tilespmem:s30+$0x50];
	v6 =	vshll.u32 v6, v3  }
0x314: {  	v6 =	vadd.s32 $0x3, v6  }
0x315: {  	v6 =	vbroadcast v6, $0x0;
	_ =	sdelay $0x1  }
0x316: {  	v7 =	vmul.f32 v7, v5  }
0x317: {  	v5 =	vmul.f32 v8, v5  }
0x318: {  	[tilespmem:s30+$0x40] =	vst v7  }
0x319: {  	s28 =	simm.s32 $0xC;
	[tilespmem:s30+$0x50] =	vst v5  }
0x31a: {  	v5 =	vld.idx.msk [tilespmem:v6+s25+$0x0], $0xffff;
	v6 =	vmov s28  }
0x31b: {  	v7 =	vld [tilespmem:s30+$0x60];
	v6 =	vshrl.u32 v6, $0x3  }
0x31c: {  	v8 =	vld [tilespmem:s30+$0x70];
	v6 =	vshll.u32 v6, v3  }
0x31d: {  	v6 =	vadd.s32 $0x4, v6  }
0x31e: {  	v6 =	vbroadcast v6, $0x0;
	_ =	sdelay $0x1  }
0x31f: {  	v7 =	vmul.f32 v7, v5  }
0x320: {  	v5 =	vmul.f32 v8, v5  }
0x321: {  	[tilespmem:s30+$0x60] =	vst v7  }
0x322: {  	s16 =	simm.s32 $0xD;
	[tilespmem:s30+$0x70] =	vst v5  }
0x323: {  	v5 =	vld.idx.msk [tilespmem:v6+s25+$0x0], $0xffff;
	v6 =	vmov s16  }
0x324: {  	v7 =	vld [tilespmem:s30+$0x80];
	v6 =	vshrl.u32 v6, $0x3  }
0x325: {  	v8 =	vld [tilespmem:s30+$0x90];
	v6 =	vshll.u32 v6, v3  }
0x326: {  	v6 =	vadd.s32 $0x5, v6  }
0x327: {  	v6 =	vbroadcast v6, $0x0;
	_ =	sdelay $0x1  }
0x328: {  	v7 =	vmul.f32 v7, v5  }
0x329: {  	v5 =	vmul.f32 v8, v5  }
0x32a: {  	[tilespmem:s30+$0x80] =	vst v7  }
0x32b: {  	s18 =	simm.s32 $0xE;
	v8 =	vld [tilespmem:s30+$0xB0];
	[tilespmem:s30+$0x90] =	vst v5  }
0x32c: {  	v5 =	vld.idx.msk [tilespmem:v6+s25+$0x0], $0xffff;
	v6 =	vmov s18  }
0x32d: {  	v7 =	vld [tilespmem:s30+$0xA0];
	v6 =	vshrl.u32 v6, $0x3  }
0x32e: {  	v6 =	vshll.u32 v6, v3  }
0x32f: {  	v6 =	vadd.s32 $0x6, v6  }
0x330: {  	v6 =	vbroadcast v6, $0x0;
	_ =	sdelay $0x1  }
0x331: {  	v7 =	vmul.f32 v7, v5;
	v5 =	vmul.f32 v8, v5;
	_ =	sdelay $0x1  }
0x332: {  	s28 =	simm.s32 $0xF;
	[tilespmem:s30+$0xB0] =	vst v5;
	v5 =	vld [tilespmem:s30+$0xD0]  }
0x333: {  	v8 =	vmov s28;
	[tilespmem:s30+$0xA0] =	vst v7;
	v7 =	vld [tilespmem:s30+$0xC0]  }
0x334: {  	s1 =	simm.s32 $0x1F;
	s18 =	simm.s32 $0x19580;
	v8 =	vshrl.u32 v8, $0x3;
	v6 =	vld.idx.msk [tilespmem:v6+s25+$0x0], $0xffff  }
.LBB2_15:
0x335: {  	v8 =	vshll.u32 v8, v3;
	s31 =	sadd.s32 $0x10, s31;
	s2 =	sadd.s32 $0x10, s2;
	s0 =	sadd.s32 $0x10, s0  }
0x336: {  	p0 =	sne.s32 s1, $0x7F;
	s16 =	smov.u32 s1;
	s1 =	sadd.s32 $0x10, s1;
	v8 =	vadd.s32 $0x7, v8  }
0x337: {  	v8 =	vbroadcast v8, $0x0;
	_ =	sdelay $0x1  }
0x338: {  	v5 =	vmul.f32 v5, v6;
	v7 =	vmul.f32 v7, v6;
	_ =	sdelay $0x1  }
0x339: {  	[tilespmem:s30+$0xC0] =	vst v7  }
0x33a: {  	[tilespmem:s30+$0xD0] =	vst v5;
	v5 =	vld [tilespmem:s30+$0xF0]  }
0x33b: {  	v6 =	vld.idx.msk [tilespmem:v8+s25+$0x0], $0xffff  }
0x33c: {  	v7 =	vld [tilespmem:s30+$0xE0];
	_ =	sdelay $0x4  }
0x33d: {  	v5 =	vmul.f32 v5, v6;
	v7 =	vmul.f32 v7, v6;
	_ =	sdelay $0x1  }
0x33e: {  	[tilespmem:s30+$0xE0] =	vst v7  }
0x33f: {  	[tilespmem:s30+$0xF0] =	vst v5;
	s30 =	smov.u32 s18  }
0x340: {  	v5 =	vld [tilespmem:s31+$0x0];
	_ =	sdelay $0x4  }
0x341: {  	s28 =	sadd.s32 $0xFFFFFFF1, s16;
	v5 =	vmul.f32 v5, v4  }
0x342: {  	v6 =	vmov s28  }
0x343: {  	[tilespmem:s0+$0x0] =	vst v5;
	v5 =	vshrl.u32 v6, $0x3  }
0x344: {  	v6 =	vld [tilespmem:s31+$0xFFFFFF80];
	v5 =	vshll.u32 v5, v3  }
0x345: {  	v5 =	vbroadcast v5, $0x0;
	_ =	sdelay $0x3  }
0x346: {  	[tilespmem:s2+$0x0] =	vst v6  }
0x347: {  	s28 =	sadd.s32 $0xFFFFFFF2, s16;
	v6 =	vld [tilespmem:s18+$0xFFFFFF00]  }
0x348: {  	v7 =	vld.idx.msk [tilespmem:v5+s25+$0x0], $0xffff;
	v5 =	vmov s28  }
0x349: {  	v8 =	vld [tilespmem:s18+$0xFFFFFF10];
	v5 =	vshrl.u32 v5, $0x3  }
0x34a: {  	v9 =	vshll.u32 v5, v3;
	v5 =	vld [tilespmem:s18+$0xFFFFFFF0]  }
0x34b: {  	v9 =	vadd.s32 $0x1, v9  }
0x34c: {  	v9 =	vbroadcast v9, $0x0;
	_ =	sdelay $0x1  }
0x34d: {  	v6 =	vmul.f32 v6, v7;
	v7 =	vmul.f32 v8, v7;
	_ =	sdelay $0x1  }
0x34e: {  	[tilespmem:s18+$0xFFFFFF00] =	vst v6  }
0x34f: {  	s28 =	sadd.s32 $0xFFFFFFF3, s16;
	[tilespmem:s18+$0xFFFFFF10] =	vst v7;
	v6 =	vld [tilespmem:s18+$0xFFFFFF30]  }
0x350: {  	v8 =	vmov s28;
	v7 =	vld.idx.msk [tilespmem:v9+s25+$0x0], $0xffff  }
0x351: {  	v8 =	vshrl.u32 v8, $0x3;
	v9 =	vld [tilespmem:s18+$0xFFFFFF20]  }
0x352: {  	v8 =	vshll.u32 v8, v3  }
0x353: {  	v8 =	vadd.s32 $0x2, v8  }
0x354: {  	v8 =	vbroadcast v8, $0x0;
	_ =	sdelay $0x1  }
0x355: {  	v6 =	vmul.f32 v6, v7;
	v9 =	vmul.f32 v9, v7;
	_ =	sdelay $0x1  }
0x356: {  	[tilespmem:s18+$0xFFFFFF20] =	vst v9  }
0x357: {  	s28 =	sadd.s32 $0xFFFFFFF4, s16;
	[tilespmem:s18+$0xFFFFFF30] =	vst v6;
	v6 =	vld [tilespmem:s18+$0xFFFFFF50]  }
0x358: {  	v7 =	vld.idx.msk [tilespmem:v8+s25+$0x0], $0xffff;
	v8 =	vmov s28  }
0x359: {  	v9 =	vld [tilespmem:s18+$0xFFFFFF40];
	v8 =	vshrl.u32 v8, $0x3  }
0x35a: {  	v8 =	vshll.u32 v8, v3  }
0x35b: {  	v8 =	vadd.s32 $0x3, v8  }
0x35c: {  	v8 =	vbroadcast v8, $0x0;
	_ =	sdelay $0x1  }
0x35d: {  	v6 =	vmul.f32 v6, v7;
	v9 =	vmul.f32 v9, v7;
	_ =	sdelay $0x1  }
0x35e: {  	[tilespmem:s18+$0xFFFFFF40] =	vst v9  }
0x35f: {  	s28 =	sadd.s32 $0xFFFFFFF5, s16;
	[tilespmem:s18+$0xFFFFFF50] =	vst v6;
	v6 =	vld [tilespmem:s18+$0xFFFFFF70]  }
0x360: {  	v7 =	vld.idx.msk [tilespmem:v8+s25+$0x0], $0xffff;
	v8 =	vmov s28  }
0x361: {  	v9 =	vld [tilespmem:s18+$0xFFFFFF60];
	v8 =	vshrl.u32 v8, $0x3  }
0x362: {  	v8 =	vshll.u32 v8, v3  }
0x363: {  	v8 =	vadd.s32 $0x4, v8  }
0x364: {  	v8 =	vbroadcast v8, $0x0;
	_ =	sdelay $0x1  }
0x365: {  	v6 =	vmul.f32 v6, v7;
	v9 =	vmul.f32 v9, v7;
	_ =	sdelay $0x1  }
0x366: {  	[tilespmem:s18+$0xFFFFFF60] =	vst v9  }
0x367: {  	s28 =	sadd.s32 $0xFFFFFFF6, s16;
	[tilespmem:s18+$0xFFFFFF70] =	vst v6;
	v6 =	vld [tilespmem:s18+$0xFFFFFF90]  }
0x368: {  	v7 =	vld.idx.msk [tilespmem:v8+s25+$0x0], $0xffff;
	v8 =	vmov s28  }
0x369: {  	v9 =	vld [tilespmem:s18+$0xFFFFFF80];
	v8 =	vshrl.u32 v8, $0x3  }
0x36a: {  	v8 =	vshll.u32 v8, v3  }
0x36b: {  	v8 =	vadd.s32 $0x5, v8  }
0x36c: {  	v8 =	vbroadcast v8, $0x0;
	_ =	sdelay $0x1  }
0x36d: {  	v6 =	vmul.f32 v6, v7;
	v9 =	vmul.f32 v9, v7;
	_ =	sdelay $0x1  }
0x36e: {  	[tilespmem:s18+$0xFFFFFF80] =	vst v9  }
0x36f: {  	s28 =	sadd.s32 $0xFFFFFFF7, s16;
	[tilespmem:s18+$0xFFFFFF90] =	vst v6;
	v6 =	vld [tilespmem:s18+$0xFFFFFFB0]  }
0x370: {  	v7 =	vld.idx.msk [tilespmem:v8+s25+$0x0], $0xffff;
	v8 =	vmov s28  }
0x371: {  	v9 =	vld [tilespmem:s18+$0xFFFFFFA0];
	v8 =	vshrl.u32 v8, $0x3  }
0x372: {  	v8 =	vshll.u32 v8, v3  }
0x373: {  	v8 =	vadd.s32 $0x6, v8  }
0x374: {  	v8 =	vbroadcast v8, $0x0;
	_ =	sdelay $0x1  }
0x375: {  	v6 =	vmul.f32 v6, v7;
	v9 =	vmul.f32 v9, v7;
	_ =	sdelay $0x1  }
0x376: {  	[tilespmem:s18+$0xFFFFFFA0] =	vst v9  }
0x377: {  	s28 =	sadd.s32 $0xFFFFFFF8, s16;
	[tilespmem:s18+$0xFFFFFFB0] =	vst v6;
	v6 =	vld [tilespmem:s18+$0xFFFFFFD0]  }
0x378: {  	v7 =	vld.idx.msk [tilespmem:v8+s25+$0x0], $0xffff;
	v8 =	vmov s28  }
0x379: {  	v9 =	vld [tilespmem:s18+$0xFFFFFFC0];
	v8 =	vshrl.u32 v8, $0x3  }
0x37a: {  	v8 =	vshll.u32 v8, v3  }
0x37b: {  	v8 =	vadd.s32 $0x7, v8  }
0x37c: {  	v8 =	vbroadcast v8, $0x0;
	_ =	sdelay $0x1  }
0x37d: {  	v6 =	vmul.f32 v6, v7;
	v9 =	vmul.f32 v9, v7;
	_ =	sdelay $0x1  }
0x37e: {  	[tilespmem:s18+$0xFFFFFFC0] =	vst v9  }
0x37f: {  	[tilespmem:s18+$0xFFFFFFD0] =	vst v6  }
0x380: {  	s28 =	sadd.s32 $0xFFFFFFF9, s16;
	v6 =	vld.idx.msk [tilespmem:v8+s25+$0x0], $0xffff  }
0x381: {  	v8 =	vmov s28;
	v7 =	vld [tilespmem:s18+$0xFFFFFFE0]  }
0x382: {  	v8 =	vshrl.u32 v8, $0x3  }
0x383: {  	v8 =	vshll.u32 v8, v3  }
0x384: {  	v8 =	vbroadcast v8, $0x0;
	_ =	sdelay $0x1  }
0x385: {  	v5 =	vmul.f32 v5, v6;
	v7 =	vmul.f32 v7, v6;
	_ =	sdelay $0x1  }
0x386: {  	[tilespmem:s18+$0xFFFFFFE0] =	vst v7  }
0x387: {  	s28 =	sadd.s32 $0xFFFFFFFA, s16;
	[tilespmem:s18+$0xFFFFFFF0] =	vst v5;
	v5 =	vld [tilespmem:s18+$0x10]  }
0x388: {  	v7 =	vmov s28;
	v6 =	vld.idx.msk [tilespmem:v8+s25+$0x0], $0xffff  }
0x389: {  	v7 =	vshrl.u32 v7, $0x3;
	v8 =	vld [tilespmem:s18+$0x0]  }
0x38a: {  	v7 =	vshll.u32 v7, v3  }
0x38b: {  	v7 =	vadd.s32 $0x1, v7  }
0x38c: {  	v7 =	vbroadcast v7, $0x0;
	_ =	sdelay $0x1  }
0x38d: {  	v5 =	vmul.f32 v5, v6;
	v8 =	vmul.f32 v8, v6;
	_ =	sdelay $0x1  }
0x38e: {  	[tilespmem:s18+$0x0] =	vst v8  }
0x38f: {  	s28 =	sadd.s32 $0xFFFFFFFB, s16;
	[tilespmem:s18+$0x10] =	vst v5;
	v5 =	vld [tilespmem:s18+$0x30]  }
0x390: {  	v6 =	vld.idx.msk [tilespmem:v7+s25+$0x0], $0xffff;
	v7 =	vmov s28  }
0x391: {  	v8 =	vld [tilespmem:s18+$0x20];
	v7 =	vshrl.u32 v7, $0x3  }
0x392: {  	v7 =	vshll.u32 v7, v3  }
0x393: {  	v7 =	vadd.s32 $0x2, v7  }
0x394: {  	v7 =	vbroadcast v7, $0x0;
	_ =	sdelay $0x1  }
0x395: {  	v5 =	vmul.f32 v5, v6;
	v8 =	vmul.f32 v8, v6;
	_ =	sdelay $0x1  }
0x396: {  	[tilespmem:s18+$0x20] =	vst v8  }
0x397: {  	s28 =	sadd.s32 $0xFFFFFFFC, s16;
	[tilespmem:s18+$0x30] =	vst v5;
	v5 =	vld [tilespmem:s18+$0x50]  }
0x398: {  	v6 =	vld.idx.msk [tilespmem:v7+s25+$0x0], $0xffff;
	v7 =	vmov s28  }
0x399: {  	v8 =	vld [tilespmem:s18+$0x40];
	v7 =	vshrl.u32 v7, $0x3  }
0x39a: {  	v7 =	vshll.u32 v7, v3  }
0x39b: {  	v7 =	vadd.s32 $0x3, v7  }
0x39c: {  	v7 =	vbroadcast v7, $0x0;
	_ =	sdelay $0x1  }
0x39d: {  	v5 =	vmul.f32 v5, v6;
	v8 =	vmul.f32 v8, v6;
	_ =	sdelay $0x1  }
0x39e: {  	[tilespmem:s18+$0x40] =	vst v8  }
0x39f: {  	s28 =	sadd.s32 $0xFFFFFFFD, s16;
	[tilespmem:s18+$0x50] =	vst v5;
	v5 =	vld [tilespmem:s18+$0x70]  }
0x3a0: {  	v6 =	vld.idx.msk [tilespmem:v7+s25+$0x0], $0xffff;
	v7 =	vmov s28  }
0x3a1: {  	v8 =	vld [tilespmem:s18+$0x60];
	v7 =	vshrl.u32 v7, $0x3  }
0x3a2: {  	v7 =	vshll.u32 v7, v3  }
0x3a3: {  	v7 =	vadd.s32 $0x4, v7  }
0x3a4: {  	v7 =	vbroadcast v7, $0x0;
	_ =	sdelay $0x1  }
0x3a5: {  	v5 =	vmul.f32 v5, v6;
	v8 =	vmul.f32 v8, v6;
	_ =	sdelay $0x1  }
0x3a6: {  	[tilespmem:s18+$0x60] =	vst v8  }
0x3a7: {  	s28 =	sadd.s32 $0xFFFFFFFE, s16;
	[tilespmem:s18+$0x70] =	vst v5;
	v5 =	vld [tilespmem:s18+$0x90]  }
0x3a8: {  	v6 =	vld.idx.msk [tilespmem:v7+s25+$0x0], $0xffff;
	v7 =	vmov s28  }
0x3a9: {  	v8 =	vld [tilespmem:s18+$0x80];
	v7 =	vshrl.u32 v7, $0x3  }
0x3aa: {  	v7 =	vshll.u32 v7, v3  }
0x3ab: {  	v7 =	vadd.s32 $0x5, v7  }
0x3ac: {  	v7 =	vbroadcast v7, $0x0;
	_ =	sdelay $0x1  }
0x3ad: {  	v5 =	vmul.f32 v5, v6;
	v8 =	vmul.f32 v8, v6;
	_ =	sdelay $0x1  }
0x3ae: {  	[tilespmem:s18+$0x80] =	vst v8  }
0x3af: {  	s28 =	sadd.s32 $0xFFFFFFFF, s16;
	[tilespmem:s18+$0x90] =	vst v5;
	v5 =	vld [tilespmem:s18+$0xB0]  }
0x3b0: {  	v6 =	vld.idx.msk [tilespmem:v7+s25+$0x0], $0xffff;
	v7 =	vmov s28  }
0x3b1: {  	v8 =	vld [tilespmem:s18+$0xA0];
	v7 =	vshrl.u32 v7, $0x3  }
0x3b2: {  	v7 =	vshll.u32 v7, v3  }
0x3b3: {  	v7 =	vadd.s32 $0x6, v7  }
0x3b4: {  	v7 =	vbroadcast v7, $0x0;
	_ =	sdelay $0x1  }
0x3b5: {  	v5 =	vmul.f32 v5, v6;
	v8 =	vmul.f32 v8, v6  }
.Ltmp6:
0x3b6: {  	(pc) =	sbr.rel @p0 .LBB2_15-.Ltmp6, $4  }
0x3b7: {  	[tilespmem:s18+$0xA0] =	vst v8  }
0x3b8: {  	[tilespmem:s18+$0xB0] =	vst v5;
	v5 =	vld [tilespmem:s18+$0xD0]  }
0x3b9: {  	v8 =	vmov s16;
	v6 =	vld.idx.msk [tilespmem:v7+s25+$0x0], $0xffff  }
0x3ba: {  	v8 =	vshrl.u32 v8, $0x3;
	s18 =	sadd.s32 $0x200, s18;
	v7 =	vld [tilespmem:s30+$0xC0]  }
0x3bb: {  	v8 =	vshll.u32 v8, v3  }
0x3bc: {  	v8 =	vadd.s32 $0x7, v8  }
0x3bd: {  	v8 =	vbroadcast v8, $0x0;
	_ =	sdelay $0x1  }
0x3be: {  	v5 =	vmul.f32 v5, v6  }
0x3bf: {  	v7 =	vmul.f32 v7, v6  }
0x3c0: {  	[tilespmem:s30+$0xD0] =	vst v5  }
0x3c1: {  	v6 =	vld [tilespmem:s30+$0xE0];
	[tilespmem:s30+$0xC0] =	vst v7  }
0x3c2: {  	v5 =	vld.idx.msk [tilespmem:v8+s25+$0x0], $0xffff  }
0x3c3: {  	v7 =	vld [tilespmem:s30+$0xF0];
	_ =	sdelay $0x3  }
0x3c4: {  	v6 =	vmul.f32 v6, v5  }
0x3c5: {  	s29 =	sadd.s32 $0x1, s29;
	v5 =	vmul.f32 v7, v5  }
0x3c6: {  	p0 =	sne.s32 s29, $0x187;
	[tilespmem:s30+$0xE0] =	vst v6  }
.Ltmp7:
0x3c7: {  	[tilespmem:s30+$0xF0] =	vst v5;
	(pc) =	sbr.rel @p0 .LBB2_14-.Ltmp7, $4  }
0x3c8: {  	[spmem:s3] =	stream.indirect.scatter.add.f32 [tilespmem:s23], [sflag:$0x2], $0x20, s26, s22, $0xb8;
	[tilespmem:$0x1B2C0] =	vst v63  }
0x3c9: {  	_ =	swait.ge [sflag:s19], $0x1000  }
0x3ca: {  	[sflag:s19] =	ssyncset.done $0x0  }
0x3cb: {  	[sflag:s19] =	ssyncadd.s32 $0xFFFFF000  }
0x3cc: {  	[bflag:$0x0] =	sbarrier.arrive $0xFFFF;
	s0 =	simm.s32 $0x0;
	s1 =	simm.s32 $0x0  }
.LBB2_18:
0x3cd: {  	s2 =	sshll.u32 s1, $0x7  }
0x3ce: {  	s16 =	sadd.s32 s10, s2  }
0x3cf: {  	s2 =	sshll.u32 s16, $0x5  }
0x3d0: {  	s2 =	sand.u32 $0x3FFFFFE0, s2  }
0x3d1: {  	s2 =	sadd.s32 s2, s3  }
0x3d2: {  	[tilespmem:s20], [sflag:$0x2] =	stream.linear.gather [spmem:s2], $0x1000, $0x38;
	[tilespmem:$0x1B2C0] =	vst v63  }
0x3d3: {  	s16 =	sadd.s32 s15, s16;
	_ =	swait.ge [sflag:s19], $0x1000  }
0x3d4: {  	s16 =	sshll.u32 s16, $0x2;
	[sflag:s19] =	ssyncset.done $0x0  }
0x3d5: {  	s16 =	sadd.s32 s12, s16;
	[sflag:s19] =	ssyncadd.s32 $0xFFFFF000  }
0x3d6: {  	[hbm4b:s16+s0] =	stream.linear.scatter [tilespmem:s20], [sflag:$0x2], $0x1000, $0x38;
	[tilespmem:$0x1B2C0] =	vst v63  }
0x3d7: {  	_ =	swait.ge [sflag:s19], $0x1000  }
0x3d8: {  	[sflag:s19] =	ssyncset.done $0x0  }
0x3d9: {  	s16 =	simm.s32 $0x0;
	[sflag:s19] =	ssyncadd.s32 $0xFFFFF000  }
0x3da: {  	s18 =	simm.s32 $0x80;
	v4 =	vld [tilespmem:s16+$0x1A280]  }
.LBB2_19:
0x3db: {  	p0 =	sne.s32 s18, $0x3F80;
	v5 =	vld [tilespmem:s16+$0x1A290];
	_ =	sdelay $0x2  }
.Ltmp8:
0x3dc: {  	(pc) =	sbr.rel @p0 .LBB2_19-.Ltmp8, $4  }
0x3dd: {  	v4 =	vmul.f32 $1.500000000e+00, v4  }
0x3de: {  	v5 =	vmul.f32 $1.500000000e+00, v5  }
0x3df: {  	s28 =	sshra.s32 s18, $0x2;
	[tilespmem:s16+$0x1A280] =	vst v4  }
0x3e0: {  	s18 =	sadd.s32 $0x80, s18;
	v4 =	vld [tilespmem:s28+$0x1A280];
	[tilespmem:s16+$0x1A290] =	vst v5;
	s16 =	smov.u32 s28  }
0x3e1: {  	v5 =	vld [tilespmem:s16+$0x1A290];
	_ =	sdelay $0x3  }
0x3e2: {  	v4 =	vmul.f32 $1.500000000e+00, v4  }
0x3e3: {  	s1 =	sadd.s32 $0x1, s1;
	v5 =	vmul.f32 $1.500000000e+00, v5  }
0x3e4: {  	p0 =	sne.s32 s1, $0x19;
	[tilespmem:s16+$0x1A280] =	vst v4  }
.Ltmp9:
0x3e5: {  	[tilespmem:s16+$0x1A290] =	vst v5;
	(pc) =	sbr.rel @p0 .LBB2_18-.Ltmp9, $4  }
0x3e6: {  	[spmem:s2] =	stream.linear.scatter [tilespmem:s20], [sflag:$0x2], $0x1000, $0x38;
	[tilespmem:$0x1B2C0] =	vst v63  }
0x3e7: {  	_ =	swait.ge [sflag:s19], $0x1000  }
0x3e8: {  	[sflag:s19] =	ssyncset.done $0x0  }
0x3e9: {  	[sflag:s19] =	ssyncadd.s32 $0xFFFFF000  }
0x3ea: {  	[bflag:$0x0] =	sbarrier.arrive $0xFFFF  }
0x3eb: {  	s29 =	simm.s32 $0x0;
	v4 =	vld [tilespmem:$0x1B2B0]  }
.LBB2_22:
0x3ec: {  	s0 =	sadd.s32 s13, s29  }
0x3ed: {  	s0 =	smul.u32 $0x30, s0;
	_ =	sdelay $0x1  }
0x3ee: {  	s0 =	sadd.s32 s5, s0  }
0x3ef: {  	[tilespmem:s21], [sflag:$0x2] =	stream.linear.gather [hbm4b:s0+s4], $0x180, $0x38;
	[tilespmem:$0x1B2C0] =	vst v63  }
0x3f0: {  	_ =	swait.ge [sflag:s19], $0x180  }
0x3f1: {  	[sflag:s19] =	ssyncset.done $0x0  }
0x3f2: {  	[sflag:s19] =	ssyncadd.s32 $0xFFFFFE80  }
0x3f3: {  	v5 =	vld [tilespmem:$0x19000]  }
0x3f4: {  	v6 =	vld [tilespmem:$0x19010]  }
0x3f5: {  	v7 =	vld [tilespmem:$0x19020]  }
0x3f6: {  	v8 =	vld [tilespmem:$0x19030]  }
0x3f7: {  	v9 =	vld [tilespmem:$0x19040]  }
0x3f8: {  	v10 =	vld [tilespmem:$0x19050];
	v5 =	vadd.s32 v1, v5  }
0x3f9: {  	[tilespmem:$0x19000] =	vst v5;
	v5 =	vadd.s32 v1, v6;
	v6 =	vld [tilespmem:$0x19060]  }
0x3fa: {  	[tilespmem:$0x19010] =	vst v5;
	v5 =	vadd.s32 v1, v7;
	v7 =	vld [tilespmem:$0x19070]  }
0x3fb: {  	[tilespmem:$0x19020] =	vst v5;
	v5 =	vadd.s32 v1, v8  }
0x3fc: {  	[tilespmem:$0x19030] =	vst v5;
	v5 =	vadd.s32 v1, v9  }
0x3fd: {  	[tilespmem:$0x19040] =	vst v5;
	v5 =	vadd.s32 v1, v10  }
0x3fe: {  	[tilespmem:$0x19050] =	vst v5;
	v5 =	vadd.s32 v1, v6  }
0x3ff: {  	[tilespmem:$0x19060] =	vst v5;
	v5 =	vadd.s32 v1, v7  }
0x400: {  	[tilespmem:$0x19070] =	vst v5  }
0x401: {  	[tilespmem:s23], [sflag:$0x1] =	stream.indirect.gather [hbm4b:s12+s22], $0x20, s21, s22, $0xb8;
	[tilespmem:$0x1B2C0] =	vst v63  }
0x402: {  	_ =	swait.ge [sflag:s24], $0x1000  }
0x403: {  	[sflag:s24] =	ssyncset.done $0x0  }
0x404: {  	s31 =	simm.s32 $0x19100;
	[sflag:s24] =	ssyncadd.s32 $0xFFFFF000  }
0x405: {  	v5 =	vld [tilespmem:s31+$0x0];
	_ =	sdelay $0x4  }
0x406: {  	s1 =	simm.s32 $0x0;
	v5 =	vmul.f32 v5, v4  }
0x407: {  	s0 =	simm.s32 $0x19200;
	v6 =	vmov s1  }
0x408: {  	[tilespmem:s0+$0x0] =	vst v5;
	v5 =	vshrl.u32 v6, $0x3  }
0x409: {  	v6 =	vld [tilespmem:s31+$0xFFFFFF80];
	v5 =	vshll.u32 v5, v3  }
0x40a: {  	v5 =	vbroadcast v5, $0x0;
	_ =	sdelay $0x2  }
0x40b: {  	s2 =	simm.s32 $0x19180  }
0x40c: {  	s30 =	simm.s32 $0x19380;
	s16 =	simm.s32 $0x1;
	[tilespmem:s2+$0x0] =	vst v6  }
0x40d: {  	v7 =	vmov s16;
	v6 =	vld [tilespmem:s30+$0xFFFFFF00]  }
0x40e: {  	v7 =	vshrl.u32 v7, $0x3;
	v5 =	vld.idx.msk [tilespmem:v5+s25+$0x0], $0xffff  }
0x40f: {  	v7 =	vshll.u32 v7, v3;
	v8 =	vld [tilespmem:s30+$0xFFFFFF10]  }
0x410: {  	v7 =	vadd.s32 $0x1, v7  }
0x411: {  	v7 =	vbroadcast v7, $0x0;
	_ =	sdelay $0x1  }
0x412: {  	v6 =	vmul.f32 v6, v5  }
0x413: {  	v5 =	vmul.f32 v8, v5  }
0x414: {  	[tilespmem:s30+$0xFFFFFF00] =	vst v6  }
0x415: {  	s18 =	simm.s32 $0x2;
	[tilespmem:s30+$0xFFFFFF10] =	vst v5  }
0x416: {  	v6 =	vmov s18;
	v5 =	vld.idx.msk [tilespmem:v7+s25+$0x0], $0xffff  }
0x417: {  	v7 =	vld [tilespmem:s30+$0xFFFFFF20];
	v6 =	vshrl.u32 v6, $0x3  }
0x418: {  	v8 =	vld [tilespmem:s30+$0xFFFFFF30];
	v6 =	vshll.u32 v6, v3  }
0x419: {  	v6 =	vadd.s32 $0x2, v6  }
0x41a: {  	v6 =	vbroadcast v6, $0x0;
	_ =	sdelay $0x1  }
0x41b: {  	v7 =	vmul.f32 v7, v5  }
0x41c: {  	v5 =	vmul.f32 v8, v5  }
0x41d: {  	[tilespmem:s30+$0xFFFFFF20] =	vst v7  }
0x41e: {  	s28 =	simm.s32 $0x3;
	[tilespmem:s30+$0xFFFFFF30] =	vst v5  }
0x41f: {  	v5 =	vld.idx.msk [tilespmem:v6+s25+$0x0], $0xffff;
	v6 =	vmov s28  }
0x420: {  	v7 =	vld [tilespmem:s30+$0xFFFFFF40];
	v6 =	vshrl.u32 v6, $0x3  }
0x421: {  	v8 =	vld [tilespmem:s30+$0xFFFFFF50];
	v6 =	vshll.u32 v6, v3  }
0x422: {  	v6 =	vadd.s32 $0x3, v6  }
0x423: {  	v6 =	vbroadcast v6, $0x0;
	_ =	sdelay $0x1  }
0x424: {  	v7 =	vmul.f32 v7, v5  }
0x425: {  	v5 =	vmul.f32 v8, v5  }
0x426: {  	[tilespmem:s30+$0xFFFFFF40] =	vst v7  }
0x427: {  	s16 =	simm.s32 $0x4;
	[tilespmem:s30+$0xFFFFFF50] =	vst v5  }
0x428: {  	v5 =	vld.idx.msk [tilespmem:v6+s25+$0x0], $0xffff;
	v6 =	vmov s16  }
0x429: {  	v7 =	vld [tilespmem:s30+$0xFFFFFF60];
	v6 =	vshrl.u32 v6, $0x3  }
0x42a: {  	v8 =	vld [tilespmem:s30+$0xFFFFFF70];
	v6 =	vshll.u32 v6, v3  }
0x42b: {  	v6 =	vadd.s32 $0x4, v6  }
0x42c: {  	v6 =	vbroadcast v6, $0x0;
	_ =	sdelay $0x1  }
0x42d: {  	v7 =	vmul.f32 v7, v5  }
0x42e: {  	v5 =	vmul.f32 v8, v5  }
0x42f: {  	[tilespmem:s30+$0xFFFFFF60] =	vst v7  }
0x430: {  	s18 =	simm.s32 $0x5;
	[tilespmem:s30+$0xFFFFFF70] =	vst v5  }
0x431: {  	v5 =	vld.idx.msk [tilespmem:v6+s25+$0x0], $0xffff;
	v6 =	vmov s18  }
0x432: {  	v7 =	vld [tilespmem:s30+$0xFFFFFF80];
	v6 =	vshrl.u32 v6, $0x3  }
0x433: {  	v8 =	vld [tilespmem:s30+$0xFFFFFF90];
	v6 =	vshll.u32 v6, v3  }
0x434: {  	v6 =	vadd.s32 $0x5, v6  }
0x435: {  	v6 =	vbroadcast v6, $0x0;
	_ =	sdelay $0x1  }
0x436: {  	v7 =	vmul.f32 v7, v5  }
0x437: {  	v5 =	vmul.f32 v8, v5  }
0x438: {  	[tilespmem:s30+$0xFFFFFF80] =	vst v7  }
0x439: {  	s28 =	simm.s32 $0x6;
	[tilespmem:s30+$0xFFFFFF90] =	vst v5  }
0x43a: {  	v5 =	vld.idx.msk [tilespmem:v6+s25+$0x0], $0xffff;
	v6 =	vmov s28  }
0x43b: {  	v7 =	vld [tilespmem:s30+$0xFFFFFFA0];
	v6 =	vshrl.u32 v6, $0x3  }
0x43c: {  	v8 =	vld [tilespmem:s30+$0xFFFFFFB0];
	v6 =	vshll.u32 v6, v3  }
0x43d: {  	v6 =	vadd.s32 $0x6, v6  }
0x43e: {  	v6 =	vbroadcast v6, $0x0;
	_ =	sdelay $0x1  }
0x43f: {  	v7 =	vmul.f32 v7, v5  }
0x440: {  	v5 =	vmul.f32 v8, v5  }
0x441: {  	[tilespmem:s30+$0xFFFFFFA0] =	vst v7  }
0x442: {  	s16 =	simm.s32 $0x7;
	[tilespmem:s30+$0xFFFFFFB0] =	vst v5  }
0x443: {  	v5 =	vld.idx.msk [tilespmem:v6+s25+$0x0], $0xffff;
	v6 =	vmov s16  }
0x444: {  	v7 =	vld [tilespmem:s30+$0xFFFFFFC0];
	v6 =	vshrl.u32 v6, $0x3  }
0x445: {  	v8 =	vld [tilespmem:s30+$0xFFFFFFD0];
	v6 =	vshll.u32 v6, v3  }
0x446: {  	v6 =	vadd.s32 $0x7, v6  }
0x447: {  	v6 =	vbroadcast v6, $0x0;
	_ =	sdelay $0x1  }
0x448: {  	v7 =	vmul.f32 v7, v5  }
0x449: {  	v5 =	vmul.f32 v8, v5  }
0x44a: {  	[tilespmem:s30+$0xFFFFFFC0] =	vst v7  }
0x44b: {  	[tilespmem:s30+$0xFFFFFFD0] =	vst v5  }
0x44c: {  	s18 =	simm.s32 $0x8;
	v5 =	vld.idx.msk [tilespmem:v6+s25+$0x0], $0xffff  }
0x44d: {  	v7 =	vmov s18;
	v6 =	vld [tilespmem:s30+$0xFFFFFFE0]  }
0x44e: {  	v9 =	vld [tilespmem:s30+$0xFFFFFFF0];
	v7 =	vshrl.u32 v7, $0x3  }
0x44f: {  	v7 =	vshll.u32 v7, v3  }
0x450: {  	v7 =	vbroadcast v7, $0x0;
	_ =	sdelay $0x1  }
0x451: {  	v6 =	vmul.f32 v6, v5  }
0x452: {  	v5 =	vmul.f32 v9, v5  }
0x453: {  	[tilespmem:s30+$0xFFFFFFE0] =	vst v6  }
0x454: {  	s28 =	simm.s32 $0x9;
	[tilespmem:s30+$0xFFFFFFF0] =	vst v5  }
0x455: {  	v6 =	vmov s28;
	v5 =	vld.idx.msk [tilespmem:v7+s25+$0x0], $0xffff  }
0x456: {  	v7 =	vld [tilespmem:s30+$0x0];
	v6 =	vshrl.u32 v6, $0x3  }
0x457: {  	v8 =	vld [tilespmem:s30+$0x10];
	v6 =	vshll.u32 v6, v3  }
0x458: {  	v6 =	vadd.s32 $0x1, v6  }
0x459: {  	v6 =	vbroadcast v6, $0x0;
	_ =	sdelay $0x1  }
0x45a: {  	v7 =	vmul.f32 v7, v5  }
0x45b: {  	v5 =	vmul.f32 v8, v5  }
0x45c: {  	[tilespmem:s30+$0x0] =	vst v7  }
0x45d: {  	s16 =	simm.s32 $0xA;
	[tilespmem:s30+$0x10] =	vst v5  }
0x45e: {  	v5 =	vld.idx.msk [tilespmem:v6+s25+$0x0], $0xffff;
	v6 =	vmov s16  }
0x45f: {  	v7 =	vld [tilespmem:s30+$0x20];
	v6 =	vshrl.u32 v6, $0x3  }
0x460: {  	v8 =	vld [tilespmem:s30+$0x30];
	v6 =	vshll.u32 v6, v3  }
0x461: {  	v6 =	vadd.s32 $0x2, v6  }
0x462: {  	v6 =	vbroadcast v6, $0x0;
	_ =	sdelay $0x1  }
0x463: {  	v7 =	vmul.f32 v7, v5  }
0x464: {  	v5 =	vmul.f32 v8, v5  }
0x465: {  	[tilespmem:s30+$0x20] =	vst v7  }
0x466: {  	s18 =	simm.s32 $0xB;
	[tilespmem:s30+$0x30] =	vst v5  }
0x467: {  	v5 =	vld.idx.msk [tilespmem:v6+s25+$0x0], $0xffff;
	v6 =	vmov s18  }
0x468: {  	v7 =	vld [tilespmem:s30+$0x40];
	v6 =	vshrl.u32 v6, $0x3  }
0x469: {  	v8 =	vld [tilespmem:s30+$0x50];
	v6 =	vshll.u32 v6, v3  }
0x46a: {  	v6 =	vadd.s32 $0x3, v6  }
0x46b: {  	v6 =	vbroadcast v6, $0x0;
	_ =	sdelay $0x1  }
0x46c: {  	v7 =	vmul.f32 v7, v5  }
0x46d: {  	v5 =	vmul.f32 v8, v5  }
0x46e: {  	[tilespmem:s30+$0x40] =	vst v7  }
0x46f: {  	s28 =	simm.s32 $0xC;
	[tilespmem:s30+$0x50] =	vst v5  }
0x470: {  	v5 =	vld.idx.msk [tilespmem:v6+s25+$0x0], $0xffff;
	v6 =	vmov s28  }
0x471: {  	v7 =	vld [tilespmem:s30+$0x60];
	v6 =	vshrl.u32 v6, $0x3  }
0x472: {  	v8 =	vld [tilespmem:s30+$0x70];
	v6 =	vshll.u32 v6, v3  }
0x473: {  	v6 =	vadd.s32 $0x4, v6  }
0x474: {  	v6 =	vbroadcast v6, $0x0;
	_ =	sdelay $0x1  }
0x475: {  	v7 =	vmul.f32 v7, v5  }
0x476: {  	v5 =	vmul.f32 v8, v5  }
0x477: {  	[tilespmem:s30+$0x60] =	vst v7  }
0x478: {  	s16 =	simm.s32 $0xD;
	[tilespmem:s30+$0x70] =	vst v5  }
0x479: {  	v5 =	vld.idx.msk [tilespmem:v6+s25+$0x0], $0xffff;
	v6 =	vmov s16  }
0x47a: {  	v7 =	vld [tilespmem:s30+$0x80];
	v6 =	vshrl.u32 v6, $0x3  }
0x47b: {  	v8 =	vld [tilespmem:s30+$0x90];
	v6 =	vshll.u32 v6, v3  }
0x47c: {  	v6 =	vadd.s32 $0x5, v6  }
0x47d: {  	v6 =	vbroadcast v6, $0x0;
	_ =	sdelay $0x1  }
0x47e: {  	v7 =	vmul.f32 v7, v5  }
0x47f: {  	v5 =	vmul.f32 v8, v5  }
0x480: {  	[tilespmem:s30+$0x80] =	vst v7  }
0x481: {  	s18 =	simm.s32 $0xE;
	v8 =	vld [tilespmem:s30+$0xB0];
	[tilespmem:s30+$0x90] =	vst v5  }
0x482: {  	v5 =	vld.idx.msk [tilespmem:v6+s25+$0x0], $0xffff;
	v6 =	vmov s18  }
0x483: {  	v7 =	vld [tilespmem:s30+$0xA0];
	v6 =	vshrl.u32 v6, $0x3  }
0x484: {  	v6 =	vshll.u32 v6, v3  }
0x485: {  	v6 =	vadd.s32 $0x6, v6  }
0x486: {  	v6 =	vbroadcast v6, $0x0;
	_ =	sdelay $0x1  }
0x487: {  	v7 =	vmul.f32 v7, v5;
	v5 =	vmul.f32 v8, v5;
	_ =	sdelay $0x1  }
0x488: {  	s28 =	simm.s32 $0xF;
	[tilespmem:s30+$0xB0] =	vst v5;
	v5 =	vld [tilespmem:s30+$0xD0]  }
0x489: {  	v8 =	vmov s28;
	[tilespmem:s30+$0xA0] =	vst v7;
	v7 =	vld [tilespmem:s30+$0xC0]  }
0x48a: {  	s1 =	simm.s32 $0x1F;
	s18 =	simm.s32 $0x19580;
	v8 =	vshrl.u32 v8, $0x3;
	v6 =	vld.idx.msk [tilespmem:v6+s25+$0x0], $0xffff  }
.LBB2_23:
0x48b: {  	v8 =	vshll.u32 v8, v3;
	s31 =	sadd.s32 $0x10, s31;
	s2 =	sadd.s32 $0x10, s2;
	s0 =	sadd.s32 $0x10, s0  }
0x48c: {  	p0 =	sne.s32 s1, $0x7F;
	s16 =	smov.u32 s1;
	s1 =	sadd.s32 $0x10, s1;
	v8 =	vadd.s32 $0x7, v8  }
0x48d: {  	v8 =	vbroadcast v8, $0x0;
	_ =	sdelay $0x1  }
0x48e: {  	v5 =	vmul.f32 v5, v6;
	v7 =	vmul.f32 v7, v6;
	_ =	sdelay $0x1  }
0x48f: {  	[tilespmem:s30+$0xC0] =	vst v7  }
0x490: {  	[tilespmem:s30+$0xD0] =	vst v5;
	v5 =	vld [tilespmem:s30+$0xF0]  }
0x491: {  	v6 =	vld.idx.msk [tilespmem:v8+s25+$0x0], $0xffff  }
0x492: {  	v7 =	vld [tilespmem:s30+$0xE0];
	_ =	sdelay $0x4  }
0x493: {  	v5 =	vmul.f32 v5, v6;
	v7 =	vmul.f32 v7, v6;
	_ =	sdelay $0x1  }
0x494: {  	[tilespmem:s30+$0xE0] =	vst v7  }
0x495: {  	[tilespmem:s30+$0xF0] =	vst v5;
	s30 =	smov.u32 s18  }
0x496: {  	v5 =	vld [tilespmem:s31+$0x0];
	_ =	sdelay $0x4  }
0x497: {  	s28 =	sadd.s32 $0xFFFFFFF1, s16;
	v5 =	vmul.f32 v5, v4  }
0x498: {  	v6 =	vmov s28  }
0x499: {  	[tilespmem:s0+$0x0] =	vst v5;
	v5 =	vshrl.u32 v6, $0x3  }
0x49a: {  	v6 =	vld [tilespmem:s31+$0xFFFFFF80];
	v5 =	vshll.u32 v5, v3  }
0x49b: {  	v5 =	vbroadcast v5, $0x0;
	_ =	sdelay $0x3  }
0x49c: {  	[tilespmem:s2+$0x0] =	vst v6  }
0x49d: {  	s28 =	sadd.s32 $0xFFFFFFF2, s16;
	v6 =	vld [tilespmem:s18+$0xFFFFFF00]  }
0x49e: {  	v7 =	vld.idx.msk [tilespmem:v5+s25+$0x0], $0xffff;
	v5 =	vmov s28  }
0x49f: {  	v8 =	vld [tilespmem:s18+$0xFFFFFF10];
	v5 =	vshrl.u32 v5, $0x3  }
0x4a0: {  	v9 =	vshll.u32 v5, v3;
	v5 =	vld [tilespmem:s18+$0xFFFFFFF0]  }
0x4a1: {  	v9 =	vadd.s32 $0x1, v9  }
0x4a2: {  	v9 =	vbroadcast v9, $0x0;
	_ =	sdelay $0x1  }
0x4a3: {  	v6 =	vmul.f32 v6, v7;
	v7 =	vmul.f32 v8, v7;
	_ =	sdelay $0x1  }
0x4a4: {  	[tilespmem:s18+$0xFFFFFF00] =	vst v6  }
0x4a5: {  	s28 =	sadd.s32 $0xFFFFFFF3, s16;
	[tilespmem:s18+$0xFFFFFF10] =	vst v7;
	v6 =	vld [tilespmem:s18+$0xFFFFFF30]  }
0x4a6: {  	v8 =	vmov s28;
	v7 =	vld.idx.msk [tilespmem:v9+s25+$0x0], $0xffff  }
0x4a7: {  	v8 =	vshrl.u32 v8, $0x3;
	v9 =	vld [tilespmem:s18+$0xFFFFFF20]  }
0x4a8: {  	v8 =	vshll.u32 v8, v3  }
0x4a9: {  	v8 =	vadd.s32 $0x2, v8  }
0x4aa: {  	v8 =	vbroadcast v8, $0x0;
	_ =	sdelay $0x1  }
0x4ab: {  	v6 =	vmul.f32 v6, v7;
	v9 =	vmul.f32 v9, v7;
	_ =	sdelay $0x1  }
0x4ac: {  	[tilespmem:s18+$0xFFFFFF20] =	vst v9  }
0x4ad: {  	s28 =	sadd.s32 $0xFFFFFFF4, s16;
	[tilespmem:s18+$0xFFFFFF30] =	vst v6;
	v6 =	vld [tilespmem:s18+$0xFFFFFF50]  }
0x4ae: {  	v7 =	vld.idx.msk [tilespmem:v8+s25+$0x0], $0xffff;
	v8 =	vmov s28  }
0x4af: {  	v9 =	vld [tilespmem:s18+$0xFFFFFF40];
	v8 =	vshrl.u32 v8, $0x3  }
0x4b0: {  	v8 =	vshll.u32 v8, v3  }
0x4b1: {  	v8 =	vadd.s32 $0x3, v8  }
0x4b2: {  	v8 =	vbroadcast v8, $0x0;
	_ =	sdelay $0x1  }
0x4b3: {  	v6 =	vmul.f32 v6, v7;
	v9 =	vmul.f32 v9, v7;
	_ =	sdelay $0x1  }
0x4b4: {  	[tilespmem:s18+$0xFFFFFF40] =	vst v9  }
0x4b5: {  	s28 =	sadd.s32 $0xFFFFFFF5, s16;
	[tilespmem:s18+$0xFFFFFF50] =	vst v6;
	v6 =	vld [tilespmem:s18+$0xFFFFFF70]  }
0x4b6: {  	v7 =	vld.idx.msk [tilespmem:v8+s25+$0x0], $0xffff;
	v8 =	vmov s28  }
0x4b7: {  	v9 =	vld [tilespmem:s18+$0xFFFFFF60];
	v8 =	vshrl.u32 v8, $0x3  }
0x4b8: {  	v8 =	vshll.u32 v8, v3  }
0x4b9: {  	v8 =	vadd.s32 $0x4, v8  }
0x4ba: {  	v8 =	vbroadcast v8, $0x0;
	_ =	sdelay $0x1  }
0x4bb: {  	v6 =	vmul.f32 v6, v7;
	v9 =	vmul.f32 v9, v7;
	_ =	sdelay $0x1  }
0x4bc: {  	[tilespmem:s18+$0xFFFFFF60] =	vst v9  }
0x4bd: {  	s28 =	sadd.s32 $0xFFFFFFF6, s16;
	[tilespmem:s18+$0xFFFFFF70] =	vst v6;
	v6 =	vld [tilespmem:s18+$0xFFFFFF90]  }
0x4be: {  	v7 =	vld.idx.msk [tilespmem:v8+s25+$0x0], $0xffff;
	v8 =	vmov s28  }
0x4bf: {  	v9 =	vld [tilespmem:s18+$0xFFFFFF80];
	v8 =	vshrl.u32 v8, $0x3  }
0x4c0: {  	v8 =	vshll.u32 v8, v3  }
0x4c1: {  	v8 =	vadd.s32 $0x5, v8  }
0x4c2: {  	v8 =	vbroadcast v8, $0x0;
	_ =	sdelay $0x1  }
0x4c3: {  	v6 =	vmul.f32 v6, v7;
	v9 =	vmul.f32 v9, v7;
	_ =	sdelay $0x1  }
0x4c4: {  	[tilespmem:s18+$0xFFFFFF80] =	vst v9  }
0x4c5: {  	s28 =	sadd.s32 $0xFFFFFFF7, s16;
	[tilespmem:s18+$0xFFFFFF90] =	vst v6;
	v6 =	vld [tilespmem:s18+$0xFFFFFFB0]  }
0x4c6: {  	v7 =	vld.idx.msk [tilespmem:v8+s25+$0x0], $0xffff;
	v8 =	vmov s28  }
0x4c7: {  	v9 =	vld [tilespmem:s18+$0xFFFFFFA0];
	v8 =	vshrl.u32 v8, $0x3  }
0x4c8: {  	v8 =	vshll.u32 v8, v3  }
0x4c9: {  	v8 =	vadd.s32 $0x6, v8  }
0x4ca: {  	v8 =	vbroadcast v8, $0x0;
	_ =	sdelay $0x1  }
0x4cb: {  	v6 =	vmul.f32 v6, v7;
	v9 =	vmul.f32 v9, v7;
	_ =	sdelay $0x1  }
0x4cc: {  	[tilespmem:s18+$0xFFFFFFA0] =	vst v9  }
0x4cd: {  	s28 =	sadd.s32 $0xFFFFFFF8, s16;
	[tilespmem:s18+$0xFFFFFFB0] =	vst v6;
	v6 =	vld [tilespmem:s18+$0xFFFFFFD0]  }
0x4ce: {  	v7 =	vld.idx.msk [tilespmem:v8+s25+$0x0], $0xffff;
	v8 =	vmov s28  }
0x4cf: {  	v9 =	vld [tilespmem:s18+$0xFFFFFFC0];
	v8 =	vshrl.u32 v8, $0x3  }
0x4d0: {  	v8 =	vshll.u32 v8, v3  }
0x4d1: {  	v8 =	vadd.s32 $0x7, v8  }
0x4d2: {  	v8 =	vbroadcast v8, $0x0;
	_ =	sdelay $0x1  }
0x4d3: {  	v6 =	vmul.f32 v6, v7;
	v9 =	vmul.f32 v9, v7;
	_ =	sdelay $0x1  }
0x4d4: {  	[tilespmem:s18+$0xFFFFFFC0] =	vst v9  }
0x4d5: {  	[tilespmem:s18+$0xFFFFFFD0] =	vst v6  }
0x4d6: {  	s28 =	sadd.s32 $0xFFFFFFF9, s16;
	v6 =	vld.idx.msk [tilespmem:v8+s25+$0x0], $0xffff  }
0x4d7: {  	v8 =	vmov s28;
	v7 =	vld [tilespmem:s18+$0xFFFFFFE0]  }
0x4d8: {  	v8 =	vshrl.u32 v8, $0x3  }
0x4d9: {  	v8 =	vshll.u32 v8, v3  }
0x4da: {  	v8 =	vbroadcast v8, $0x0;
	_ =	sdelay $0x1  }
0x4db: {  	v5 =	vmul.f32 v5, v6;
	v7 =	vmul.f32 v7, v6;
	_ =	sdelay $0x1  }
0x4dc: {  	[tilespmem:s18+$0xFFFFFFE0] =	vst v7  }
0x4dd: {  	s28 =	sadd.s32 $0xFFFFFFFA, s16;
	[tilespmem:s18+$0xFFFFFFF0] =	vst v5;
	v5 =	vld [tilespmem:s18+$0x10]  }
0x4de: {  	v7 =	vmov s28;
	v6 =	vld.idx.msk [tilespmem:v8+s25+$0x0], $0xffff  }
0x4df: {  	v7 =	vshrl.u32 v7, $0x3;
	v8 =	vld [tilespmem:s18+$0x0]  }
0x4e0: {  	v7 =	vshll.u32 v7, v3  }
0x4e1: {  	v7 =	vadd.s32 $0x1, v7  }
0x4e2: {  	v7 =	vbroadcast v7, $0x0;
	_ =	sdelay $0x1  }
0x4e3: {  	v5 =	vmul.f32 v5, v6;
	v8 =	vmul.f32 v8, v6;
	_ =	sdelay $0x1  }
0x4e4: {  	[tilespmem:s18+$0x0] =	vst v8  }
0x4e5: {  	s28 =	sadd.s32 $0xFFFFFFFB, s16;
	[tilespmem:s18+$0x10] =	vst v5;
	v5 =	vld [tilespmem:s18+$0x30]  }
0x4e6: {  	v6 =	vld.idx.msk [tilespmem:v7+s25+$0x0], $0xffff;
	v7 =	vmov s28  }
0x4e7: {  	v8 =	vld [tilespmem:s18+$0x20];
	v7 =	vshrl.u32 v7, $0x3  }
0x4e8: {  	v7 =	vshll.u32 v7, v3  }
0x4e9: {  	v7 =	vadd.s32 $0x2, v7  }
0x4ea: {  	v7 =	vbroadcast v7, $0x0;
	_ =	sdelay $0x1  }
0x4eb: {  	v5 =	vmul.f32 v5, v6;
	v8 =	vmul.f32 v8, v6;
	_ =	sdelay $0x1  }
0x4ec: {  	[tilespmem:s18+$0x20] =	vst v8  }
0x4ed: {  	s28 =	sadd.s32 $0xFFFFFFFC, s16;
	[tilespmem:s18+$0x30] =	vst v5;
	v5 =	vld [tilespmem:s18+$0x50]  }
0x4ee: {  	v6 =	vld.idx.msk [tilespmem:v7+s25+$0x0], $0xffff;
	v7 =	vmov s28  }
0x4ef: {  	v8 =	vld [tilespmem:s18+$0x40];
	v7 =	vshrl.u32 v7, $0x3  }
0x4f0: {  	v7 =	vshll.u32 v7, v3  }
0x4f1: {  	v7 =	vadd.s32 $0x3, v7  }
0x4f2: {  	v7 =	vbroadcast v7, $0x0;
	_ =	sdelay $0x1  }
0x4f3: {  	v5 =	vmul.f32 v5, v6;
	v8 =	vmul.f32 v8, v6;
	_ =	sdelay $0x1  }
0x4f4: {  	[tilespmem:s18+$0x40] =	vst v8  }
0x4f5: {  	s28 =	sadd.s32 $0xFFFFFFFD, s16;
	[tilespmem:s18+$0x50] =	vst v5;
	v5 =	vld [tilespmem:s18+$0x70]  }
0x4f6: {  	v6 =	vld.idx.msk [tilespmem:v7+s25+$0x0], $0xffff;
	v7 =	vmov s28  }
0x4f7: {  	v8 =	vld [tilespmem:s18+$0x60];
	v7 =	vshrl.u32 v7, $0x3  }
0x4f8: {  	v7 =	vshll.u32 v7, v3  }
0x4f9: {  	v7 =	vadd.s32 $0x4, v7  }
0x4fa: {  	v7 =	vbroadcast v7, $0x0;
	_ =	sdelay $0x1  }
0x4fb: {  	v5 =	vmul.f32 v5, v6;
	v8 =	vmul.f32 v8, v6;
	_ =	sdelay $0x1  }
0x4fc: {  	[tilespmem:s18+$0x60] =	vst v8  }
0x4fd: {  	s28 =	sadd.s32 $0xFFFFFFFE, s16;
	[tilespmem:s18+$0x70] =	vst v5;
	v5 =	vld [tilespmem:s18+$0x90]  }
0x4fe: {  	v6 =	vld.idx.msk [tilespmem:v7+s25+$0x0], $0xffff;
	v7 =	vmov s28  }
0x4ff: {  	v8 =	vld [tilespmem:s18+$0x80];
	v7 =	vshrl.u32 v7, $0x3  }
0x500: {  	v7 =	vshll.u32 v7, v3  }
0x501: {  	v7 =	vadd.s32 $0x5, v7  }
0x502: {  	v7 =	vbroadcast v7, $0x0;
	_ =	sdelay $0x1  }
0x503: {  	v5 =	vmul.f32 v5, v6;
	v8 =	vmul.f32 v8, v6;
	_ =	sdelay $0x1  }
0x504: {  	[tilespmem:s18+$0x80] =	vst v8  }
0x505: {  	s28 =	sadd.s32 $0xFFFFFFFF, s16;
	[tilespmem:s18+$0x90] =	vst v5;
	v5 =	vld [tilespmem:s18+$0xB0]  }
0x506: {  	v6 =	vld.idx.msk [tilespmem:v7+s25+$0x0], $0xffff;
	v7 =	vmov s28  }
0x507: {  	v8 =	vld [tilespmem:s18+$0xA0];
	v7 =	vshrl.u32 v7, $0x3  }
0x508: {  	v7 =	vshll.u32 v7, v3  }
0x509: {  	v7 =	vadd.s32 $0x6, v7  }
0x50a: {  	v7 =	vbroadcast v7, $0x0;
	_ =	sdelay $0x1  }
0x50b: {  	v5 =	vmul.f32 v5, v6;
	v8 =	vmul.f32 v8, v6  }
.Ltmp10:
0x50c: {  	(pc) =	sbr.rel @p0 .LBB2_23-.Ltmp10, $4  }
0x50d: {  	[tilespmem:s18+$0xA0] =	vst v8  }
0x50e: {  	[tilespmem:s18+$0xB0] =	vst v5;
	v5 =	vld [tilespmem:s18+$0xD0]  }
0x50f: {  	v8 =	vmov s16;
	v6 =	vld.idx.msk [tilespmem:v7+s25+$0x0], $0xffff  }
0x510: {  	v8 =	vshrl.u32 v8, $0x3;
	s18 =	sadd.s32 $0x200, s18;
	v7 =	vld [tilespmem:s30+$0xC0]  }
0x511: {  	v8 =	vshll.u32 v8, v3  }
0x512: {  	v8 =	vadd.s32 $0x7, v8  }
0x513: {  	v8 =	vbroadcast v8, $0x0;
	_ =	sdelay $0x1  }
0x514: {  	v5 =	vmul.f32 v5, v6  }
0x515: {  	v7 =	vmul.f32 v7, v6  }
0x516: {  	[tilespmem:s30+$0xD0] =	vst v5  }
0x517: {  	v6 =	vld [tilespmem:s30+$0xE0];
	[tilespmem:s30+$0xC0] =	vst v7  }
0x518: {  	v5 =	vld.idx.msk [tilespmem:v8+s25+$0x0], $0xffff  }
0x519: {  	v7 =	vld [tilespmem:s30+$0xF0];
	_ =	sdelay $0x3  }
0x51a: {  	v6 =	vmul.f32 v6, v5  }
0x51b: {  	s29 =	sadd.s32 $0x1, s29;
	v5 =	vmul.f32 v7, v5  }
0x51c: {  	p0 =	sne.s32 s29, $0x187;
	[tilespmem:s30+$0xE0] =	vst v6  }
.Ltmp11:
0x51d: {  	[tilespmem:s30+$0xF0] =	vst v5;
	(pc) =	sbr.rel @p0 .LBB2_22-.Ltmp11, $4  }
0x51e: {  	[spmem:s3] =	stream.indirect.scatter.add.f32 [tilespmem:s23], [sflag:$0x2], $0x20, s26, s22, $0xb8;
	[tilespmem:$0x1B2C0] =	vst v63  }
0x51f: {  	_ =	swait.ge [sflag:s19], $0x1000  }
0x520: {  	[sflag:s19] =	ssyncset.done $0x0  }
0x521: {  	[sflag:s19] =	ssyncadd.s32 $0xFFFFF000  }
0x522: {  	[bflag:$0x0] =	sbarrier.arrive $0xFFFF  }
0x523: {  	[tilespmem:s20], [sflag:$0x2] =	stream.linear.gather [spmem:s14], $0x1000, $0x38;
	[tilespmem:$0x1B2C0] =	vst v63  }
0x524: {  	_ =	swait.ge [sflag:s19], $0x1000  }
0x525: {  	[sflag:s19] =	ssyncset.done $0x0  }
0x526: {  	s0 =	sadd.s32 $0x0, s17;
	[sflag:s19] =	ssyncadd.s32 $0xFFFFF000  }
0x527: {  	[hbm4b:s0+s4] =	stream.linear.scatter [tilespmem:s20], [sflag:$0x2], $0x1000, $0x38;
	[tilespmem:$0x1B2C0] =	vst v63  }
0x528: {  	_ =	swait.ge [sflag:s19], $0x1000  }
0x529: {  	s1 =	smov.u32 s14;
	s0 =	simm.s32 $0x200;
	[sflag:s19] =	ssyncset.done $0x0  }
.LBB2_26:
0x52a: {  	p0 =	sne.s32 s0, $0x3000;
	[sflag:s19] =	ssyncadd.s32 $0xFFFFF000;
	s1 =	sadd.s32 $0x1000, s1  }
0x52b: {  	[tilespmem:s20], [sflag:$0x2] =	stream.linear.gather [spmem:s1], $0x1000, $0x38;
	[tilespmem:$0x1B2C0] =	vst v63  }
0x52c: {  	s2 =	smov.u32 s0;
	s0 =	sadd.s32 $0x200, s0;
	_ =	swait.ge [sflag:s19], $0x1000  }
.Ltmp12:
0x52d: {  	[sflag:s19] =	ssyncset.done $0x0;
	(pc) =	sbr.rel @p0 .LBB2_26-.Ltmp12, $4  }
0x52e: {  	s2 =	sadd.s32 s2, s17;
	[sflag:s19] =	ssyncadd.s32 $0xFFFFF000  }
0x52f: {  	[hbm4b:s2+s4] =	stream.linear.scatter [tilespmem:s20], [sflag:$0x2], $0x1000, $0x38;
	[tilespmem:$0x1B2C0] =	vst v63  }
0x530: {  	_ =	swait.ge [sflag:s19], $0x1000  }
0x531: {  	[sflag:s19] =	ssyncset.done $0x0  }
0x532: {  	s1 =	rddreg [dreg:$0x5]  }
0x533: {  	s0 =	rddreg [dreg:$0x4];
	s1 =	sadd.s32 $0x1, s1  }
0x534: {  	p0 =	sne.s32 s1, s0  }
.Ltmp13:
0x535: {  	_ = 	snop;
	(pc) =	sbr.rel @p0 .LBB2_1-.Ltmp13, $2  }
0x536: {  	_ =	sdelay $0x2  }
0x537: {  	[sflag:s19] =	ssyncadd.s32 $0xFFFFF000  }
0x538: {  	_ =	sfence.sel $0x180000  }
0x539: {  	[bflag:$0x0] =	sbarrier.arrive $0xFFFF  }
0x53a: {  	_ =	strace $0x90000047  }
0x53b: {  	s0 =	stileid.u32;
	[bflag:$0x2] =	sbarrier.arrive $0xFFFF  }
0x53c: {  	p0 =	sne.s32 s0, $0x0;
	s0 =	rddreg [dreg:$0x3]  }
0x53d: {  	s0 =	sadd.s32 @!p0 $0x100000, s0  }
0x53e: {  	[sflag:s0] =	ssyncadd.tile.s32 @!p0 $0x1;
	_ =	shalt  }
.Lfunc_end2:
_tile_overlayer_lowered:
.L_overlay_start_2:
0x53f: {  	(tag) =	ssettag $0x2  }
0x540: {  	s0 =	rddreg [dreg:$0x0];
	s2 =	stileid.u32  }
0x541: {  	s1 =	rddreg [dreg:$0x1];
	p0 =	sne.s32 s2, $0x0  }
0x542: {  	s3 =	rddreg [dreg:$0x2];
	[bflag:$0x3] =	sbarrier.arrive $0xFFFF;
	s2 =	simm.s32 @!p0 $0x1C02  }
0x543: {  	[timem:s3], [sflag:s2] =	dma.local @!p0 [hbm:s0], s1  }
0x544: {  	s0 =	simm.s32 @!p0 $0x2  }
0x545: {  	_ =	swait.ge @!p0 [sflag:s0], s1  }
0x546: {  	s1 =	ssub.s32 @!p0 $0x0, s1;
	[sflag:s0] =	ssyncset.done @!p0 $0x0  }
0x547: {  	[sflag:s0] =	ssyncadd.s32 @!p0 s1  }
0x548: {  	[bflag:$0x3] =	sbarrier.arrive $0xFFFF  }
0x549: {  	_ =	shalt  }

</sc_bundles>
